<compile_context>
chip_gen: v7x
topology: tpu7x:2x2x1
jax: 0.10.2.dev20260603
libtpu: 0.0.44.dev20260713+nightly
codegen_flags: <defaults>
</compile_context>

<pallas_src>
import functools

import numpy as np
import jax
import jax.numpy as jnp
from jax import lax
from jax.experimental import pallas as pl
from jax.experimental.pallas import tpu as pltpu
from jax.experimental.pallas import tpu_sc as plsc

B, F, L, V, D = 4096, 26, 50, 100000, 64
NC, NS = 2, 16
NW = NC * NS
BPW = B // NW
BH = B // 2
BPWH = BH // NW
SP_STRIPS = BPWH * F // 128
SQ_STRIPS = BPW * L // 128
SQ_PAD = 56
NQ = D // 16
NBUF = 4


def _ring_phase(n, rows, gs, ss, gath, store, drain):
    for t in range(NBUF - 1):
        gath(t, rows[t], gs[t])

    def _group(p, carry):
        for j in range(NBUF):
            tt = NBUF * p + j
            drain(gs[j], rows[j])
            store(tt, rows[j], ss[j])
            jn = (j + NBUF - 1) % NBUF

            @pl.when(tt + NBUF - 1 < n)
            def _():
                @pl.when(tt >= 1)
                def _():
                    drain(ss[jn], rows[jn])
                gath(tt + NBUF - 1, rows[jn], gs[jn])
        return carry
    lax.fori_loop(0, n // NBUF, _group, 0)
    for j in range(n % NBUF):
        drain(gs[j], rows[j])
        store((n // NBUF) * NBUF + j, rows[j], ss[j])
    for j in range(NBUF):
        drain(ss[j], rows[j])


@functools.lru_cache(maxsize=1)
def _qdst_array():
    j = np.arange(B * L, dtype=np.int32)
    b = j // L
    qdst = (((b // BPW) // NC) * BPW + (b % BPW)).astype(np.int32).reshape(NW, SQ_STRIPS, 128)
    qdst = np.pad(qdst, ((0, 0), (0, SQ_PAD - SQ_STRIPS), (0, 0))).reshape(NW * SQ_PAD, 128)
    return qdst


_MESH = plsc.VectorSubcoreMesh(core_axis_name="c", subcore_axis_name="s")
_PARAMS = pltpu.CompilerParams(use_tc_tiling_on_sc=False)


def _make_sparse_body(sample_base):
    def _sparse_body(idx1, tsp, out, sidx, *bufs):
        rows, gs, ss = bufs[:NBUF], bufs[NBUF:2 * NBUF], bufs[2 * NBUF:]
        c = lax.axis_index("c")
        s = lax.axis_index("s")
        w = s * NC + c
        ibase = sample_base * F + w * (SP_STRIPS * 128)
        obase = w * (SP_STRIPS * 128)

        def drain(sem, dst):
            pltpu.make_async_copy(tsp.at[pl.ds(0, 128)], dst, sem).wait()

        pltpu.sync_copy(
            idx1.at[pl.ds(pl.multiple_of(ibase, 128), SP_STRIPS * 128)], sidx)

        def gath(t, dst, sem):
            gi = sidx.at[pl.ds(pl.multiple_of(t * 128, 128), 128)]
            pltpu.async_copy(tsp.at[gi], dst, sem)

        def store(t, src, sem):
            pltpu.async_copy(
                src, out.at[pl.ds(pl.multiple_of(obase + t * 128, 128), 128)], sem)

        _ring_phase(SP_STRIPS, rows, gs, ss, gath, store, drain)
    return _sparse_body


def _seq_body(hist1, tsq, qdst2, out, hidx, qdstv, *bufs):
    rows = bufs[:NBUF]
    acc, shacc = bufs[NBUF], bufs[NBUF + 1]
    gs = bufs[NBUF + 2:2 * NBUF + 2]
    ss = bufs[2 * NBUF + 2:]
    g0, g1 = gs[0], gs[1]
    c = lax.axis_index("c")
    s = lax.axis_index("s")
    w = s * NC + c

    def drain(sem, dst):
        pltpu.make_async_copy(tsq.at[pl.ds(0, 128)], dst, sem).wait()

    st0 = pltpu.async_copy(
        hist1.at[pl.ds(pl.multiple_of(w * (SQ_STRIPS * 128), 128), SQ_STRIPS * 128)],
        hidx, g0)
    st1 = pltpu.async_copy(qdst2.at[pl.ds(pl.multiple_of(w * SQ_PAD, 8), SQ_PAD)], qdstv, g1)

    def _zero(r, carry):
        for q in range(NQ):
            acc[r, pl.ds(q * 16, 16)] = jnp.zeros((16,), jnp.float32)
        return carry
    lax.fori_loop(0, BPW, _zero, 0)
    st0.wait()
    st1.wait()
    pltpu.sync_copy(acc, shacc.at[pl.ds(s * BPW, BPW)])

    def gath(t, dst, sem):
        gi = hidx.at[pl.ds(pl.multiple_of(t * 128, 128), 128)]
        pltpu.async_copy(tsq.at[gi], dst, sem)

    def store(t, src, sem):
        pltpu.async_copy(src, shacc.at[qdstv.at[t]], sem, add=True)

    _ring_phase(SQ_STRIPS, rows, gs, ss, gath, store, drain)

    pltpu.sync_copy(shacc.at[pl.ds(s * BPW, BPW)], acc)

    def _scale(r, carry):
        for q in range(NQ):
            acc[r, pl.ds(q * 16, 16)] = acc[r, pl.ds(q * 16, 16)] * (1.0 / L)
        return carry
    lax.fori_loop(0, BPW, _scale, 0)
    pltpu.sync_copy(acc, out.at[pl.ds(pl.multiple_of(w * BPW, 128), BPW)])


def _make_sparse_call(sample_base):
    return functools.partial(
        pl.kernel,
        out_type=jax.ShapeDtypeStruct((BH * F, D), jnp.float32),
        mesh=_MESH,
        compiler_params=_PARAMS,
        scratch_types=(
            [pltpu.VMEM((SP_STRIPS * 128,), jnp.int32)]
            + [pltpu.VMEM((128, D), jnp.float32)] * NBUF
            + [pltpu.SemaphoreType.DMA] * (2 * NBUF)
        ),
    )(_make_sparse_body(sample_base))


_sparse_call_0 = _make_sparse_call(0)
_sparse_call_1 = _make_sparse_call(BH)

_seq_call = functools.partial(
    pl.kernel,
    out_type=jax.ShapeDtypeStruct((B, D), jnp.float32),
    mesh=_MESH,
    compiler_params=_PARAMS,
    scratch_types=(
        [
            pltpu.VMEM((SQ_STRIPS * 128,), jnp.int32),
            pltpu.VMEM((SQ_PAD, 128), jnp.int32),
        ]
        + [pltpu.VMEM((128, D), jnp.float32)] * NBUF
        + [
            pltpu.VMEM((BPW, D), jnp.float32),
            pltpu.VMEM_SHARED((NS * BPW, D), jnp.float32),
        ]
        + [pltpu.SemaphoreType.DMA] * (2 * NBUF)
    ),
)(_seq_body)


def kernel(indices, hist, table_sparse, table_seq):
    idx1 = indices.astype(jnp.int32).reshape(-1)
    hist1 = hist.astype(jnp.int32).reshape(-1)
    sp1 = _sparse_call_0(idx1, table_sparse)
    sp2 = _sparse_call_1(idx1, table_sparse)
    pool = _seq_call(hist1, table_seq, jnp.asarray(_qdst_array()))
    sp = jnp.concatenate(
        [sp1.reshape(BH, F * D), sp2.reshape(BH, F * D)], axis=0)
    return jnp.concatenate([sp, pool], axis=-1)

# --- scband reference (transcript-rebuilt; emitter-appended) ---
"""Pipeline reference for scband-dil-67851893342648 (READ-ONLY COPY).

The authoritative reference and input builder live on the scoring server;
editing this copy changes nothing except your own understanding.
"""

import jax, jax.numpy as jnp
import numpy as np

B, F, L, V, D = 4096, 26, 50, 100000, 64

def setup_inputs(seed: int = 0) -> dict:
    key = jax.random.key(seed)
    k1, k2, k3, k4 = jax.random.split(key, 4)
    indices = jax.random.randint(k1, (B, F), 0, V)
    hist = jax.random.randint(k2, (B, L), 0, V)
    table_sparse = jax.random.normal(k3, (V, D), dtype=jnp.float32) * 0.0001
    table_seq = jax.random.normal(k4, (V, D), dtype=jnp.float32) * 0.0001
    return {"indices": indices, "hist": hist, "table_sparse": table_sparse, "table_seq": table_seq}

def reference(indices, hist, table_sparse, table_seq):
    # sparse feature embedding lookups (per-field F.embedding in input_from_feature_columns)
    sparse_emb = jnp.take(table_sparse, indices, axis=0)  # [B, F, D]
    # varlen sequence embedding lookup (varlen_embedding_lookup_fast)
    seq_emb = jnp.take(table_seq, hist, axis=0)  # [B, L, D]
    # mean pooling over the sequence (get_varlen_pooling_list)
    pooled = jnp.mean(seq_emb, axis=1, keepdims=True)  # [B, 1, D]
    out = jnp.concatenate([sparse_emb.reshape(B, -1), pooled.reshape(B, -1)], axis=-1)  # [B, (F+1)*D]
    return out

if __name__ == "__main__":
    import jax
    _d = setup_inputs()
    print(jax.jit(kernel)(*tuple(_d.values())))

</pallas_src>

<mosaic_0001>
#map = affine_map<(d0, d1) -> (0)>
#map1 = affine_map<(d0, d1) -> (0, 0)>
module attributes {stable_mosaic.version = 14 : i64} {
  func.func @_sparse_body(%arg0: i32, %arg1: i32, %arg2: memref<106496xi32, #tpu.memory_space<hbm>>, %arg3: memref<100000x64xf32, #tpu.memory_space<hbm>>, %arg4: memref<53248x64xf32, #tpu.memory_space<hbm>>, %arg5: memref<1664xi32, #tpu.memory_space<vmem>>, %arg6: memref<128x64xf32, #tpu.memory_space<vmem>>, %arg7: memref<128x64xf32, #tpu.memory_space<vmem>>, %arg8: memref<128x64xf32, #tpu.memory_space<vmem>>, %arg9: memref<128x64xf32, #tpu.memory_space<vmem>>, %arg10: memref<!tpu.dma_semaphore, #tpu.memory_space<semaphore_mem>>, %arg11: memref<!tpu.dma_semaphore, #tpu.memory_space<semaphore_mem>>, %arg12: memref<!tpu.dma_semaphore, #tpu.memory_space<semaphore_mem>>, %arg13: memref<!tpu.dma_semaphore, #tpu.memory_space<semaphore_mem>>, %arg14: memref<!tpu.dma_semaphore, #tpu.memory_space<semaphore_mem>>, %arg15: memref<!tpu.dma_semaphore, #tpu.memory_space<semaphore_mem>>, %arg16: memref<!tpu.dma_semaphore, #tpu.memory_space<semaphore_mem>>, %arg17: memref<!tpu.dma_semaphore, #tpu.memory_space<semaphore_mem>>) attributes {dimension_semantics = [#tpu.dimension_semantics<core_parallel>, #tpu.dimension_semantics<subcore_parallel>], iteration_bounds = array<i64: 2, 16>, scalar_prefetch = 0 : i64, scratch_operands = 13 : i64, tpu.core_type = #tpu.core_type<sc_vector_subcore>, window_params = [{transform_indices = #map}, {transform_indices = #map1}, {transform_indices = #map1}]} {
    %mul3A = arith.constant 2 : i32
    %mul3A_0 = arith.muli %arg1, %mul3A : i32
    %add3A = arith.addi %mul3A_0, %arg0 : i32
    %mul3A_1 = arith.constant 1664 : i32
    %mul3A_2 = arith.muli %add3A, %mul3A_1 : i32
    %add3A_3 = arith.constant 53248 : i32
    %add3A_4 = arith.addi %add3A_3, %mul3A_2 : i32
    %mul3A_5 = arith.constant 1664 : i32
    %mul3A_6 = arith.muli %add3A, %mul3A_5 : i32
    %multiple_of3A = tpu.assume_multiple %add3A_4, 128 : i32
    "tpu.region"() ({
      %run_scoped3A = tpu.sem_alloc : memref<!tpu.dma_semaphore, #tpu.memory_space<semaphore_mem>>
      %dma_start3A_65 = tpu.memref_slice %arg2[%multiple_of3A] : memref<106496xi32, #tpu.memory_space<hbm>> -> memref<1664xi32, #tpu.memory_space<hbm>>
      %dma_start3A_66 = tpu.memref_slice %arg2[%multiple_of3A] : memref<106496xi32, #tpu.memory_space<hbm>> -> memref<1664xi32, #tpu.memory_space<hbm>>
      tpu.enqueue_dma source(%dma_start3A_66 : memref<1664xi32, #tpu.memory_space<hbm>>) target(%arg5 : memref<1664xi32, #tpu.memory_space<vmem>>) target_semaphore(%run_scoped3A : memref<!tpu.dma_semaphore, #tpu.memory_space<semaphore_mem>>)
      %dma_wait3A_67 = tpu.memref_slice %arg2[%multiple_of3A] : memref<106496xi32, #tpu.memory_space<hbm>> -> memref<1664xi32, #tpu.memory_space<hbm>>
      %dma_wait3A_68 = tpu.memref_slice %arg2[%multiple_of3A] : memref<106496xi32, #tpu.memory_space<hbm>> -> memref<1664xi32, #tpu.memory_space<hbm>>
      tpu.wait_dma2 semaphore(%run_scoped3A : memref<!tpu.dma_semaphore, #tpu.memory_space<semaphore_mem>>) src(%dma_wait3A_68 : memref<1664xi32, #tpu.memory_space<hbm>>) dst(%arg5 : memref<1664xi32, #tpu.memory_space<vmem>>)
      tpu.yield
    }) : () -> ()
    %multiple_of3A_7 = arith.constant 0 : i32
    %multiple_of3A_8 = tpu.assume_multiple %multiple_of3A_7, 128 : i32
    %dma_start3A = tpu.memref_slice %arg5[%multiple_of3A_8] : memref<1664xi32, #tpu.memory_space<vmem>> -> memref<128xi32, #tpu.memory_space<vmem>>
    %dma_start3A_9 = arith.constant 0 : i32
    %dma_start3A_10 = arith.constant 0 : i32
    %dma_start3A_11 = tpu.memref_slice %arg3[%dma_start3A_9, %dma_start3A_10] : memref<100000x64xf32, #tpu.memory_space<hbm>> -> memref<100000x64xf32, #tpu.memory_space<hbm>>
    tpu.enqueue_indirect_dma source(%dma_start3A_11 : memref<100000x64xf32, #tpu.memory_space<hbm>>) target(%arg6 : memref<128x64xf32, #tpu.memory_space<vmem>>) offsets(%dma_start3A : memref<128xi32, #tpu.memory_space<vmem>>) semaphore(%arg10 : memref<!tpu.dma_semaphore, #tpu.memory_space<semaphore_mem>>)
    %multiple_of3A_12 = arith.constant 128 : i32
    %multiple_of3A_13 = tpu.assume_multiple %multiple_of3A_12, 128 : i32
    %dma_start3A_14 = tpu.memref_slice %arg5[%multiple_of3A_13] : memref<1664xi32, #tpu.memory_space<vmem>> -> memref<128xi32, #tpu.memory_space<vmem>>
    %dma_start3A_15 = arith.constant 0 : i32
    %dma_start3A_16 = arith.constant 0 : i32
    %dma_start3A_17 = tpu.memref_slice %arg3[%dma_start3A_15, %dma_start3A_16] : memref<100000x64xf32, #tpu.memory_space<hbm>> -> memref<100000x64xf32, #tpu.memory_space<hbm>>
    tpu.enqueue_indirect_dma source(%dma_start3A_17 : memref<100000x64xf32, #tpu.memory_space<hbm>>) target(%arg7 : memref<128x64xf32, #tpu.memory_space<vmem>>) offsets(%dma_start3A_14 : memref<128xi32, #tpu.memory_space<vmem>>) semaphore(%arg11 : memref<!tpu.dma_semaphore, #tpu.memory_space<semaphore_mem>>)
    %multiple_of3A_18 = arith.constant 256 : i32
    %multiple_of3A_19 = tpu.assume_multiple %multiple_of3A_18, 128 : i32
    %dma_start3A_20 = tpu.memref_slice %arg5[%multiple_of3A_19] : memref<1664xi32, #tpu.memory_space<vmem>> -> memref<128xi32, #tpu.memory_space<vmem>>
    %dma_start3A_21 = arith.constant 0 : i32
    %dma_start3A_22 = arith.constant 0 : i32
    %dma_start3A_23 = tpu.memref_slice %arg3[%dma_start3A_21, %dma_start3A_22] : memref<100000x64xf32, #tpu.memory_space<hbm>> -> memref<100000x64xf32, #tpu.memory_space<hbm>>
    tpu.enqueue_indirect_dma source(%dma_start3A_23 : memref<100000x64xf32, #tpu.memory_space<hbm>>) target(%arg8 : memref<128x64xf32, #tpu.memory_space<vmem>>) offsets(%dma_start3A_20 : memref<128xi32, #tpu.memory_space<vmem>>) semaphore(%arg12 : memref<!tpu.dma_semaphore, #tpu.memory_space<semaphore_mem>>)
    %scan3A = arith.constant 0 : i32
    %scan3A_24 = arith.constant 0 : i32
    %scan3A_25 = arith.constant 3 : i32
    %scan3A_26 = arith.addi %scan3A_24, %scan3A_25 : i32
    %scan3A_27 = arith.constant 1 : i32
    scf.for %scan3A_65 = %scan3A_24 to %scan3A_26 step %scan3A_27  : i32 {
      %mul3A_66 = arith.constant 4 : i32
      %mul3A_67 = arith.muli %mul3A_66, %scan3A_65 : i32
      %add3A_68 = arith.constant 0 : i32
      %add3A_69 = arith.addi %mul3A_67, %add3A_68 : i32
      %dma_wait3A_70 = arith.constant 0 : i32
      %dma_wait3A_71 = arith.constant 0 : i32
      %dma_wait3A_72 = tpu.memref_slice %arg3[%dma_wait3A_70, %dma_wait3A_71] : memref<100000x64xf32, #tpu.memory_space<hbm>> -> memref<128x64xf32, #tpu.memory_space<hbm>>
      %dma_wait3A_73 = arith.constant 0 : i32
      %dma_wait3A_74 = arith.constant 0 : i32
      %dma_wait3A_75 = tpu.memref_slice %arg3[%dma_wait3A_73, %dma_wait3A_74] : memref<100000x64xf32, #tpu.memory_space<hbm>> -> memref<128x64xf32, #tpu.memory_space<hbm>>
      tpu.wait_dma2 semaphore(%arg10 : memref<!tpu.dma_semaphore, #tpu.memory_space<semaphore_mem>>) src(%dma_wait3A_75 : memref<128x64xf32, #tpu.memory_space<hbm>>) dst(%arg6 : memref<128x64xf32, #tpu.memory_space<vmem>>)
      %mul3A_76 = arith.constant 128 : i32
      %mul3A_77 = arith.muli %add3A_69, %mul3A_76 : i32
      %add3A_78 = arith.addi %mul3A_6, %mul3A_77 : i32
      %multiple_of3A_79 = tpu.assume_multiple %add3A_78, 128 : i32
      %dma_start3A_80 = arith.constant 0 : i32
      %dma_start3A_81 = tpu.memref_slice %arg4[%multiple_of3A_79, %dma_start3A_80] : memref<53248x64xf32, #tpu.memory_space<hbm>> -> memref<128x64xf32, #tpu.memory_space<hbm>>
      %dma_start3A_82 = arith.constant 0 : i32
      %dma_start3A_83 = tpu.memref_slice %arg4[%multiple_of3A_79, %dma_start3A_82] : memref<53248x64xf32, #tpu.memory_space<hbm>> -> memref<128x64xf32, #tpu.memory_space<hbm>>
      tpu.enqueue_dma source(%arg6 : memref<128x64xf32, #tpu.memory_space<vmem>>) target(%dma_start3A_83 : memref<128x64xf32, #tpu.memory_space<hbm>>) target_semaphore(%arg14 : memref<!tpu.dma_semaphore, #tpu.memory_space<semaphore_mem>>)
      %add3A_84 = arith.constant 4 : i32
      %add3A_85 = arith.addi %add3A_69, %add3A_84 : i32
      %sub3A = arith.constant 1 : i32
      %sub3A_86 = arith.subi %add3A_85, %sub3A : i32
      %lt3A = arith.constant 13 : i32
      %lt3A_87 = arith.cmpi slt, %sub3A_86, %lt3A : i32
      %convert_element_type3A = arith.extui %lt3A_87 : i1 to i32
      %cond3A = arith.constant 0 : i32
      %cond3A_88 = arith.cmpi ne, %convert_element_type3A, %cond3A : i32
      scf.if %cond3A_88 {
        %ge3A = arith.constant 1 : i32
        %ge3A_170 = arith.cmpi sge, %add3A_69, %ge3A : i32
        %convert_element_type3A_171 = arith.extui %ge3A_170 : i1 to i32
        %cond3A_172 = arith.constant 0 : i32
        %cond3A_173 = arith.cmpi ne, %convert_element_type3A_171, %cond3A_172 : i32
        scf.if %cond3A_173 {
          %dma_wait3A_185 = arith.constant 0 : i32
          %dma_wait3A_186 = arith.constant 0 : i32
          %dma_wait3A_187 = tpu.memref_slice %arg3[%dma_wait3A_185, %dma_wait3A_186] : memref<100000x64xf32, #tpu.memory_space<hbm>> -> memref<128x64xf32, #tpu.memory_space<hbm>>
          %dma_wait3A_188 = arith.constant 0 : i32
          %dma_wait3A_189 = arith.constant 0 : i32
          %dma_wait3A_190 = tpu.memref_slice %arg3[%dma_wait3A_188, %dma_wait3A_189] : memref<100000x64xf32, #tpu.memory_space<hbm>> -> memref<128x64xf32, #tpu.memory_space<hbm>>
          tpu.wait_dma2 semaphore(%arg17 : memref<!tpu.dma_semaphore, #tpu.memory_space<semaphore_mem>>) src(%dma_wait3A_190 : memref<128x64xf32, #tpu.memory_space<hbm>>) dst(%arg9 : memref<128x64xf32, #tpu.memory_space<vmem>>)
        } else {
        }
        %add3A_174 = arith.constant 4 : i32
        %add3A_175 = arith.addi %add3A_69, %add3A_174 : i32
        %sub3A_176 = arith.constant 1 : i32
        %sub3A_177 = arith.subi %add3A_175, %sub3A_176 : i32
        %mul3A_178 = arith.constant 128 : i32
        %mul3A_179 = arith.muli %sub3A_177, %mul3A_178 : i32
        %multiple_of3A_180 = tpu.assume_multiple %mul3A_179, 128 : i32
        %dma_start3A_181 = tpu.memref_slice %arg5[%multiple_of3A_180] : memref<1664xi32, #tpu.memory_space<vmem>> -> memref<128xi32, #tpu.memory_space<vmem>>
        %dma_start3A_182 = arith.constant 0 : i32
        %dma_start3A_183 = arith.constant 0 : i32
        %dma_start3A_184 = tpu.memref_slice %arg3[%dma_start3A_182, %dma_start3A_183] : memref<100000x64xf32, #tpu.memory_space<hbm>> -> memref<100000x64xf32, #tpu.memory_space<hbm>>
        tpu.enqueue_indirect_dma source(%dma_start3A_184 : memref<100000x64xf32, #tpu.memory_space<hbm>>) target(%arg9 : memref<128x64xf32, #tpu.memory_space<vmem>>) offsets(%dma_start3A_181 : memref<128xi32, #tpu.memory_space<vmem>>) semaphore(%arg13 : memref<!tpu.dma_semaphore, #tpu.memory_space<semaphore_mem>>)
      } else {
      }
      %mul3A_89 = arith.constant 4 : i32
      %mul3A_90 = arith.muli %mul3A_89, %scan3A_65 : i32
      %add3A_91 = arith.constant 1 : i32
      %add3A_92 = arith.addi %mul3A_90, %add3A_91 : i32
      %dma_wait3A_93 = arith.constant 0 : i32
      %dma_wait3A_94 = arith.constant 0 : i32
      %dma_wait3A_95 = tpu.memref_slice %arg3[%dma_wait3A_93, %dma_wait3A_94] : memref<100000x64xf32, #tpu.memory_space<hbm>> -> memref<128x64xf32, #tpu.memory_space<hbm>>
      %dma_wait3A_96 = arith.constant 0 : i32
      %dma_wait3A_97 = arith.constant 0 : i32
      %dma_wait3A_98 = tpu.memref_slice %arg3[%dma_wait3A_96, %dma_wait3A_97] : memref<100000x64xf32, #tpu.memory_space<hbm>> -> memref<128x64xf32, #tpu.memory_space<hbm>>
      tpu.wait_dma2 semaphore(%arg11 : memref<!tpu.dma_semaphore, #tpu.memory_space<semaphore_mem>>) src(%dma_wait3A_98 : memref<128x64xf32, #tpu.memory_space<hbm>>) dst(%arg7 : memref<128x64xf32, #tpu.memory_space<vmem>>)
      %mul3A_99 = arith.constant 128 : i32
      %mul3A_100 = arith.muli %add3A_92, %mul3A_99 : i32
      %add3A_101 = arith.addi %mul3A_6, %mul3A_100 : i32
      %multiple_of3A_102 = tpu.assume_multiple %add3A_101, 128 : i32
      %dma_start3A_103 = arith.constant 0 : i32
      %dma_start3A_104 = tpu.memref_slice %arg4[%multiple_of3A_102, %dma_start3A_103] : memref<53248x64xf32, #tpu.memory_space<hbm>> -> memref<128x64xf32, #tpu.memory_space<hbm>>
      %dma_start3A_105 = arith.constant 0 : i32
      %dma_start3A_106 = tpu.memref_slice %arg4[%multiple_of3A_102, %dma_start3A_105] : memref<53248x64xf32, #tpu.memory_space<hbm>> -> memref<128x64xf32, #tpu.memory_space<hbm>>
      tpu.enqueue_dma source(%arg7 : memref<128x64xf32, #tpu.memory_space<vmem>>) target(%dma_start3A_106 : memref<128x64xf32, #tpu.memory_space<hbm>>) target_semaphore(%arg15 : memref<!tpu.dma_semaphore, #tpu.memory_space<semaphore_mem>>)
      %add3A_107 = arith.constant 4 : i32
      %add3A_108 = arith.addi %add3A_92, %add3A_107 : i32
      %sub3A_109 = arith.constant 1 : i32
      %sub3A_110 = arith.subi %add3A_108, %sub3A_109 : i32
      %lt3A_111 = arith.constant 13 : i32
      %lt3A_112 = arith.cmpi slt, %sub3A_110, %lt3A_111 : i32
      %convert_element_type3A_113 = arith.extui %lt3A_112 : i1 to i32
      %cond3A_114 = arith.constant 0 : i32
      %cond3A_115 = arith.cmpi ne, %convert_element_type3A_113, %cond3A_114 : i32
      scf.if %cond3A_115 {
        %ge3A = arith.constant 1 : i32
        %ge3A_170 = arith.cmpi sge, %add3A_92, %ge3A : i32
        %convert_element_type3A_171 = arith.extui %ge3A_170 : i1 to i32
        %cond3A_172 = arith.constant 0 : i32
        %cond3A_173 = arith.cmpi ne, %convert_element_type3A_171, %cond3A_172 : i32
        scf.if %cond3A_173 {
          %dma_wait3A_185 = arith.constant 0 : i32
          %dma_wait3A_186 = arith.constant 0 : i32
          %dma_wait3A_187 = tpu.memref_slice %arg3[%dma_wait3A_185, %dma_wait3A_186] : memref<100000x64xf32, #tpu.memory_space<hbm>> -> memref<128x64xf32, #tpu.memory_space<hbm>>
          %dma_wait3A_188 = arith.constant 0 : i32
          %dma_wait3A_189 = arith.constant 0 : i32
          %dma_wait3A_190 = tpu.memref_slice %arg3[%dma_wait3A_188, %dma_wait3A_189] : memref<100000x64xf32, #tpu.memory_space<hbm>> -> memref<128x64xf32, #tpu.memory_space<hbm>>
          tpu.wait_dma2 semaphore(%arg14 : memref<!tpu.dma_semaphore, #tpu.memory_space<semaphore_mem>>) src(%dma_wait3A_190 : memref<128x64xf32, #tpu.memory_space<hbm>>) dst(%arg6 : memref<128x64xf32, #tpu.memory_space<vmem>>)
        } else {
        }
        %add3A_174 = arith.constant 4 : i32
        %add3A_175 = arith.addi %add3A_92, %add3A_174 : i32
        %sub3A_176 = arith.constant 1 : i32
        %sub3A_177 = arith.subi %add3A_175, %sub3A_176 : i32
        %mul3A_178 = arith.constant 128 : i32
        %mul3A_179 = arith.muli %sub3A_177, %mul3A_178 : i32
        %multiple_of3A_180 = tpu.assume_multiple %mul3A_179, 128 : i32
        %dma_start3A_181 = tpu.memref_slice %arg5[%multiple_of3A_180] : memref<1664xi32, #tpu.memory_space<vmem>> -> memref<128xi32, #tpu.memory_space<vmem>>
        %dma_start3A_182 = arith.constant 0 : i32
        %dma_start3A_183 = arith.constant 0 : i32
        %dma_start3A_184 = tpu.memref_slice %arg3[%dma_start3A_182, %dma_start3A_183] : memref<100000x64xf32, #tpu.memory_space<hbm>> -> memref<100000x64xf32, #tpu.memory_space<hbm>>
        tpu.enqueue_indirect_dma source(%dma_start3A_184 : memref<100000x64xf32, #tpu.memory_space<hbm>>) target(%arg6 : memref<128x64xf32, #tpu.memory_space<vmem>>) offsets(%dma_start3A_181 : memref<128xi32, #tpu.memory_space<vmem>>) semaphore(%arg10 : memref<!tpu.dma_semaphore, #tpu.memory_space<semaphore_mem>>)
      } else {
      }
      %mul3A_116 = arith.constant 4 : i32
      %mul3A_117 = arith.muli %mul3A_116, %scan3A_65 : i32
      %add3A_118 = arith.constant 2 : i32
      %add3A_119 = arith.addi %mul3A_117, %add3A_118 : i32
      %dma_wait3A_120 = arith.constant 0 : i32
      %dma_wait3A_121 = arith.constant 0 : i32
      %dma_wait3A_122 = tpu.memref_slice %arg3[%dma_wait3A_120, %dma_wait3A_121] : memref<100000x64xf32, #tpu.memory_space<hbm>> -> memref<128x64xf32, #tpu.memory_space<hbm>>
      %dma_wait3A_123 = arith.constant 0 : i32
      %dma_wait3A_124 = arith.constant 0 : i32
      %dma_wait3A_125 = tpu.memref_slice %arg3[%dma_wait3A_123, %dma_wait3A_124] : memref<100000x64xf32, #tpu.memory_space<hbm>> -> memref<128x64xf32, #tpu.memory_space<hbm>>
      tpu.wait_dma2 semaphore(%arg12 : memref<!tpu.dma_semaphore, #tpu.memory_space<semaphore_mem>>) src(%dma_wait3A_125 : memref<128x64xf32, #tpu.memory_space<hbm>>) dst(%arg8 : memref<128x64xf32, #tpu.memory_space<vmem>>)
      %mul3A_126 = arith.constant 128 : i32
      %mul3A_127 = arith.muli %add3A_119, %mul3A_126 : i32
      %add3A_128 = arith.addi %mul3A_6, %mul3A_127 : i32
      %multiple_of3A_129 = tpu.assume_multiple %add3A_128, 128 : i32
      %dma_start3A_130 = arith.constant 0 : i32
      %dma_start3A_131 = tpu.memref_slice %arg4[%multiple_of3A_129, %dma_start3A_130] : memref<53248x64xf32, #tpu.memory_space<hbm>> -> memref<128x64xf32, #tpu.memory_space<hbm>>
      %dma_start3A_132 = arith.constant 0 : i32
      %dma_start3A_133 = tpu.memref_slice %arg4[%multiple_of3A_129, %dma_start3A_132] : memref<53248x64xf32, #tpu.memory_space<hbm>> -> memref<128x64xf32, #tpu.memory_space<hbm>>
      tpu.enqueue_dma source(%arg8 : memref<128x64xf32, #tpu.memory_space<vmem>>) target(%dma_start3A_133 : memref<128x64xf32, #tpu.memory_space<hbm>>) target_semaphore(%arg16 : memref<!tpu.dma_semaphore, #tpu.memory_space<semaphore_mem>>)
      %add3A_134 = arith.constant 4 : i32
      %add3A_135 = arith.addi %add3A_119, %add3A_134 : i32
      %sub3A_136 = arith.constant 1 : i32
      %sub3A_137 = arith.subi %add3A_135, %sub3A_136 : i32
      %lt3A_138 = arith.constant 13 : i32
      %lt3A_139 = arith.cmpi slt, %sub3A_137, %lt3A_138 : i32
      %convert_element_type3A_140 = arith.extui %lt3A_139 : i1 to i32
      %cond3A_141 = arith.constant 0 : i32
      %cond3A_142 = arith.cmpi ne, %convert_element_type3A_140, %cond3A_141 : i32
      scf.if %cond3A_142 {
        %ge3A = arith.constant 1 : i32
        %ge3A_170 = arith.cmpi sge, %add3A_119, %ge3A : i32
        %convert_element_type3A_171 = arith.extui %ge3A_170 : i1 to i32
        %cond3A_172 = arith.constant 0 : i32
        %cond3A_173 = arith.cmpi ne, %convert_element_type3A_171, %cond3A_172 : i32
        scf.if %cond3A_173 {
          %dma_wait3A_185 = arith.constant 0 : i32
          %dma_wait3A_186 = arith.constant 0 : i32
          %dma_wait3A_187 = tpu.memref_slice %arg3[%dma_wait3A_185, %dma_wait3A_186] : memref<100000x64xf32, #tpu.memory_space<hbm>> -> memref<128x64xf32, #tpu.memory_space<hbm>>
          %dma_wait3A_188 = arith.constant 0 : i32
          %dma_wait3A_189 = arith.constant 0 : i32
          %dma_wait3A_190 = tpu.memref_slice %arg3[%dma_wait3A_188, %dma_wait3A_189] : memref<100000x64xf32, #tpu.memory_space<hbm>> -> memref<128x64xf32, #tpu.memory_space<hbm>>
          tpu.wait_dma2 semaphore(%arg15 : memref<!tpu.dma_semaphore, #tpu.memory_space<semaphore_mem>>) src(%dma_wait3A_190 : memref<128x64xf32, #tpu.memory_space<hbm>>) dst(%arg7 : memref<128x64xf32, #tpu.memory_space<vmem>>)
        } else {
        }
        %add3A_174 = arith.constant 4 : i32
        %add3A_175 = arith.addi %add3A_119, %add3A_174 : i32
        %sub3A_176 = arith.constant 1 : i32
        %sub3A_177 = arith.subi %add3A_175, %sub3A_176 : i32
        %mul3A_178 = arith.constant 128 : i32
        %mul3A_179 = arith.muli %sub3A_177, %mul3A_178 : i32
        %multiple_of3A_180 = tpu.assume_multiple %mul3A_179, 128 : i32
        %dma_start3A_181 = tpu.memref_slice %arg5[%multiple_of3A_180] : memref<1664xi32, #tpu.memory_space<vmem>> -> memref<128xi32, #tpu.memory_space<vmem>>
        %dma_start3A_182 = arith.constant 0 : i32
        %dma_start3A_183 = arith.constant 0 : i32
        %dma_start3A_184 = tpu.memref_slice %arg3[%dma_start3A_182, %dma_start3A_183] : memref<100000x64xf32, #tpu.memory_space<hbm>> -> memref<100000x64xf32, #tpu.memory_space<hbm>>
        tpu.enqueue_indirect_dma source(%dma_start3A_184 : memref<100000x64xf32, #tpu.memory_space<hbm>>) target(%arg7 : memref<128x64xf32, #tpu.memory_space<vmem>>) offsets(%dma_start3A_181 : memref<128xi32, #tpu.memory_space<vmem>>) semaphore(%arg11 : memref<!tpu.dma_semaphore, #tpu.memory_space<semaphore_mem>>)
      } else {
      }
      %mul3A_143 = arith.constant 4 : i32
      %mul3A_144 = arith.muli %mul3A_143, %scan3A_65 : i32
      %add3A_145 = arith.constant 3 : i32
      %add3A_146 = arith.addi %mul3A_144, %add3A_145 : i32
      %dma_wait3A_147 = arith.constant 0 : i32
      %dma_wait3A_148 = arith.constant 0 : i32
      %dma_wait3A_149 = tpu.memref_slice %arg3[%dma_wait3A_147, %dma_wait3A_148] : memref<100000x64xf32, #tpu.memory_space<hbm>> -> memref<128x64xf32, #tpu.memory_space<hbm>>
      %dma_wait3A_150 = arith.constant 0 : i32
      %dma_wait3A_151 = arith.constant 0 : i32
      %dma_wait3A_152 = tpu.memref_slice %arg3[%dma_wait3A_150, %dma_wait3A_151] : memref<100000x64xf32, #tpu.memory_space<hbm>> -> memref<128x64xf32, #tpu.memory_space<hbm>>
      tpu.wait_dma2 semaphore(%arg13 : memref<!tpu.dma_semaphore, #tpu.memory_space<semaphore_mem>>) src(%dma_wait3A_152 : memref<128x64xf32, #tpu.memory_space<hbm>>) dst(%arg9 : memref<128x64xf32, #tpu.memory_space<vmem>>)
      %mul3A_153 = arith.constant 128 : i32
      %mul3A_154 = arith.muli %add3A_146, %mul3A_153 : i32
      %add3A_155 = arith.addi %mul3A_6, %mul3A_154 : i32
      %multiple_of3A_156 = tpu.assume_multiple %add3A_155, 128 : i32
      %dma_start3A_157 = arith.constant 0 : i32
      %dma_start3A_158 = tpu.memref_slice %arg4[%multiple_of3A_156, %dma_start3A_157] : memref<53248x64xf32, #tpu.memory_space<hbm>> -> memref<128x64xf32, #tpu.memory_space<hbm>>
      %dma_start3A_159 = arith.constant 0 : i32
      %dma_start3A_160 = tpu.memref_slice %arg4[%multiple_of3A_156, %dma_start3A_159] : memref<53248x64xf32, #tpu.memory_space<hbm>> -> memref<128x64xf32, #tpu.memory_space<hbm>>
      tpu.enqueue_dma source(%arg9 : memref<128x64xf32, #tpu.memory_space<vmem>>) target(%dma_start3A_160 : memref<128x64xf32, #tpu.memory_space<hbm>>) target_semaphore(%arg17 : memref<!tpu.dma_semaphore, #tpu.memory_space<semaphore_mem>>)
      %add3A_161 = arith.constant 4 : i32
      %add3A_162 = arith.addi %add3A_146, %add3A_161 : i32
      %sub3A_163 = arith.constant 1 : i32
      %sub3A_164 = arith.subi %add3A_162, %sub3A_163 : i32
      %lt3A_165 = arith.constant 13 : i32
      %lt3A_166 = arith.cmpi slt, %sub3A_164, %lt3A_165 : i32
      %convert_element_type3A_167 = arith.extui %lt3A_166 : i1 to i32
      %cond3A_168 = arith.constant 0 : i32
      %cond3A_169 = arith.cmpi ne, %convert_element_type3A_167, %cond3A_168 : i32
      scf.if %cond3A_169 {
        %ge3A = arith.constant 1 : i32
        %ge3A_170 = arith.cmpi sge, %add3A_146, %ge3A : i32
        %convert_element_type3A_171 = arith.extui %ge3A_170 : i1 to i32
        %cond3A_172 = arith.constant 0 : i32
        %cond3A_173 = arith.cmpi ne, %convert_element_type3A_171, %cond3A_172 : i32
        scf.if %cond3A_173 {
          %dma_wait3A_185 = arith.constant 0 : i32
          %dma_wait3A_186 = arith.constant 0 : i32
          %dma_wait3A_187 = tpu.memref_slice %arg3[%dma_wait3A_185, %dma_wait3A_186] : memref<100000x64xf32, #tpu.memory_space<hbm>> -> memref<128x64xf32, #tpu.memory_space<hbm>>
          %dma_wait3A_188 = arith.constant 0 : i32
          %dma_wait3A_189 = arith.constant 0 : i32
          %dma_wait3A_190 = tpu.memref_slice %arg3[%dma_wait3A_188, %dma_wait3A_189] : memref<100000x64xf32, #tpu.memory_space<hbm>> -> memref<128x64xf32, #tpu.memory_space<hbm>>
          tpu.wait_dma2 semaphore(%arg16 : memref<!tpu.dma_semaphore, #tpu.memory_space<semaphore_mem>>) src(%dma_wait3A_190 : memref<128x64xf32, #tpu.memory_space<hbm>>) dst(%arg8 : memref<128x64xf32, #tpu.memory_space<vmem>>)
        } else {
        }
        %add3A_174 = arith.constant 4 : i32
        %add3A_175 = arith.addi %add3A_146, %add3A_174 : i32
        %sub3A_176 = arith.constant 1 : i32
        %sub3A_177 = arith.subi %add3A_175, %sub3A_176 : i32
        %mul3A_178 = arith.constant 128 : i32
        %mul3A_179 = arith.muli %sub3A_177, %mul3A_178 : i32
        %multiple_of3A_180 = tpu.assume_multiple %mul3A_179, 128 : i32
        %dma_start3A_181 = tpu.memref_slice %arg5[%multiple_of3A_180] : memref<1664xi32, #tpu.memory_space<vmem>> -> memref<128xi32, #tpu.memory_space<vmem>>
        %dma_start3A_182 = arith.constant 0 : i32
        %dma_start3A_183 = arith.constant 0 : i32
        %dma_start3A_184 = tpu.memref_slice %arg3[%dma_start3A_182, %dma_start3A_183] : memref<100000x64xf32, #tpu.memory_space<hbm>> -> memref<100000x64xf32, #tpu.memory_space<hbm>>
        tpu.enqueue_indirect_dma source(%dma_start3A_184 : memref<100000x64xf32, #tpu.memory_space<hbm>>) target(%arg8 : memref<128x64xf32, #tpu.memory_space<vmem>>) offsets(%dma_start3A_181 : memref<128xi32, #tpu.memory_space<vmem>>) semaphore(%arg12 : memref<!tpu.dma_semaphore, #tpu.memory_space<semaphore_mem>>)
      } else {
      }
    }
    %scan3A_28 = arith.constant 3 : i32
    %dma_wait3A = arith.constant 0 : i32
    %dma_wait3A_29 = arith.constant 0 : i32
    %dma_wait3A_30 = tpu.memref_slice %arg3[%dma_wait3A, %dma_wait3A_29] : memref<100000x64xf32, #tpu.memory_space<hbm>> -> memref<128x64xf32, #tpu.memory_space<hbm>>
    %dma_wait3A_31 = arith.constant 0 : i32
    %dma_wait3A_32 = arith.constant 0 : i32
    %dma_wait3A_33 = tpu.memref_slice %arg3[%dma_wait3A_31, %dma_wait3A_32] : memref<100000x64xf32, #tpu.memory_space<hbm>> -> memref<128x64xf32, #tpu.memory_space<hbm>>
    tpu.wait_dma2 semaphore(%arg10 : memref<!tpu.dma_semaphore, #tpu.memory_space<semaphore_mem>>) src(%dma_wait3A_33 : memref<128x64xf32, #tpu.memory_space<hbm>>) dst(%arg6 : memref<128x64xf32, #tpu.memory_space<vmem>>)
    %add3A_34 = arith.constant 1536 : i32
    %add3A_35 = arith.addi %mul3A_6, %add3A_34 : i32
    %multiple_of3A_36 = tpu.assume_multiple %add3A_35, 128 : i32
    %dma_start3A_37 = arith.constant 0 : i32
    %dma_start3A_38 = tpu.memref_slice %arg4[%multiple_of3A_36, %dma_start3A_37] : memref<53248x64xf32, #tpu.memory_space<hbm>> -> memref<128x64xf32, #tpu.memory_space<hbm>>
    %dma_start3A_39 = arith.constant 0 : i32
    %dma_start3A_40 = tpu.memref_slice %arg4[%multiple_of3A_36, %dma_start3A_39] : memref<53248x64xf32, #tpu.memory_space<hbm>> -> memref<128x64xf32, #tpu.memory_space<hbm>>
    tpu.enqueue_dma source(%arg6 : memref<128x64xf32, #tpu.memory_space<vmem>>) target(%dma_start3A_40 : memref<128x64xf32, #tpu.memory_space<hbm>>) target_semaphore(%arg14 : memref<!tpu.dma_semaphore, #tpu.memory_space<semaphore_mem>>)
    %dma_wait3A_41 = arith.constant 0 : i32
    %dma_wait3A_42 = arith.constant 0 : i32
    %dma_wait3A_43 = tpu.memref_slice %arg3[%dma_wait3A_41, %dma_wait3A_42] : memref<100000x64xf32, #tpu.memory_space<hbm>> -> memref<128x64xf32, #tpu.memory_space<hbm>>
    %dma_wait3A_44 = arith.constant 0 : i32
    %dma_wait3A_45 = arith.constant 0 : i32
    %dma_wait3A_46 = tpu.memref_slice %arg3[%dma_wait3A_44, %dma_wait3A_45] : memref<100000x64xf32, #tpu.memory_space<hbm>> -> memref<128x64xf32, #tpu.memory_space<hbm>>
    tpu.wait_dma2 semaphore(%arg14 : memref<!tpu.dma_semaphore, #tpu.memory_space<semaphore_mem>>) src(%dma_wait3A_46 : memref<128x64xf32, #tpu.memory_space<hbm>>) dst(%arg6 : memref<128x64xf32, #tpu.memory_space<vmem>>)
    %dma_wait3A_47 = arith.constant 0 : i32
    %dma_wait3A_48 = arith.constant 0 : i32
    %dma_wait3A_49 = tpu.memref_slice %arg3[%dma_wait3A_47, %dma_wait3A_48] : memref<100000x64xf32, #tpu.memory_space<hbm>> -> memref<128x64xf32, #tpu.memory_space<hbm>>
    %dma_wait3A_50 = arith.constant 0 : i32
    %dma_wait3A_51 = arith.constant 0 : i32
    %dma_wait3A_52 = tpu.memref_slice %arg3[%dma_wait3A_50, %dma_wait3A_51] : memref<100000x64xf32, #tpu.memory_space<hbm>> -> memref<128x64xf32, #tpu.memory_space<hbm>>
    tpu.wait_dma2 semaphore(%arg15 : memref<!tpu.dma_semaphore, #tpu.memory_space<semaphore_mem>>) src(%dma_wait3A_52 : memref<128x64xf32, #tpu.memory_space<hbm>>) dst(%arg7 : memref<128x64xf32, #tpu.memory_space<vmem>>)
    %dma_wait3A_53 = arith.constant 0 : i32
    %dma_wait3A_54 = arith.constant 0 : i32
    %dma_wait3A_55 = tpu.memref_slice %arg3[%dma_wait3A_53, %dma_wait3A_54] : memref<100000x64xf32, #tpu.memory_space<hbm>> -> memref<128x64xf32, #tpu.memory_space<hbm>>
    %dma_wait3A_56 = arith.constant 0 : i32
    %dma_wait3A_57 = arith.constant 0 : i32
    %dma_wait3A_58 = tpu.memref_slice %arg3[%dma_wait3A_56, %dma_wait3A_57] : memref<100000x64xf32, #tpu.memory_space<hbm>> -> memref<128x64xf32, #tpu.memory_space<hbm>>
    tpu.wait_dma2 semaphore(%arg16 : memref<!tpu.dma_semaphore, #tpu.memory_space<semaphore_mem>>) src(%dma_wait3A_58 : memref<128x64xf32, #tpu.memory_space<hbm>>) dst(%arg8 : memref<128x64xf32, #tpu.memory_space<vmem>>)
    %dma_wait3A_59 = arith.constant 0 : i32
    %dma_wait3A_60 = arith.constant 0 : i32
    %dma_wait3A_61 = tpu.memref_slice %arg3[%dma_wait3A_59, %dma_wait3A_60] : memref<100000x64xf32, #tpu.memory_space<hbm>> -> memref<128x64xf32, #tpu.memory_space<hbm>>
    %dma_wait3A_62 = arith.constant 0 : i32
    %dma_wait3A_63 = arith.constant 0 : i32
    %dma_wait3A_64 = tpu.memref_slice %arg3[%dma_wait3A_62, %dma_wait3A_63] : memref<100000x64xf32, #tpu.memory_space<hbm>> -> memref<128x64xf32, #tpu.memory_space<hbm>>
    tpu.wait_dma2 semaphore(%arg17 : memref<!tpu.dma_semaphore, #tpu.memory_space<semaphore_mem>>) src(%dma_wait3A_64 : memref<128x64xf32, #tpu.memory_space<hbm>>) dst(%arg9 : memref<128x64xf32, #tpu.memory_space<vmem>>)
    return
  }
}

#map = affine_map<(d0, d1) -> (0)>
#map1 = affine_map<(d0, d1) -> (0, 0)>
module attributes {stable_mosaic.version = 14 : i64} {
  func.func @_sparse_body(%arg0: i32, %arg1: i32, %arg2: memref<106496xi32, #tpu.memory_space<hbm>>, %arg3: memref<100000x64xf32, #tpu.memory_space<hbm>>, %arg4: memref<53248x64xf32, #tpu.memory_space<hbm>>, %arg5: memref<1664xi32, #tpu.memory_space<vmem>>, %arg6: memref<128x64xf32, #tpu.memory_space<vmem>>, %arg7: memref<128x64xf32, #tpu.memory_space<vmem>>, %arg8: memref<128x64xf32, #tpu.memory_space<vmem>>, %arg9: memref<128x64xf32, #tpu.memory_space<vmem>>, %arg10: memref<!tpu.dma_semaphore, #tpu.memory_space<semaphore_mem>>, %arg11: memref<!tpu.dma_semaphore, #tpu.memory_space<semaphore_mem>>, %arg12: memref<!tpu.dma_semaphore, #tpu.memory_space<semaphore_mem>>, %arg13: memref<!tpu.dma_semaphore, #tpu.memory_space<semaphore_mem>>, %arg14: memref<!tpu.dma_semaphore, #tpu.memory_space<semaphore_mem>>, %arg15: memref<!tpu.dma_semaphore, #tpu.memory_space<semaphore_mem>>, %arg16: memref<!tpu.dma_semaphore, #tpu.memory_space<semaphore_mem>>, %arg17: memref<!tpu.dma_semaphore, #tpu.memory_space<semaphore_mem>>) attributes {dimension_semantics = [#tpu.dimension_semantics<core_parallel>, #tpu.dimension_semantics<subcore_parallel>], iteration_bounds = array<i64: 2, 16>, scalar_prefetch = 0 : i64, scratch_operands = 13 : i64, tpu.core_type = #tpu.core_type<sc_vector_subcore>, window_params = [{transform_indices = #map}, {transform_indices = #map1}, {transform_indices = #map1}]} {
    %mul3A = arith.constant 2 : i32
    %mul3A_0 = arith.muli %arg1, %mul3A : i32
    %add3A = arith.addi %mul3A_0, %arg0 : i32
    %mul3A_1 = arith.constant 1664 : i32
    %mul3A_2 = arith.muli %add3A, %mul3A_1 : i32
    %add3A_3 = arith.constant 0 : i32
    %add3A_4 = arith.addi %add3A_3, %mul3A_2 : i32
    %mul3A_5 = arith.constant 1664 : i32
    %mul3A_6 = arith.muli %add3A, %mul3A_5 : i32
    %multiple_of3A = tpu.assume_multiple %add3A_4, 128 : i32
    "tpu.region"() ({
      %run_scoped3A = tpu.sem_alloc : memref<!tpu.dma_semaphore, #tpu.memory_space<semaphore_mem>>
      %dma_start3A_65 = tpu.memref_slice %arg2[%multiple_of3A] : memref<106496xi32, #tpu.memory_space<hbm>> -> memref<1664xi32, #tpu.memory_space<hbm>>
      %dma_start3A_66 = tpu.memref_slice %arg2[%multiple_of3A] : memref<106496xi32, #tpu.memory_space<hbm>> -> memref<1664xi32, #tpu.memory_space<hbm>>
      tpu.enqueue_dma source(%dma_start3A_66 : memref<1664xi32, #tpu.memory_space<hbm>>) target(%arg5 : memref<1664xi32, #tpu.memory_space<vmem>>) target_semaphore(%run_scoped3A : memref<!tpu.dma_semaphore, #tpu.memory_space<semaphore_mem>>)
      %dma_wait3A_67 = tpu.memref_slice %arg2[%multiple_of3A] : memref<106496xi32, #tpu.memory_space<hbm>> -> memref<1664xi32, #tpu.memory_space<hbm>>
      %dma_wait3A_68 = tpu.memref_slice %arg2[%multiple_of3A] : memref<106496xi32, #tpu.memory_space<hbm>> -> memref<1664xi32, #tpu.memory_space<hbm>>
      tpu.wait_dma2 semaphore(%run_scoped3A : memref<!tpu.dma_semaphore, #tpu.memory_space<semaphore_mem>>) src(%dma_wait3A_68 : memref<1664xi32, #tpu.memory_space<hbm>>) dst(%arg5 : memref<1664xi32, #tpu.memory_space<vmem>>)
      tpu.yield
    }) : () -> ()
    %multiple_of3A_7 = arith.constant 0 : i32
    %multiple_of3A_8 = tpu.assume_multiple %multiple_of3A_7, 128 : i32
    %dma_start3A = tpu.memref_slice %arg5[%multiple_of3A_8] : memref<1664xi32, #tpu.memory_space<vmem>> -> memref<128xi32, #tpu.memory_space<vmem>>
    %dma_start3A_9 = arith.constant 0 : i32
    %dma_start3A_10 = arith.constant 0 : i32
    %dma_start3A_11 = tpu.memref_slice %arg3[%dma_start3A_9, %dma_start3A_10] : memref<100000x64xf32, #tpu.memory_space<hbm>> -> memref<100000x64xf32, #tpu.memory_space<hbm>>
    tpu.enqueue_indirect_dma source(%dma_start3A_11 : memref<100000x64xf32, #tpu.memory_space<hbm>>) target(%arg6 : memref<128x64xf32, #tpu.memory_space<vmem>>) offsets(%dma_start3A : memref<128xi32, #tpu.memory_space<vmem>>) semaphore(%arg10 : memref<!tpu.dma_semaphore, #tpu.memory_space<semaphore_mem>>)
    %multiple_of3A_12 = arith.constant 128 : i32
    %multiple_of3A_13 = tpu.assume_multiple %multiple_of3A_12, 128 : i32
    %dma_start3A_14 = tpu.memref_slice %arg5[%multiple_of3A_13] : memref<1664xi32, #tpu.memory_space<vmem>> -> memref<128xi32, #tpu.memory_space<vmem>>
    %dma_start3A_15 = arith.constant 0 : i32
    %dma_start3A_16 = arith.constant 0 : i32
    %dma_start3A_17 = tpu.memref_slice %arg3[%dma_start3A_15, %dma_start3A_16] : memref<100000x64xf32, #tpu.memory_space<hbm>> -> memref<100000x64xf32, #tpu.memory_space<hbm>>
    tpu.enqueue_indirect_dma source(%dma_start3A_17 : memref<100000x64xf32, #tpu.memory_space<hbm>>) target(%arg7 : memref<128x64xf32, #tpu.memory_space<vmem>>) offsets(%dma_start3A_14 : memref<128xi32, #tpu.memory_space<vmem>>) semaphore(%arg11 : memref<!tpu.dma_semaphore, #tpu.memory_space<semaphore_mem>>)
    %multiple_of3A_18 = arith.constant 256 : i32
    %multiple_of3A_19 = tpu.assume_multiple %multiple_of3A_18, 128 : i32
    %dma_start3A_20 = tpu.memref_slice %arg5[%multiple_of3A_19] : memref<1664xi32, #tpu.memory_space<vmem>> -> memref<128xi32, #tpu.memory_space<vmem>>
    %dma_start3A_21 = arith.constant 0 : i32
    %dma_start3A_22 = arith.constant 0 : i32
    %dma_start3A_23 = tpu.memref_slice %arg3[%dma_start3A_21, %dma_start3A_22] : memref<100000x64xf32, #tpu.memory_space<hbm>> -> memref<100000x64xf32, #tpu.memory_space<hbm>>
    tpu.enqueue_indirect_dma source(%dma_start3A_23 : memref<100000x64xf32, #tpu.memory_space<hbm>>) target(%arg8 : memref<128x64xf32, #tpu.memory_space<vmem>>) offsets(%dma_start3A_20 : memref<128xi32, #tpu.memory_space<vmem>>) semaphore(%arg12 : memref<!tpu.dma_semaphore, #tpu.memory_space<semaphore_mem>>)
    %scan3A = arith.constant 0 : i32
    %scan3A_24 = arith.constant 0 : i32
    %scan3A_25 = arith.constant 3 : i32
    %scan3A_26 = arith.addi %scan3A_24, %scan3A_25 : i32
    %scan3A_27 = arith.constant 1 : i32
    scf.for %scan3A_65 = %scan3A_24 to %scan3A_26 step %scan3A_27  : i32 {
      %mul3A_66 = arith.constant 4 : i32
      %mul3A_67 = arith.muli %mul3A_66, %scan3A_65 : i32
      %add3A_68 = arith.constant 0 : i32
      %add3A_69 = arith.addi %mul3A_67, %add3A_68 : i32
      %dma_wait3A_70 = arith.constant 0 : i32
      %dma_wait3A_71 = arith.constant 0 : i32
      %dma_wait3A_72 = tpu.memref_slice %arg3[%dma_wait3A_70, %dma_wait3A_71] : memref<100000x64xf32, #tpu.memory_space<hbm>> -> memref<128x64xf32, #tpu.memory_space<hbm>>
      %dma_wait3A_73 = arith.constant 0 : i32
      %dma_wait3A_74 = arith.constant 0 : i32
      %dma_wait3A_75 = tpu.memref_slice %arg3[%dma_wait3A_73, %dma_wait3A_74] : memref<100000x64xf32, #tpu.memory_space<hbm>> -> memref<128x64xf32, #tpu.memory_space<hbm>>
      tpu.wait_dma2 semaphore(%arg10 : memref<!tpu.dma_semaphore, #tpu.memory_space<semaphore_mem>>) src(%dma_wait3A_75 : memref<128x64xf32, #tpu.memory_space<hbm>>) dst(%arg6 : memref<128x64xf32, #tpu.memory_space<vmem>>)
      %mul3A_76 = arith.constant 128 : i32
      %mul3A_77 = arith.muli %add3A_69, %mul3A_76 : i32
      %add3A_78 = arith.addi %mul3A_6, %mul3A_77 : i32
      %multiple_of3A_79 = tpu.assume_multiple %add3A_78, 128 : i32
      %dma_start3A_80 = arith.constant 0 : i32
      %dma_start3A_81 = tpu.memref_slice %arg4[%multiple_of3A_79, %dma_start3A_80] : memref<53248x64xf32, #tpu.memory_space<hbm>> -> memref<128x64xf32, #tpu.memory_space<hbm>>
      %dma_start3A_82 = arith.constant 0 : i32
      %dma_start3A_83 = tpu.memref_slice %arg4[%multiple_of3A_79, %dma_start3A_82] : memref<53248x64xf32, #tpu.memory_space<hbm>> -> memref<128x64xf32, #tpu.memory_space<hbm>>
      tpu.enqueue_dma source(%arg6 : memref<128x64xf32, #tpu.memory_space<vmem>>) target(%dma_start3A_83 : memref<128x64xf32, #tpu.memory_space<hbm>>) target_semaphore(%arg14 : memref<!tpu.dma_semaphore, #tpu.memory_space<semaphore_mem>>)
      %add3A_84 = arith.constant 4 : i32
      %add3A_85 = arith.addi %add3A_69, %add3A_84 : i32
      %sub3A = arith.constant 1 : i32
      %sub3A_86 = arith.subi %add3A_85, %sub3A : i32
      %lt3A = arith.constant 13 : i32
      %lt3A_87 = arith.cmpi slt, %sub3A_86, %lt3A : i32
      %convert_element_type3A = arith.extui %lt3A_87 : i1 to i32
      %cond3A = arith.constant 0 : i32
      %cond3A_88 = arith.cmpi ne, %convert_element_type3A, %cond3A : i32
      scf.if %cond3A_88 {
        %ge3A = arith.constant 1 : i32
        %ge3A_170 = arith.cmpi sge, %add3A_69, %ge3A : i32
        %convert_element_type3A_171 = arith.extui %ge3A_170 : i1 to i32
        %cond3A_172 = arith.constant 0 : i32
        %cond3A_173 = arith.cmpi ne, %convert_element_type3A_171, %cond3A_172 : i32
        scf.if %cond3A_173 {
          %dma_wait3A_185 = arith.constant 0 : i32
          %dma_wait3A_186 = arith.constant 0 : i32
          %dma_wait3A_187 = tpu.memref_slice %arg3[%dma_wait3A_185, %dma_wait3A_186] : memref<100000x64xf32, #tpu.memory_space<hbm>> -> memref<128x64xf32, #tpu.memory_space<hbm>>
          %dma_wait3A_188 = arith.constant 0 : i32
          %dma_wait3A_189 = arith.constant 0 : i32
          %dma_wait3A_190 = tpu.memref_slice %arg3[%dma_wait3A_188, %dma_wait3A_189] : memref<100000x64xf32, #tpu.memory_space<hbm>> -> memref<128x64xf32, #tpu.memory_space<hbm>>
          tpu.wait_dma2 semaphore(%arg17 : memref<!tpu.dma_semaphore, #tpu.memory_space<semaphore_mem>>) src(%dma_wait3A_190 : memref<128x64xf32, #tpu.memory_space<hbm>>) dst(%arg9 : memref<128x64xf32, #tpu.memory_space<vmem>>)
        } else {
        }
        %add3A_174 = arith.constant 4 : i32
        %add3A_175 = arith.addi %add3A_69, %add3A_174 : i32
        %sub3A_176 = arith.constant 1 : i32
        %sub3A_177 = arith.subi %add3A_175, %sub3A_176 : i32
        %mul3A_178 = arith.constant 128 : i32
        %mul3A_179 = arith.muli %sub3A_177, %mul3A_178 : i32
        %multiple_of3A_180 = tpu.assume_multiple %mul3A_179, 128 : i32
        %dma_start3A_181 = tpu.memref_slice %arg5[%multiple_of3A_180] : memref<1664xi32, #tpu.memory_space<vmem>> -> memref<128xi32, #tpu.memory_space<vmem>>
        %dma_start3A_182 = arith.constant 0 : i32
        %dma_start3A_183 = arith.constant 0 : i32
        %dma_start3A_184 = tpu.memref_slice %arg3[%dma_start3A_182, %dma_start3A_183] : memref<100000x64xf32, #tpu.memory_space<hbm>> -> memref<100000x64xf32, #tpu.memory_space<hbm>>
        tpu.enqueue_indirect_dma source(%dma_start3A_184 : memref<100000x64xf32, #tpu.memory_space<hbm>>) target(%arg9 : memref<128x64xf32, #tpu.memory_space<vmem>>) offsets(%dma_start3A_181 : memref<128xi32, #tpu.memory_space<vmem>>) semaphore(%arg13 : memref<!tpu.dma_semaphore, #tpu.memory_space<semaphore_mem>>)
      } else {
      }
      %mul3A_89 = arith.constant 4 : i32
      %mul3A_90 = arith.muli %mul3A_89, %scan3A_65 : i32
      %add3A_91 = arith.constant 1 : i32
      %add3A_92 = arith.addi %mul3A_90, %add3A_91 : i32
      %dma_wait3A_93 = arith.constant 0 : i32
      %dma_wait3A_94 = arith.constant 0 : i32
      %dma_wait3A_95 = tpu.memref_slice %arg3[%dma_wait3A_93, %dma_wait3A_94] : memref<100000x64xf32, #tpu.memory_space<hbm>> -> memref<128x64xf32, #tpu.memory_space<hbm>>
      %dma_wait3A_96 = arith.constant 0 : i32
      %dma_wait3A_97 = arith.constant 0 : i32
      %dma_wait3A_98 = tpu.memref_slice %arg3[%dma_wait3A_96, %dma_wait3A_97] : memref<100000x64xf32, #tpu.memory_space<hbm>> -> memref<128x64xf32, #tpu.memory_space<hbm>>
      tpu.wait_dma2 semaphore(%arg11 : memref<!tpu.dma_semaphore, #tpu.memory_space<semaphore_mem>>) src(%dma_wait3A_98 : memref<128x64xf32, #tpu.memory_space<hbm>>) dst(%arg7 : memref<128x64xf32, #tpu.memory_space<vmem>>)
      %mul3A_99 = arith.constant 128 : i32
      %mul3A_100 = arith.muli %add3A_92, %mul3A_99 : i32
      %add3A_101 = arith.addi %mul3A_6, %mul3A_100 : i32
      %multiple_of3A_102 = tpu.assume_multiple %add3A_101, 128 : i32
      %dma_start3A_103 = arith.constant 0 : i32
      %dma_start3A_104 = tpu.memref_slice %arg4[%multiple_of3A_102, %dma_start3A_103] : memref<53248x64xf32, #tpu.memory_space<hbm>> -> memref<128x64xf32, #tpu.memory_space<hbm>>
      %dma_start3A_105 = arith.constant 0 : i32
      %dma_start3A_106 = tpu.memref_slice %arg4[%multiple_of3A_102, %dma_start3A_105] : memref<53248x64xf32, #tpu.memory_space<hbm>> -> memref<128x64xf32, #tpu.memory_space<hbm>>
      tpu.enqueue_dma source(%arg7 : memref<128x64xf32, #tpu.memory_space<vmem>>) target(%dma_start3A_106 : memref<128x64xf32, #tpu.memory_space<hbm>>) target_semaphore(%arg15 : memref<!tpu.dma_semaphore, #tpu.memory_space<semaphore_mem>>)
      %add3A_107 = arith.constant 4 : i32
      %add3A_108 = arith.addi %add3A_92, %add3A_107 : i32
      %sub3A_109 = arith.constant 1 : i32
      %sub3A_110 = arith.subi %add3A_108, %sub3A_109 : i32
      %lt3A_111 = arith.constant 13 : i32
      %lt3A_112 = arith.cmpi slt, %sub3A_110, %lt3A_111 : i32
      %convert_element_type3A_113 = arith.extui %lt3A_112 : i1 to i32
      %cond3A_114 = arith.constant 0 : i32
      %cond3A_115 = arith.cmpi ne, %convert_element_type3A_113, %cond3A_114 : i32
      scf.if %cond3A_115 {
        %ge3A = arith.constant 1 : i32
        %ge3A_170 = arith.cmpi sge, %add3A_92, %ge3A : i32
        %convert_element_type3A_171 = arith.extui %ge3A_170 : i1 to i32
        %cond3A_172 = arith.constant 0 : i32
        %cond3A_173 = arith.cmpi ne, %convert_element_type3A_171, %cond3A_172 : i32
        scf.if %cond3A_173 {
          %dma_wait3A_185 = arith.constant 0 : i32
          %dma_wait3A_186 = arith.constant 0 : i32
          %dma_wait3A_187 = tpu.memref_slice %arg3[%dma_wait3A_185, %dma_wait3A_186] : memref<100000x64xf32, #tpu.memory_space<hbm>> -> memref<128x64xf32, #tpu.memory_space<hbm>>
          %dma_wait3A_188 = arith.constant 0 : i32
          %dma_wait3A_189 = arith.constant 0 : i32
          %dma_wait3A_190 = tpu.memref_slice %arg3[%dma_wait3A_188, %dma_wait3A_189] : memref<100000x64xf32, #tpu.memory_space<hbm>> -> memref<128x64xf32, #tpu.memory_space<hbm>>
          tpu.wait_dma2 semaphore(%arg14 : memref<!tpu.dma_semaphore, #tpu.memory_space<semaphore_mem>>) src(%dma_wait3A_190 : memref<128x64xf32, #tpu.memory_space<hbm>>) dst(%arg6 : memref<128x64xf32, #tpu.memory_space<vmem>>)
        } else {
        }
        %add3A_174 = arith.constant 4 : i32
        %add3A_175 = arith.addi %add3A_92, %add3A_174 : i32
        %sub3A_176 = arith.constant 1 : i32
        %sub3A_177 = arith.subi %add3A_175, %sub3A_176 : i32
        %mul3A_178 = arith.constant 128 : i32
        %mul3A_179 = arith.muli %sub3A_177, %mul3A_178 : i32
        %multiple_of3A_180 = tpu.assume_multiple %mul3A_179, 128 : i32
        %dma_start3A_181 = tpu.memref_slice %arg5[%multiple_of3A_180] : memref<1664xi32, #tpu.memory_space<vmem>> -> memref<128xi32, #tpu.memory_space<vmem>>
        %dma_start3A_182 = arith.constant 0 : i32
        %dma_start3A_183 = arith.constant 0 : i32
        %dma_start3A_184 = tpu.memref_slice %arg3[%dma_start3A_182, %dma_start3A_183] : memref<100000x64xf32, #tpu.memory_space<hbm>> -> memref<100000x64xf32, #tpu.memory_space<hbm>>
        tpu.enqueue_indirect_dma source(%dma_start3A_184 : memref<100000x64xf32, #tpu.memory_space<hbm>>) target(%arg6 : memref<128x64xf32, #tpu.memory_space<vmem>>) offsets(%dma_start3A_181 : memref<128xi32, #tpu.memory_space<vmem>>) semaphore(%arg10 : memref<!tpu.dma_semaphore, #tpu.memory_space<semaphore_mem>>)
      } else {
      }
      %mul3A_116 = arith.constant 4 : i32
      %mul3A_117 = arith.muli %mul3A_116, %scan3A_65 : i32
      %add3A_118 = arith.constant 2 : i32
      %add3A_119 = arith.addi %mul3A_117, %add3A_118 : i32
      %dma_wait3A_120 = arith.constant 0 : i32
      %dma_wait3A_121 = arith.constant 0 : i32
      %dma_wait3A_122 = tpu.memref_slice %arg3[%dma_wait3A_120, %dma_wait3A_121] : memref<100000x64xf32, #tpu.memory_space<hbm>> -> memref<128x64xf32, #tpu.memory_space<hbm>>
      %dma_wait3A_123 = arith.constant 0 : i32
      %dma_wait3A_124 = arith.constant 0 : i32
      %dma_wait3A_125 = tpu.memref_slice %arg3[%dma_wait3A_123, %dma_wait3A_124] : memref<100000x64xf32, #tpu.memory_space<hbm>> -> memref<128x64xf32, #tpu.memory_space<hbm>>
      tpu.wait_dma2 semaphore(%arg12 : memref<!tpu.dma_semaphore, #tpu.memory_space<semaphore_mem>>) src(%dma_wait3A_125 : memref<128x64xf32, #tpu.memory_space<hbm>>) dst(%arg8 : memref<128x64xf32, #tpu.memory_space<vmem>>)
      %mul3A_126 = arith.constant 128 : i32
      %mul3A_127 = arith.muli %add3A_119, %mul3A_126 : i32
      %add3A_128 = arith.addi %mul3A_6, %mul3A_127 : i32
      %multiple_of3A_129 = tpu.assume_multiple %add3A_128, 128 : i32
      %dma_start3A_130 = arith.constant 0 : i32
      %dma_start3A_131 = tpu.memref_slice %arg4[%multiple_of3A_129, %dma_start3A_130] : memref<53248x64xf32, #tpu.memory_space<hbm>> -> memref<128x64xf32, #tpu.memory_space<hbm>>
      %dma_start3A_132 = arith.constant 0 : i32
      %dma_start3A_133 = tpu.memref_slice %arg4[%multiple_of3A_129, %dma_start3A_132] : memref<53248x64xf32, #tpu.memory_space<hbm>> -> memref<128x64xf32, #tpu.memory_space<hbm>>
      tpu.enqueue_dma source(%arg8 : memref<128x64xf32, #tpu.memory_space<vmem>>) target(%dma_start3A_133 : memref<128x64xf32, #tpu.memory_space<hbm>>) target_semaphore(%arg16 : memref<!tpu.dma_semaphore, #tpu.memory_space<semaphore_mem>>)
      %add3A_134 = arith.constant 4 : i32
      %add3A_135 = arith.addi %add3A_119, %add3A_134 : i32
      %sub3A_136 = arith.constant 1 : i32
      %sub3A_137 = arith.subi %add3A_135, %sub3A_136 : i32
      %lt3A_138 = arith.constant 13 : i32
      %lt3A_139 = arith.cmpi slt, %sub3A_137, %lt3A_138 : i32
      %convert_element_type3A_140 = arith.extui %lt3A_139 : i1 to i32
      %cond3A_141 = arith.constant 0 : i32
      %cond3A_142 = arith.cmpi ne, %convert_element_type3A_140, %cond3A_141 : i32
      scf.if %cond3A_142 {
        %ge3A = arith.constant 1 : i32
        %ge3A_170 = arith.cmpi sge, %add3A_119, %ge3A : i32
        %convert_element_type3A_171 = arith.extui %ge3A_170 : i1 to i32
        %cond3A_172 = arith.constant 0 : i32
        %cond3A_173 = arith.cmpi ne, %convert_element_type3A_171, %cond3A_172 : i32
        scf.if %cond3A_173 {
          %dma_wait3A_185 = arith.constant 0 : i32
          %dma_wait3A_186 = arith.constant 0 : i32
          %dma_wait3A_187 = tpu.memref_slice %arg3[%dma_wait3A_185, %dma_wait3A_186] : memref<100000x64xf32, #tpu.memory_space<hbm>> -> memref<128x64xf32, #tpu.memory_space<hbm>>
          %dma_wait3A_188 = arith.constant 0 : i32
          %dma_wait3A_189 = arith.constant 0 : i32
          %dma_wait3A_190 = tpu.memref_slice %arg3[%dma_wait3A_188, %dma_wait3A_189] : memref<100000x64xf32, #tpu.memory_space<hbm>> -> memref<128x64xf32, #tpu.memory_space<hbm>>
          tpu.wait_dma2 semaphore(%arg15 : memref<!tpu.dma_semaphore, #tpu.memory_space<semaphore_mem>>) src(%dma_wait3A_190 : memref<128x64xf32, #tpu.memory_space<hbm>>) dst(%arg7 : memref<128x64xf32, #tpu.memory_space<vmem>>)
        } else {
        }
        %add3A_174 = arith.constant 4 : i32
        %add3A_175 = arith.addi %add3A_119, %add3A_174 : i32
        %sub3A_176 = arith.constant 1 : i32
        %sub3A_177 = arith.subi %add3A_175, %sub3A_176 : i32
        %mul3A_178 = arith.constant 128 : i32
        %mul3A_179 = arith.muli %sub3A_177, %mul3A_178 : i32
        %multiple_of3A_180 = tpu.assume_multiple %mul3A_179, 128 : i32
        %dma_start3A_181 = tpu.memref_slice %arg5[%multiple_of3A_180] : memref<1664xi32, #tpu.memory_space<vmem>> -> memref<128xi32, #tpu.memory_space<vmem>>
        %dma_start3A_182 = arith.constant 0 : i32
        %dma_start3A_183 = arith.constant 0 : i32
        %dma_start3A_184 = tpu.memref_slice %arg3[%dma_start3A_182, %dma_start3A_183] : memref<100000x64xf32, #tpu.memory_space<hbm>> -> memref<100000x64xf32, #tpu.memory_space<hbm>>
        tpu.enqueue_indirect_dma source(%dma_start3A_184 : memref<100000x64xf32, #tpu.memory_space<hbm>>) target(%arg7 : memref<128x64xf32, #tpu.memory_space<vmem>>) offsets(%dma_start3A_181 : memref<128xi32, #tpu.memory_space<vmem>>) semaphore(%arg11 : memref<!tpu.dma_semaphore, #tpu.memory_space<semaphore_mem>>)
      } else {
      }
      %mul3A_143 = arith.constant 4 : i32
      %mul3A_144 = arith.muli %mul3A_143, %scan3A_65 : i32
      %add3A_145 = arith.constant 3 : i32
      %add3A_146 = arith.addi %mul3A_144, %add3A_145 : i32
      %dma_wait3A_147 = arith.constant 0 : i32
      %dma_wait3A_148 = arith.constant 0 : i32
      %dma_wait3A_149 = tpu.memref_slice %arg3[%dma_wait3A_147, %dma_wait3A_148] : memref<100000x64xf32, #tpu.memory_space<hbm>> -> memref<128x64xf32, #tpu.memory_space<hbm>>
      %dma_wait3A_150 = arith.constant 0 : i32
      %dma_wait3A_151 = arith.constant 0 : i32
      %dma_wait3A_152 = tpu.memref_slice %arg3[%dma_wait3A_150, %dma_wait3A_151] : memref<100000x64xf32, #tpu.memory_space<hbm>> -> memref<128x64xf32, #tpu.memory_space<hbm>>
      tpu.wait_dma2 semaphore(%arg13 : memref<!tpu.dma_semaphore, #tpu.memory_space<semaphore_mem>>) src(%dma_wait3A_152 : memref<128x64xf32, #tpu.memory_space<hbm>>) dst(%arg9 : memref<128x64xf32, #tpu.memory_space<vmem>>)
      %mul3A_153 = arith.constant 128 : i32
      %mul3A_154 = arith.muli %add3A_146, %mul3A_153 : i32
      %add3A_155 = arith.addi %mul3A_6, %mul3A_154 : i32
      %multiple_of3A_156 = tpu.assume_multiple %add3A_155, 128 : i32
      %dma_start3A_157 = arith.constant 0 : i32
      %dma_start3A_158 = tpu.memref_slice %arg4[%multiple_of3A_156, %dma_start3A_157] : memref<53248x64xf32, #tpu.memory_space<hbm>> -> memref<128x64xf32, #tpu.memory_space<hbm>>
      %dma_start3A_159 = arith.constant 0 : i32
      %dma_start3A_160 = tpu.memref_slice %arg4[%multiple_of3A_156, %dma_start3A_159] : memref<53248x64xf32, #tpu.memory_space<hbm>> -> memref<128x64xf32, #tpu.memory_space<hbm>>
      tpu.enqueue_dma source(%arg9 : memref<128x64xf32, #tpu.memory_space<vmem>>) target(%dma_start3A_160 : memref<128x64xf32, #tpu.memory_space<hbm>>) target_semaphore(%arg17 : memref<!tpu.dma_semaphore, #tpu.memory_space<semaphore_mem>>)
      %add3A_161 = arith.constant 4 : i32
      %add3A_162 = arith.addi %add3A_146, %add3A_161 : i32
      %sub3A_163 = arith.constant 1 : i32
      %sub3A_164 = arith.subi %add3A_162, %sub3A_163 : i32
      %lt3A_165 = arith.constant 13 : i32
      %lt3A_166 = arith.cmpi slt, %sub3A_164, %lt3A_165 : i32
      %convert_element_type3A_167 = arith.extui %lt3A_166 : i1 to i32
      %cond3A_168 = arith.constant 0 : i32
      %cond3A_169 = arith.cmpi ne, %convert_element_type3A_167, %cond3A_168 : i32
      scf.if %cond3A_169 {
        %ge3A = arith.constant 1 : i32
        %ge3A_170 = arith.cmpi sge, %add3A_146, %ge3A : i32
        %convert_element_type3A_171 = arith.extui %ge3A_170 : i1 to i32
        %cond3A_172 = arith.constant 0 : i32
        %cond3A_173 = arith.cmpi ne, %convert_element_type3A_171, %cond3A_172 : i32
        scf.if %cond3A_173 {
          %dma_wait3A_185 = arith.constant 0 : i32
          %dma_wait3A_186 = arith.constant 0 : i32
          %dma_wait3A_187 = tpu.memref_slice %arg3[%dma_wait3A_185, %dma_wait3A_186] : memref<100000x64xf32, #tpu.memory_space<hbm>> -> memref<128x64xf32, #tpu.memory_space<hbm>>
          %dma_wait3A_188 = arith.constant 0 : i32
          %dma_wait3A_189 = arith.constant 0 : i32
          %dma_wait3A_190 = tpu.memref_slice %arg3[%dma_wait3A_188, %dma_wait3A_189] : memref<100000x64xf32, #tpu.memory_space<hbm>> -> memref<128x64xf32, #tpu.memory_space<hbm>>
          tpu.wait_dma2 semaphore(%arg16 : memref<!tpu.dma_semaphore, #tpu.memory_space<semaphore_mem>>) src(%dma_wait3A_190 : memref<128x64xf32, #tpu.memory_space<hbm>>) dst(%arg8 : memref<128x64xf32, #tpu.memory_space<vmem>>)
        } else {
        }
        %add3A_174 = arith.constant 4 : i32
        %add3A_175 = arith.addi %add3A_146, %add3A_174 : i32
        %sub3A_176 = arith.constant 1 : i32
        %sub3A_177 = arith.subi %add3A_175, %sub3A_176 : i32
        %mul3A_178 = arith.constant 128 : i32
        %mul3A_179 = arith.muli %sub3A_177, %mul3A_178 : i32
        %multiple_of3A_180 = tpu.assume_multiple %mul3A_179, 128 : i32
        %dma_start3A_181 = tpu.memref_slice %arg5[%multiple_of3A_180] : memref<1664xi32, #tpu.memory_space<vmem>> -> memref<128xi32, #tpu.memory_space<vmem>>
        %dma_start3A_182 = arith.constant 0 : i32
        %dma_start3A_183 = arith.constant 0 : i32
        %dma_start3A_184 = tpu.memref_slice %arg3[%dma_start3A_182, %dma_start3A_183] : memref<100000x64xf32, #tpu.memory_space<hbm>> -> memref<100000x64xf32, #tpu.memory_space<hbm>>
        tpu.enqueue_indirect_dma source(%dma_start3A_184 : memref<100000x64xf32, #tpu.memory_space<hbm>>) target(%arg8 : memref<128x64xf32, #tpu.memory_space<vmem>>) offsets(%dma_start3A_181 : memref<128xi32, #tpu.memory_space<vmem>>) semaphore(%arg12 : memref<!tpu.dma_semaphore, #tpu.memory_space<semaphore_mem>>)
      } else {
      }
    }
    %scan3A_28 = arith.constant 3 : i32
    %dma_wait3A = arith.constant 0 : i32
    %dma_wait3A_29 = arith.constant 0 : i32
    %dma_wait3A_30 = tpu.memref_slice %arg3[%dma_wait3A, %dma_wait3A_29] : memref<100000x64xf32, #tpu.memory_space<hbm>> -> memref<128x64xf32, #tpu.memory_space<hbm>>
    %dma_wait3A_31 = arith.constant 0 : i32
    %dma_wait3A_32 = arith.constant 0 : i32
    %dma_wait3A_33 = tpu.memref_slice %arg3[%dma_wait3A_31, %dma_wait3A_32] : memref<100000x64xf32, #tpu.memory_space<hbm>> -> memref<128x64xf32, #tpu.memory_space<hbm>>
    tpu.wait_dma2 semaphore(%arg10 : memref<!tpu.dma_semaphore, #tpu.memory_space<semaphore_mem>>) src(%dma_wait3A_33 : memref<128x64xf32, #tpu.memory_space<hbm>>) dst(%arg6 : memref<128x64xf32, #tpu.memory_space<vmem>>)
    %add3A_34 = arith.constant 1536 : i32
    %add3A_35 = arith.addi %mul3A_6, %add3A_34 : i32
    %multiple_of3A_36 = tpu.assume_multiple %add3A_35, 128 : i32
    %dma_start3A_37 = arith.constant 0 : i32
    %dma_start3A_38 = tpu.memref_slice %arg4[%multiple_of3A_36, %dma_start3A_37] : memref<53248x64xf32, #tpu.memory_space<hbm>> -> memref<128x64xf32, #tpu.memory_space<hbm>>
    %dma_start3A_39 = arith.constant 0 : i32
    %dma_start3A_40 = tpu.memref_slice %arg4[%multiple_of3A_36, %dma_start3A_39] : memref<53248x64xf32, #tpu.memory_space<hbm>> -> memref<128x64xf32, #tpu.memory_space<hbm>>
    tpu.enqueue_dma source(%arg6 : memref<128x64xf32, #tpu.memory_space<vmem>>) target(%dma_start3A_40 : memref<128x64xf32, #tpu.memory_space<hbm>>) target_semaphore(%arg14 : memref<!tpu.dma_semaphore, #tpu.memory_space<semaphore_mem>>)
    %dma_wait3A_41 = arith.constant 0 : i32
    %dma_wait3A_42 = arith.constant 0 : i32
    %dma_wait3A_43 = tpu.memref_slice %arg3[%dma_wait3A_41, %dma_wait3A_42] : memref<100000x64xf32, #tpu.memory_space<hbm>> -> memref<128x64xf32, #tpu.memory_space<hbm>>
    %dma_wait3A_44 = arith.constant 0 : i32
    %dma_wait3A_45 = arith.constant 0 : i32
    %dma_wait3A_46 = tpu.memref_slice %arg3[%dma_wait3A_44, %dma_wait3A_45] : memref<100000x64xf32, #tpu.memory_space<hbm>> -> memref<128x64xf32, #tpu.memory_space<hbm>>
    tpu.wait_dma2 semaphore(%arg14 : memref<!tpu.dma_semaphore, #tpu.memory_space<semaphore_mem>>) src(%dma_wait3A_46 : memref<128x64xf32, #tpu.memory_space<hbm>>) dst(%arg6 : memref<128x64xf32, #tpu.memory_space<vmem>>)
    %dma_wait3A_47 = arith.constant 0 : i32
    %dma_wait3A_48 = arith.constant 0 : i32
    %dma_wait3A_49 = tpu.memref_slice %arg3[%dma_wait3A_47, %dma_wait3A_48] : memref<100000x64xf32, #tpu.memory_space<hbm>> -> memref<128x64xf32, #tpu.memory_space<hbm>>
    %dma_wait3A_50 = arith.constant 0 : i32
    %dma_wait3A_51 = arith.constant 0 : i32
    %dma_wait3A_52 = tpu.memref_slice %arg3[%dma_wait3A_50, %dma_wait3A_51] : memref<100000x64xf32, #tpu.memory_space<hbm>> -> memref<128x64xf32, #tpu.memory_space<hbm>>
    tpu.wait_dma2 semaphore(%arg15 : memref<!tpu.dma_semaphore, #tpu.memory_space<semaphore_mem>>) src(%dma_wait3A_52 : memref<128x64xf32, #tpu.memory_space<hbm>>) dst(%arg7 : memref<128x64xf32, #tpu.memory_space<vmem>>)
    %dma_wait3A_53 = arith.constant 0 : i32
    %dma_wait3A_54 = arith.constant 0 : i32
    %dma_wait3A_55 = tpu.memref_slice %arg3[%dma_wait3A_53, %dma_wait3A_54] : memref<100000x64xf32, #tpu.memory_space<hbm>> -> memref<128x64xf32, #tpu.memory_space<hbm>>
    %dma_wait3A_56 = arith.constant 0 : i32
    %dma_wait3A_57 = arith.constant 0 : i32
    %dma_wait3A_58 = tpu.memref_slice %arg3[%dma_wait3A_56, %dma_wait3A_57] : memref<100000x64xf32, #tpu.memory_space<hbm>> -> memref<128x64xf32, #tpu.memory_space<hbm>>
    tpu.wait_dma2 semaphore(%arg16 : memref<!tpu.dma_semaphore, #tpu.memory_space<semaphore_mem>>) src(%dma_wait3A_58 : memref<128x64xf32, #tpu.memory_space<hbm>>) dst(%arg8 : memref<128x64xf32, #tpu.memory_space<vmem>>)
    %dma_wait3A_59 = arith.constant 0 : i32
    %dma_wait3A_60 = arith.constant 0 : i32
    %dma_wait3A_61 = tpu.memref_slice %arg3[%dma_wait3A_59, %dma_wait3A_60] : memref<100000x64xf32, #tpu.memory_space<hbm>> -> memref<128x64xf32, #tpu.memory_space<hbm>>
    %dma_wait3A_62 = arith.constant 0 : i32
    %dma_wait3A_63 = arith.constant 0 : i32
    %dma_wait3A_64 = tpu.memref_slice %arg3[%dma_wait3A_62, %dma_wait3A_63] : memref<100000x64xf32, #tpu.memory_space<hbm>> -> memref<128x64xf32, #tpu.memory_space<hbm>>
    tpu.wait_dma2 semaphore(%arg17 : memref<!tpu.dma_semaphore, #tpu.memory_space<semaphore_mem>>) src(%dma_wait3A_64 : memref<128x64xf32, #tpu.memory_space<hbm>>) dst(%arg9 : memref<128x64xf32, #tpu.memory_space<vmem>>)
    return
  }
}

#map = affine_map<(d0, d1) -> (0)>
#map1 = affine_map<(d0, d1) -> (0, 0)>
module attributes {stable_mosaic.version = 14 : i64} {
  func.func @_seq_body(%arg0: i32, %arg1: i32, %arg2: memref<204800xi32, #tpu.memory_space<hbm>>, %arg3: memref<100000x64xf32, #tpu.memory_space<hbm>>, %arg4: memref<1792x128xi32, #tpu.memory_space<hbm>>, %arg5: memref<4096x64xf32, #tpu.memory_space<hbm>>, %arg6: memref<6400xi32, #tpu.memory_space<vmem>>, %arg7: memref<56x128xi32, #tpu.memory_space<vmem>>, %arg8: memref<128x64xf32, #tpu.memory_space<vmem>>, %arg9: memref<128x64xf32, #tpu.memory_space<vmem>>, %arg10: memref<128x64xf32, #tpu.memory_space<vmem>>, %arg11: memref<128x64xf32, #tpu.memory_space<vmem>>, %arg12: memref<128x64xf32, #tpu.memory_space<vmem>>, %arg13: memref<2048x64xf32, #tpu.memory_space<vmem_shared>>, %arg14: memref<!tpu.dma_semaphore, #tpu.memory_space<semaphore_mem>>, %arg15: memref<!tpu.dma_semaphore, #tpu.memory_space<semaphore_mem>>, %arg16: memref<!tpu.dma_semaphore, #tpu.memory_space<semaphore_mem>>, %arg17: memref<!tpu.dma_semaphore, #tpu.memory_space<semaphore_mem>>, %arg18: memref<!tpu.dma_semaphore, #tpu.memory_space<semaphore_mem>>, %arg19: memref<!tpu.dma_semaphore, #tpu.memory_space<semaphore_mem>>, %arg20: memref<!tpu.dma_semaphore, #tpu.memory_space<semaphore_mem>>, %arg21: memref<!tpu.dma_semaphore, #tpu.memory_space<semaphore_mem>>) attributes {dimension_semantics = [#tpu.dimension_semantics<core_parallel>, #tpu.dimension_semantics<subcore_parallel>], iteration_bounds = array<i64: 2, 16>, scalar_prefetch = 0 : i64, scratch_operands = 16 : i64, tpu.core_type = #tpu.core_type<sc_vector_subcore>, window_params = [{transform_indices = #map}, {transform_indices = #map1}, {transform_indices = #map1}, {transform_indices = #map1}]} {
    %mul3A = arith.constant 2 : i32
    %mul3A_0 = arith.muli %arg1, %mul3A : i32
    %add3A = arith.addi %mul3A_0, %arg0 : i32
    %mul3A_1 = arith.constant 6400 : i32
    %mul3A_2 = arith.muli %add3A, %mul3A_1 : i32
    %multiple_of3A = tpu.assume_multiple %mul3A_2, 128 : i32
    %dma_start3A = tpu.memref_slice %arg2[%multiple_of3A] : memref<204800xi32, #tpu.memory_space<hbm>> -> memref<6400xi32, #tpu.memory_space<hbm>>
    %dma_start3A_3 = tpu.memref_slice %arg2[%multiple_of3A] : memref<204800xi32, #tpu.memory_space<hbm>> -> memref<6400xi32, #tpu.memory_space<hbm>>
    tpu.enqueue_dma source(%dma_start3A_3 : memref<6400xi32, #tpu.memory_space<hbm>>) target(%arg6 : memref<6400xi32, #tpu.memory_space<vmem>>) target_semaphore(%arg14 : memref<!tpu.dma_semaphore, #tpu.memory_space<semaphore_mem>>)
    %mul3A_4 = arith.constant 56 : i32
    %mul3A_5 = arith.muli %add3A, %mul3A_4 : i32
    %multiple_of3A_6 = tpu.assume_multiple %mul3A_5, 8 : i32
    %dma_start3A_7 = arith.constant 0 : i32
    %dma_start3A_8 = tpu.memref_slice %arg4[%multiple_of3A_6, %dma_start3A_7] : memref<1792x128xi32, #tpu.memory_space<hbm>> -> memref<56x128xi32, #tpu.memory_space<hbm>>
    %dma_start3A_9 = arith.constant 0 : i32
    %dma_start3A_10 = tpu.memref_slice %arg4[%multiple_of3A_6, %dma_start3A_9] : memref<1792x128xi32, #tpu.memory_space<hbm>> -> memref<56x128xi32, #tpu.memory_space<hbm>>
    tpu.enqueue_dma source(%dma_start3A_10 : memref<56x128xi32, #tpu.memory_space<hbm>>) target(%arg7 : memref<56x128xi32, #tpu.memory_space<vmem>>) target_semaphore(%arg15 : memref<!tpu.dma_semaphore, #tpu.memory_space<semaphore_mem>>)
    %scan3A = arith.constant 0 : i32
    %scan3A_11 = arith.constant 0 : i32
    %scan3A_12 = arith.constant 128 : i32
    %scan3A_13 = arith.addi %scan3A_11, %scan3A_12 : i32
    %scan3A_14 = arith.constant 1 : i32
    scf.for %scan3A_108 = %scan3A_11 to %scan3A_13 step %scan3A_14  : i32 {
      %broadcast_in_dim3A = arith.constant 0.000000e+00 : f32
      %broadcast_in_dim3A_109 = vector.broadcast %broadcast_in_dim3A : f32 to vector<16xf32>
      %swap3A = arith.index_cast %scan3A_108 : i32 to index
      %swap3A_110 = arith.constant 0 : index
      %swap3A_111 = tpu.vector_load %arg12[%swap3A, %swap3A_110] {strides = array<i32>} : memref<128x64xf32, #tpu.memory_space<vmem>>, vector<1x16xf32>,
      %swap3A_112 = vector.shape_cast %swap3A_111 : vector<1x16xf32> to vector<16xf32>
      %swap3A_113 = vector.shape_cast %broadcast_in_dim3A_109 : vector<16xf32> to vector<1x16xf32>
      tpu.vector_store %arg12[%swap3A, %swap3A_110], %swap3A_113 {strides = array<i32>} : memref<128x64xf32, #tpu.memory_space<vmem>>, vector<1x16xf32>,
      %broadcast_in_dim3A_114 = arith.constant 0.000000e+00 : f32
      %broadcast_in_dim3A_115 = vector.broadcast %broadcast_in_dim3A_114 : f32 to vector<16xf32>
      %swap3A_116 = arith.index_cast %scan3A_108 : i32 to index
      %swap3A_117 = arith.constant 16 : index
      %swap3A_118 = tpu.vector_load %arg12[%swap3A_116, %swap3A_117] {strides = array<i32>} : memref<128x64xf32, #tpu.memory_space<vmem>>, vector<1x16xf32>,
      %swap3A_119 = vector.shape_cast %swap3A_118 : vector<1x16xf32> to vector<16xf32>
      %swap3A_120 = vector.shape_cast %broadcast_in_dim3A_115 : vector<16xf32> to vector<1x16xf32>
      tpu.vector_store %arg12[%swap3A_116, %swap3A_117], %swap3A_120 {strides = array<i32>} : memref<128x64xf32, #tpu.memory_space<vmem>>, vector<1x16xf32>,
      %broadcast_in_dim3A_121 = arith.constant 0.000000e+00 : f32
      %broadcast_in_dim3A_122 = vector.broadcast %broadcast_in_dim3A_121 : f32 to vector<16xf32>
      %swap3A_123 = arith.index_cast %scan3A_108 : i32 to index
      %swap3A_124 = arith.constant 32 : index
      %swap3A_125 = tpu.vector_load %arg12[%swap3A_123, %swap3A_124] {strides = array<i32>} : memref<128x64xf32, #tpu.memory_space<vmem>>, vector<1x16xf32>,
      %swap3A_126 = vector.shape_cast %swap3A_125 : vector<1x16xf32> to vector<16xf32>
      %swap3A_127 = vector.shape_cast %broadcast_in_dim3A_122 : vector<16xf32> to vector<1x16xf32>
      tpu.vector_store %arg12[%swap3A_123, %swap3A_124], %swap3A_127 {strides = array<i32>} : memref<128x64xf32, #tpu.memory_space<vmem>>, vector<1x16xf32>,
      %broadcast_in_dim3A_128 = arith.constant 0.000000e+00 : f32
      %broadcast_in_dim3A_129 = vector.broadcast %broadcast_in_dim3A_128 : f32 to vector<16xf32>
      %swap3A_130 = arith.index_cast %scan3A_108 : i32 to index
      %swap3A_131 = arith.constant 48 : index
      %swap3A_132 = tpu.vector_load %arg12[%swap3A_130, %swap3A_131] {strides = array<i32>} : memref<128x64xf32, #tpu.memory_space<vmem>>, vector<1x16xf32>,
      %swap3A_133 = vector.shape_cast %swap3A_132 : vector<1x16xf32> to vector<16xf32>
      %swap3A_134 = vector.shape_cast %broadcast_in_dim3A_129 : vector<16xf32> to vector<1x16xf32>
      tpu.vector_store %arg12[%swap3A_130, %swap3A_131], %swap3A_134 {strides = array<i32>} : memref<128x64xf32, #tpu.memory_space<vmem>>, vector<1x16xf32>,
    }
    %scan3A_15 = arith.constant 128 : i32
    %dma_wait3A = tpu.memref_slice %arg2[%multiple_of3A] : memref<204800xi32, #tpu.memory_space<hbm>> -> memref<6400xi32, #tpu.memory_space<hbm>>
    %dma_wait3A_16 = tpu.memref_slice %arg2[%multiple_of3A] : memref<204800xi32, #tpu.memory_space<hbm>> -> memref<6400xi32, #tpu.memory_space<hbm>>
    tpu.wait_dma2 semaphore(%arg14 : memref<!tpu.dma_semaphore, #tpu.memory_space<semaphore_mem>>) src(%dma_wait3A_16 : memref<6400xi32, #tpu.memory_space<hbm>>) dst(%arg6 : memref<6400xi32, #tpu.memory_space<vmem>>)
    %dma_wait3A_17 = arith.constant 0 : i32
    %dma_wait3A_18 = tpu.memref_slice %arg4[%multiple_of3A_6, %dma_wait3A_17] : memref<1792x128xi32, #tpu.memory_space<hbm>> -> memref<56x128xi32, #tpu.memory_space<hbm>>
    %dma_wait3A_19 = arith.constant 0 : i32
    %dma_wait3A_20 = tpu.memref_slice %arg4[%multiple_of3A_6, %dma_wait3A_19] : memref<1792x128xi32, #tpu.memory_space<hbm>> -> memref<56x128xi32, #tpu.memory_space<hbm>>
    tpu.wait_dma2 semaphore(%arg15 : memref<!tpu.dma_semaphore, #tpu.memory_space<semaphore_mem>>) src(%dma_wait3A_20 : memref<56x128xi32, #tpu.memory_space<hbm>>) dst(%arg7 : memref<56x128xi32, #tpu.memory_space<vmem>>)
    %mul3A_21 = arith.constant 128 : i32
    %mul3A_22 = arith.muli %arg1, %mul3A_21 : i32
    "tpu.region"() ({
      %run_scoped3A = tpu.sem_alloc : memref<!tpu.dma_semaphore, #tpu.memory_space<semaphore_mem>>
      %dma_start3A_108 = arith.constant 0 : i32
      %dma_start3A_109 = tpu.memref_slice %arg13[%mul3A_22, %dma_start3A_108] : memref<2048x64xf32, #tpu.memory_space<vmem_shared>> -> memref<128x64xf32, #tpu.memory_space<vmem_shared>>
      %dma_start3A_110 = arith.constant 0 : i32
      %dma_start3A_111 = tpu.memref_slice %arg13[%mul3A_22, %dma_start3A_110] : memref<2048x64xf32, #tpu.memory_space<vmem_shared>> -> memref<128x64xf32, #tpu.memory_space<vmem_shared>>
      tpu.enqueue_dma source(%arg12 : memref<128x64xf32, #tpu.memory_space<vmem>>) target(%dma_start3A_111 : memref<128x64xf32, #tpu.memory_space<vmem_shared>>) target_semaphore(%run_scoped3A : memref<!tpu.dma_semaphore, #tpu.memory_space<semaphore_mem>>)
      %dma_wait3A_112 = arith.constant 0 : i32
      %dma_wait3A_113 = tpu.memref_slice %arg13[%mul3A_22, %dma_wait3A_112] : memref<2048x64xf32, #tpu.memory_space<vmem_shared>> -> memref<128x64xf32, #tpu.memory_space<vmem_shared>>
      %dma_wait3A_114 = arith.constant 0 : i32
      %dma_wait3A_115 = tpu.memref_slice %arg13[%mul3A_22, %dma_wait3A_114] : memref<2048x64xf32, #tpu.memory_space<vmem_shared>> -> memref<128x64xf32, #tpu.memory_space<vmem_shared>>
      tpu.wait_dma2 semaphore(%run_scoped3A : memref<!tpu.dma_semaphore, #tpu.memory_space<semaphore_mem>>) src(%arg12 : memref<128x64xf32, #tpu.memory_space<vmem>>) dst(%dma_wait3A_115 : memref<128x64xf32, #tpu.memory_space<vmem_shared>>)
      tpu.yield
    }) : () -> ()
    %multiple_of3A_23 = arith.constant 0 : i32
    %multiple_of3A_24 = tpu.assume_multiple %multiple_of3A_23, 128 : i32
    %dma_start3A_25 = tpu.memref_slice %arg6[%multiple_of3A_24] : memref<6400xi32, #tpu.memory_space<vmem>> -> memref<128xi32, #tpu.memory_space<vmem>>
    %dma_start3A_26 = arith.constant 0 : i32
    %dma_start3A_27 = arith.constant 0 : i32
    %dma_start3A_28 = tpu.memref_slice %arg3[%dma_start3A_26, %dma_start3A_27] : memref<100000x64xf32, #tpu.memory_space<hbm>> -> memref<100000x64xf32, #tpu.memory_space<hbm>>
    tpu.enqueue_indirect_dma source(%dma_start3A_28 : memref<100000x64xf32, #tpu.memory_space<hbm>>) target(%arg8 : memref<128x64xf32, #tpu.memory_space<vmem>>) offsets(%dma_start3A_25 : memref<128xi32, #tpu.memory_space<vmem>>) semaphore(%arg14 : memref<!tpu.dma_semaphore, #tpu.memory_space<semaphore_mem>>)
    %multiple_of3A_29 = arith.constant 128 : i32
    %multiple_of3A_30 = tpu.assume_multiple %multiple_of3A_29, 128 : i32
    %dma_start3A_31 = tpu.memref_slice %arg6[%multiple_of3A_30] : memref<6400xi32, #tpu.memory_space<vmem>> -> memref<128xi32, #tpu.memory_space<vmem>>
    %dma_start3A_32 = arith.constant 0 : i32
    %dma_start3A_33 = arith.constant 0 : i32
    %dma_start3A_34 = tpu.memref_slice %arg3[%dma_start3A_32, %dma_start3A_33] : memref<100000x64xf32, #tpu.memory_space<hbm>> -> memref<100000x64xf32, #tpu.memory_space<hbm>>
    tpu.enqueue_indirect_dma source(%dma_start3A_34 : memref<100000x64xf32, #tpu.memory_space<hbm>>) target(%arg9 : memref<128x64xf32, #tpu.memory_space<vmem>>) offsets(%dma_start3A_31 : memref<128xi32, #tpu.memory_space<vmem>>) semaphore(%arg15 : memref<!tpu.dma_semaphore, #tpu.memory_space<semaphore_mem>>)
    %multiple_of3A_35 = arith.constant 256 : i32
    %multiple_of3A_36 = tpu.assume_multiple %multiple_of3A_35, 128 : i32
    %dma_start3A_37 = tpu.memref_slice %arg6[%multiple_of3A_36] : memref<6400xi32, #tpu.memory_space<vmem>> -> memref<128xi32, #tpu.memory_space<vmem>>
    %dma_start3A_38 = arith.constant 0 : i32
    %dma_start3A_39 = arith.constant 0 : i32
    %dma_start3A_40 = tpu.memref_slice %arg3[%dma_start3A_38, %dma_start3A_39] : memref<100000x64xf32, #tpu.memory_space<hbm>> -> memref<100000x64xf32, #tpu.memory_space<hbm>>
    tpu.enqueue_indirect_dma source(%dma_start3A_40 : memref<100000x64xf32, #tpu.memory_space<hbm>>) target(%arg10 : memref<128x64xf32, #tpu.memory_space<vmem>>) offsets(%dma_start3A_37 : memref<128xi32, #tpu.memory_space<vmem>>) semaphore(%arg16 : memref<!tpu.dma_semaphore, #tpu.memory_space<semaphore_mem>>)
    %scan3A_41 = arith.constant 0 : i32
    %scan3A_42 = arith.constant 0 : i32
    %scan3A_43 = arith.constant 12 : i32
    %scan3A_44 = arith.addi %scan3A_42, %scan3A_43 : i32
    %scan3A_45 = arith.constant 1 : i32
    scf.for %scan3A_108 = %scan3A_42 to %scan3A_44 step %scan3A_45  : i32 {
      %mul3A_109 = arith.constant 4 : i32
      %mul3A_110 = arith.muli %mul3A_109, %scan3A_108 : i32
      %add3A_111 = arith.constant 0 : i32
      %add3A_112 = arith.addi %mul3A_110, %add3A_111 : i32
      %dma_wait3A_113 = arith.constant 0 : i32
      %dma_wait3A_114 = arith.constant 0 : i32
      %dma_wait3A_115 = tpu.memref_slice %arg3[%dma_wait3A_113, %dma_wait3A_114] : memref<100000x64xf32, #tpu.memory_space<hbm>> -> memref<128x64xf32, #tpu.memory_space<hbm>>
      %dma_wait3A_116 = arith.constant 0 : i32
      %dma_wait3A_117 = arith.constant 0 : i32
      %dma_wait3A_118 = tpu.memref_slice %arg3[%dma_wait3A_116, %dma_wait3A_117] : memref<100000x64xf32, #tpu.memory_space<hbm>> -> memref<128x64xf32, #tpu.memory_space<hbm>>
      tpu.wait_dma2 semaphore(%arg14 : memref<!tpu.dma_semaphore, #tpu.memory_space<semaphore_mem>>) src(%dma_wait3A_118 : memref<128x64xf32, #tpu.memory_space<hbm>>) dst(%arg8 : memref<128x64xf32, #tpu.memory_space<vmem>>)
      %dma_start3A_119 = arith.constant 0 : i32
      %dma_start3A_120 = tpu.memref_slice %arg7[%add3A_112, %dma_start3A_119] : memref<56x128xi32, #tpu.memory_space<vmem>> -> memref<1x128xi32, #tpu.memory_space<vmem>>
      %dma_start3A_121 = tpu.memref_squeeze %dma_start3A_120 : memref<1x128xi32, #tpu.memory_space<vmem>> -> memref<128xi32, #tpu.memory_space<vmem>>
      %dma_start3A_122 = arith.constant 0 : i32
      %dma_start3A_123 = arith.constant 0 : i32
      %dma_start3A_124 = tpu.memref_slice %arg13[%dma_start3A_122, %dma_start3A_123] : memref<2048x64xf32, #tpu.memory_space<vmem_shared>> -> memref<2048x64xf32, #tpu.memory_space<vmem_shared>>
      tpu.enqueue_indirect_dma source(%arg8 : memref<128x64xf32, #tpu.memory_space<vmem>>) target(%dma_start3A_124 : memref<2048x64xf32, #tpu.memory_space<vmem_shared>>) offsets(%dma_start3A_121 : memref<128xi32, #tpu.memory_space<vmem>>) semaphore(%arg18 : memref<!tpu.dma_semaphore, #tpu.memory_space<semaphore_mem>>) {add = true}
      %add3A_125 = arith.constant 4 : i32
      %add3A_126 = arith.addi %add3A_112, %add3A_125 : i32
      %sub3A = arith.constant 1 : i32
      %sub3A_127 = arith.subi %add3A_126, %sub3A : i32
      %lt3A = arith.constant 50 : i32
      %lt3A_128 = arith.cmpi slt, %sub3A_127, %lt3A : i32
      %convert_element_type3A = arith.extui %lt3A_128 : i1 to i32
      %cond3A = arith.constant 0 : i32
      %cond3A_129 = arith.cmpi ne, %convert_element_type3A, %cond3A : i32
      scf.if %cond3A_129 {
        %ge3A = arith.constant 1 : i32
        %ge3A_205 = arith.cmpi sge, %add3A_112, %ge3A : i32
        %convert_element_type3A_206 = arith.extui %ge3A_205 : i1 to i32
        %cond3A_207 = arith.constant 0 : i32
        %cond3A_208 = arith.cmpi ne, %convert_element_type3A_206, %cond3A_207 : i32
        scf.if %cond3A_208 {
          %dma_wait3A_220 = arith.constant 0 : i32
          %dma_wait3A_221 = arith.constant 0 : i32
          %dma_wait3A_222 = tpu.memref_slice %arg3[%dma_wait3A_220, %dma_wait3A_221] : memref<100000x64xf32, #tpu.memory_space<hbm>> -> memref<128x64xf32, #tpu.memory_space<hbm>>
          %dma_wait3A_223 = arith.constant 0 : i32
          %dma_wait3A_224 = arith.constant 0 : i32
          %dma_wait3A_225 = tpu.memref_slice %arg3[%dma_wait3A_223, %dma_wait3A_224] : memref<100000x64xf32, #tpu.memory_space<hbm>> -> memref<128x64xf32, #tpu.memory_space<hbm>>
          tpu.wait_dma2 semaphore(%arg21 : memref<!tpu.dma_semaphore, #tpu.memory_space<semaphore_mem>>) src(%dma_wait3A_225 : memref<128x64xf32, #tpu.memory_space<hbm>>) dst(%arg11 : memref<128x64xf32, #tpu.memory_space<vmem>>)
        } else {
        }
        %add3A_209 = arith.constant 4 : i32
        %add3A_210 = arith.addi %add3A_112, %add3A_209 : i32
        %sub3A_211 = arith.constant 1 : i32
        %sub3A_212 = arith.subi %add3A_210, %sub3A_211 : i32
        %mul3A_213 = arith.constant 128 : i32
        %mul3A_214 = arith.muli %sub3A_212, %mul3A_213 : i32
        %multiple_of3A_215 = tpu.assume_multiple %mul3A_214, 128 : i32
        %dma_start3A_216 = tpu.memref_slice %arg6[%multiple_of3A_215] : memref<6400xi32, #tpu.memory_space<vmem>> -> memref<128xi32, #tpu.memory_space<vmem>>
        %dma_start3A_217 = arith.constant 0 : i32
        %dma_start3A_218 = arith.constant 0 : i32
        %dma_start3A_219 = tpu.memref_slice %arg3[%dma_start3A_217, %dma_start3A_218] : memref<100000x64xf32, #tpu.memory_space<hbm>> -> memref<100000x64xf32, #tpu.memory_space<hbm>>
        tpu.enqueue_indirect_dma source(%dma_start3A_219 : memref<100000x64xf32, #tpu.memory_space<hbm>>) target(%arg11 : memref<128x64xf32, #tpu.memory_space<vmem>>) offsets(%dma_start3A_216 : memref<128xi32, #tpu.memory_space<vmem>>) semaphore(%arg17 : memref<!tpu.dma_semaphore, #tpu.memory_space<semaphore_mem>>)
      } else {
      }
      %mul3A_130 = arith.constant 4 : i32
      %mul3A_131 = arith.muli %mul3A_130, %scan3A_108 : i32
      %add3A_132 = arith.constant 1 : i32
      %add3A_133 = arith.addi %mul3A_131, %add3A_132 : i32
      %dma_wait3A_134 = arith.constant 0 : i32
      %dma_wait3A_135 = arith.constant 0 : i32
      %dma_wait3A_136 = tpu.memref_slice %arg3[%dma_wait3A_134, %dma_wait3A_135] : memref<100000x64xf32, #tpu.memory_space<hbm>> -> memref<128x64xf32, #tpu.memory_space<hbm>>
      %dma_wait3A_137 = arith.constant 0 : i32
      %dma_wait3A_138 = arith.constant 0 : i32
      %dma_wait3A_139 = tpu.memref_slice %arg3[%dma_wait3A_137, %dma_wait3A_138] : memref<100000x64xf32, #tpu.memory_space<hbm>> -> memref<128x64xf32, #tpu.memory_space<hbm>>
      tpu.wait_dma2 semaphore(%arg15 : memref<!tpu.dma_semaphore, #tpu.memory_space<semaphore_mem>>) src(%dma_wait3A_139 : memref<128x64xf32, #tpu.memory_space<hbm>>) dst(%arg9 : memref<128x64xf32, #tpu.memory_space<vmem>>)
      %dma_start3A_140 = arith.constant 0 : i32
      %dma_start3A_141 = tpu.memref_slice %arg7[%add3A_133, %dma_start3A_140] : memref<56x128xi32, #tpu.memory_space<vmem>> -> memref<1x128xi32, #tpu.memory_space<vmem>>
      %dma_start3A_142 = tpu.memref_squeeze %dma_start3A_141 : memref<1x128xi32, #tpu.memory_space<vmem>> -> memref<128xi32, #tpu.memory_space<vmem>>
      %dma_start3A_143 = arith.constant 0 : i32
      %dma_start3A_144 = arith.constant 0 : i32
      %dma_start3A_145 = tpu.memref_slice %arg13[%dma_start3A_143, %dma_start3A_144] : memref<2048x64xf32, #tpu.memory_space<vmem_shared>> -> memref<2048x64xf32, #tpu.memory_space<vmem_shared>>
      tpu.enqueue_indirect_dma source(%arg9 : memref<128x64xf32, #tpu.memory_space<vmem>>) target(%dma_start3A_145 : memref<2048x64xf32, #tpu.memory_space<vmem_shared>>) offsets(%dma_start3A_142 : memref<128xi32, #tpu.memory_space<vmem>>) semaphore(%arg19 : memref<!tpu.dma_semaphore, #tpu.memory_space<semaphore_mem>>) {add = true}
      %add3A_146 = arith.constant 4 : i32
      %add3A_147 = arith.addi %add3A_133, %add3A_146 : i32
      %sub3A_148 = arith.constant 1 : i32
      %sub3A_149 = arith.subi %add3A_147, %sub3A_148 : i32
      %lt3A_150 = arith.constant 50 : i32
      %lt3A_151 = arith.cmpi slt, %sub3A_149, %lt3A_150 : i32
      %convert_element_type3A_152 = arith.extui %lt3A_151 : i1 to i32
      %cond3A_153 = arith.constant 0 : i32
      %cond3A_154 = arith.cmpi ne, %convert_element_type3A_152, %cond3A_153 : i32
      scf.if %cond3A_154 {
        %ge3A = arith.constant 1 : i32
        %ge3A_205 = arith.cmpi sge, %add3A_133, %ge3A : i32
        %convert_element_type3A_206 = arith.extui %ge3A_205 : i1 to i32
        %cond3A_207 = arith.constant 0 : i32
        %cond3A_208 = arith.cmpi ne, %convert_element_type3A_206, %cond3A_207 : i32
        scf.if %cond3A_208 {
          %dma_wait3A_220 = arith.constant 0 : i32
          %dma_wait3A_221 = arith.constant 0 : i32
          %dma_wait3A_222 = tpu.memref_slice %arg3[%dma_wait3A_220, %dma_wait3A_221] : memref<100000x64xf32, #tpu.memory_space<hbm>> -> memref<128x64xf32, #tpu.memory_space<hbm>>
          %dma_wait3A_223 = arith.constant 0 : i32
          %dma_wait3A_224 = arith.constant 0 : i32
          %dma_wait3A_225 = tpu.memref_slice %arg3[%dma_wait3A_223, %dma_wait3A_224] : memref<100000x64xf32, #tpu.memory_space<hbm>> -> memref<128x64xf32, #tpu.memory_space<hbm>>
          tpu.wait_dma2 semaphore(%arg18 : memref<!tpu.dma_semaphore, #tpu.memory_space<semaphore_mem>>) src(%dma_wait3A_225 : memref<128x64xf32, #tpu.memory_space<hbm>>) dst(%arg8 : memref<128x64xf32, #tpu.memory_space<vmem>>)
        } else {
        }
        %add3A_209 = arith.constant 4 : i32
        %add3A_210 = arith.addi %add3A_133, %add3A_209 : i32
        %sub3A_211 = arith.constant 1 : i32
        %sub3A_212 = arith.subi %add3A_210, %sub3A_211 : i32
        %mul3A_213 = arith.constant 128 : i32
        %mul3A_214 = arith.muli %sub3A_212, %mul3A_213 : i32
        %multiple_of3A_215 = tpu.assume_multiple %mul3A_214, 128 : i32
        %dma_start3A_216 = tpu.memref_slice %arg6[%multiple_of3A_215] : memref<6400xi32, #tpu.memory_space<vmem>> -> memref<128xi32, #tpu.memory_space<vmem>>
        %dma_start3A_217 = arith.constant 0 : i32
        %dma_start3A_218 = arith.constant 0 : i32
        %dma_start3A_219 = tpu.memref_slice %arg3[%dma_start3A_217, %dma_start3A_218] : memref<100000x64xf32, #tpu.memory_space<hbm>> -> memref<100000x64xf32, #tpu.memory_space<hbm>>
        tpu.enqueue_indirect_dma source(%dma_start3A_219 : memref<100000x64xf32, #tpu.memory_space<hbm>>) target(%arg8 : memref<128x64xf32, #tpu.memory_space<vmem>>) offsets(%dma_start3A_216 : memref<128xi32, #tpu.memory_space<vmem>>) semaphore(%arg14 : memref<!tpu.dma_semaphore, #tpu.memory_space<semaphore_mem>>)
      } else {
      }
      %mul3A_155 = arith.constant 4 : i32
      %mul3A_156 = arith.muli %mul3A_155, %scan3A_108 : i32
      %add3A_157 = arith.constant 2 : i32
      %add3A_158 = arith.addi %mul3A_156, %add3A_157 : i32
      %dma_wait3A_159 = arith.constant 0 : i32
      %dma_wait3A_160 = arith.constant 0 : i32
      %dma_wait3A_161 = tpu.memref_slice %arg3[%dma_wait3A_159, %dma_wait3A_160] : memref<100000x64xf32, #tpu.memory_space<hbm>> -> memref<128x64xf32, #tpu.memory_space<hbm>>
      %dma_wait3A_162 = arith.constant 0 : i32
      %dma_wait3A_163 = arith.constant 0 : i32
      %dma_wait3A_164 = tpu.memref_slice %arg3[%dma_wait3A_162, %dma_wait3A_163] : memref<100000x64xf32, #tpu.memory_space<hbm>> -> memref<128x64xf32, #tpu.memory_space<hbm>>
      tpu.wait_dma2 semaphore(%arg16 : memref<!tpu.dma_semaphore, #tpu.memory_space<semaphore_mem>>) src(%dma_wait3A_164 : memref<128x64xf32, #tpu.memory_space<hbm>>) dst(%arg10 : memref<128x64xf32, #tpu.memory_space<vmem>>)
      %dma_start3A_165 = arith.constant 0 : i32
      %dma_start3A_166 = tpu.memref_slice %arg7[%add3A_158, %dma_start3A_165] : memref<56x128xi32, #tpu.memory_space<vmem>> -> memref<1x128xi32, #tpu.memory_space<vmem>>
      %dma_start3A_167 = tpu.memref_squeeze %dma_start3A_166 : memref<1x128xi32, #tpu.memory_space<vmem>> -> memref<128xi32, #tpu.memory_space<vmem>>
      %dma_start3A_168 = arith.constant 0 : i32
      %dma_start3A_169 = arith.constant 0 : i32
      %dma_start3A_170 = tpu.memref_slice %arg13[%dma_start3A_168, %dma_start3A_169] : memref<2048x64xf32, #tpu.memory_space<vmem_shared>> -> memref<2048x64xf32, #tpu.memory_space<vmem_shared>>
      tpu.enqueue_indirect_dma source(%arg10 : memref<128x64xf32, #tpu.memory_space<vmem>>) target(%dma_start3A_170 : memref<2048x64xf32, #tpu.memory_space<vmem_shared>>) offsets(%dma_start3A_167 : memref<128xi32, #tpu.memory_space<vmem>>) semaphore(%arg20 : memref<!tpu.dma_semaphore, #tpu.memory_space<semaphore_mem>>) {add = true}
      %add3A_171 = arith.constant 4 : i32
      %add3A_172 = arith.addi %add3A_158, %add3A_171 : i32
      %sub3A_173 = arith.constant 1 : i32
      %sub3A_174 = arith.subi %add3A_172, %sub3A_173 : i32
      %lt3A_175 = arith.constant 50 : i32
      %lt3A_176 = arith.cmpi slt, %sub3A_174, %lt3A_175 : i32
      %convert_element_type3A_177 = arith.extui %lt3A_176 : i1 to i32
      %cond3A_178 = arith.constant 0 : i32
      %cond3A_179 = arith.cmpi ne, %convert_element_type3A_177, %cond3A_178 : i32
      scf.if %cond3A_179 {
        %ge3A = arith.constant 1 : i32
        %ge3A_205 = arith.cmpi sge, %add3A_158, %ge3A : i32
        %convert_element_type3A_206 = arith.extui %ge3A_205 : i1 to i32
        %cond3A_207 = arith.constant 0 : i32
        %cond3A_208 = arith.cmpi ne, %convert_element_type3A_206, %cond3A_207 : i32
        scf.if %cond3A_208 {
          %dma_wait3A_220 = arith.constant 0 : i32
          %dma_wait3A_221 = arith.constant 0 : i32
          %dma_wait3A_222 = tpu.memref_slice %arg3[%dma_wait3A_220, %dma_wait3A_221] : memref<100000x64xf32, #tpu.memory_space<hbm>> -> memref<128x64xf32, #tpu.memory_space<hbm>>
          %dma_wait3A_223 = arith.constant 0 : i32
          %dma_wait3A_224 = arith.constant 0 : i32
          %dma_wait3A_225 = tpu.memref_slice %arg3[%dma_wait3A_223, %dma_wait3A_224] : memref<100000x64xf32, #tpu.memory_space<hbm>> -> memref<128x64xf32, #tpu.memory_space<hbm>>
          tpu.wait_dma2 semaphore(%arg19 : memref<!tpu.dma_semaphore, #tpu.memory_space<semaphore_mem>>) src(%dma_wait3A_225 : memref<128x64xf32, #tpu.memory_space<hbm>>) dst(%arg9 : memref<128x64xf32, #tpu.memory_space<vmem>>)
        } else {
        }
        %add3A_209 = arith.constant 4 : i32
        %add3A_210 = arith.addi %add3A_158, %add3A_209 : i32
        %sub3A_211 = arith.constant 1 : i32
        %sub3A_212 = arith.subi %add3A_210, %sub3A_211 : i32
        %mul3A_213 = arith.constant 128 : i32
        %mul3A_214 = arith.muli %sub3A_212, %mul3A_213 : i32
        %multiple_of3A_215 = tpu.assume_multiple %mul3A_214, 128 : i32
        %dma_start3A_216 = tpu.memref_slice %arg6[%multiple_of3A_215] : memref<6400xi32, #tpu.memory_space<vmem>> -> memref<128xi32, #tpu.memory_space<vmem>>
        %dma_start3A_217 = arith.constant 0 : i32
        %dma_start3A_218 = arith.constant 0 : i32
        %dma_start3A_219 = tpu.memref_slice %arg3[%dma_start3A_217, %dma_start3A_218] : memref<100000x64xf32, #tpu.memory_space<hbm>> -> memref<100000x64xf32, #tpu.memory_space<hbm>>
        tpu.enqueue_indirect_dma source(%dma_start3A_219 : memref<100000x64xf32, #tpu.memory_space<hbm>>) target(%arg9 : memref<128x64xf32, #tpu.memory_space<vmem>>) offsets(%dma_start3A_216 : memref<128xi32, #tpu.memory_space<vmem>>) semaphore(%arg15 : memref<!tpu.dma_semaphore, #tpu.memory_space<semaphore_mem>>)
      } else {
      }
      %mul3A_180 = arith.constant 4 : i32
      %mul3A_181 = arith.muli %mul3A_180, %scan3A_108 : i32
      %add3A_182 = arith.constant 3 : i32
      %add3A_183 = arith.addi %mul3A_181, %add3A_182 : i32
      %dma_wait3A_184 = arith.constant 0 : i32
      %dma_wait3A_185 = arith.constant 0 : i32
      %dma_wait3A_186 = tpu.memref_slice %arg3[%dma_wait3A_184, %dma_wait3A_185] : memref<100000x64xf32, #tpu.memory_space<hbm>> -> memref<128x64xf32, #tpu.memory_space<hbm>>
      %dma_wait3A_187 = arith.constant 0 : i32
      %dma_wait3A_188 = arith.constant 0 : i32
      %dma_wait3A_189 = tpu.memref_slice %arg3[%dma_wait3A_187, %dma_wait3A_188] : memref<100000x64xf32, #tpu.memory_space<hbm>> -> memref<128x64xf32, #tpu.memory_space<hbm>>
      tpu.wait_dma2 semaphore(%arg17 : memref<!tpu.dma_semaphore, #tpu.memory_space<semaphore_mem>>) src(%dma_wait3A_189 : memref<128x64xf32, #tpu.memory_space<hbm>>) dst(%arg11 : memref<128x64xf32, #tpu.memory_space<vmem>>)
      %dma_start3A_190 = arith.constant 0 : i32
      %dma_start3A_191 = tpu.memref_slice %arg7[%add3A_183, %dma_start3A_190] : memref<56x128xi32, #tpu.memory_space<vmem>> -> memref<1x128xi32, #tpu.memory_space<vmem>>
      %dma_start3A_192 = tpu.memref_squeeze %dma_start3A_191 : memref<1x128xi32, #tpu.memory_space<vmem>> -> memref<128xi32, #tpu.memory_space<vmem>>
      %dma_start3A_193 = arith.constant 0 : i32
      %dma_start3A_194 = arith.constant 0 : i32
      %dma_start3A_195 = tpu.memref_slice %arg13[%dma_start3A_193, %dma_start3A_194] : memref<2048x64xf32, #tpu.memory_space<vmem_shared>> -> memref<2048x64xf32, #tpu.memory_space<vmem_shared>>
      tpu.enqueue_indirect_dma source(%arg11 : memref<128x64xf32, #tpu.memory_space<vmem>>) target(%dma_start3A_195 : memref<2048x64xf32, #tpu.memory_space<vmem_shared>>) offsets(%dma_start3A_192 : memref<128xi32, #tpu.memory_space<vmem>>) semaphore(%arg21 : memref<!tpu.dma_semaphore, #tpu.memory_space<semaphore_mem>>) {add = true}
      %add3A_196 = arith.constant 4 : i32
      %add3A_197 = arith.addi %add3A_183, %add3A_196 : i32
      %sub3A_198 = arith.constant 1 : i32
      %sub3A_199 = arith.subi %add3A_197, %sub3A_198 : i32
      %lt3A_200 = arith.constant 50 : i32
      %lt3A_201 = arith.cmpi slt, %sub3A_199, %lt3A_200 : i32
      %convert_element_type3A_202 = arith.extui %lt3A_201 : i1 to i32
      %cond3A_203 = arith.constant 0 : i32
      %cond3A_204 = arith.cmpi ne, %convert_element_type3A_202, %cond3A_203 : i32
      scf.if %cond3A_204 {
        %ge3A = arith.constant 1 : i32
        %ge3A_205 = arith.cmpi sge, %add3A_183, %ge3A : i32
        %convert_element_type3A_206 = arith.extui %ge3A_205 : i1 to i32
        %cond3A_207 = arith.constant 0 : i32
        %cond3A_208 = arith.cmpi ne, %convert_element_type3A_206, %cond3A_207 : i32
        scf.if %cond3A_208 {
          %dma_wait3A_220 = arith.constant 0 : i32
          %dma_wait3A_221 = arith.constant 0 : i32
          %dma_wait3A_222 = tpu.memref_slice %arg3[%dma_wait3A_220, %dma_wait3A_221] : memref<100000x64xf32, #tpu.memory_space<hbm>> -> memref<128x64xf32, #tpu.memory_space<hbm>>
          %dma_wait3A_223 = arith.constant 0 : i32
          %dma_wait3A_224 = arith.constant 0 : i32
          %dma_wait3A_225 = tpu.memref_slice %arg3[%dma_wait3A_223, %dma_wait3A_224] : memref<100000x64xf32, #tpu.memory_space<hbm>> -> memref<128x64xf32, #tpu.memory_space<hbm>>
          tpu.wait_dma2 semaphore(%arg20 : memref<!tpu.dma_semaphore, #tpu.memory_space<semaphore_mem>>) src(%dma_wait3A_225 : memref<128x64xf32, #tpu.memory_space<hbm>>) dst(%arg10 : memref<128x64xf32, #tpu.memory_space<vmem>>)
        } else {
        }
        %add3A_209 = arith.constant 4 : i32
        %add3A_210 = arith.addi %add3A_183, %add3A_209 : i32
        %sub3A_211 = arith.constant 1 : i32
        %sub3A_212 = arith.subi %add3A_210, %sub3A_211 : i32
        %mul3A_213 = arith.constant 128 : i32
        %mul3A_214 = arith.muli %sub3A_212, %mul3A_213 : i32
        %multiple_of3A_215 = tpu.assume_multiple %mul3A_214, 128 : i32
        %dma_start3A_216 = tpu.memref_slice %arg6[%multiple_of3A_215] : memref<6400xi32, #tpu.memory_space<vmem>> -> memref<128xi32, #tpu.memory_space<vmem>>
        %dma_start3A_217 = arith.constant 0 : i32
        %dma_start3A_218 = arith.constant 0 : i32
        %dma_start3A_219 = tpu.memref_slice %arg3[%dma_start3A_217, %dma_start3A_218] : memref<100000x64xf32, #tpu.memory_space<hbm>> -> memref<100000x64xf32, #tpu.memory_space<hbm>>
        tpu.enqueue_indirect_dma source(%dma_start3A_219 : memref<100000x64xf32, #tpu.memory_space<hbm>>) target(%arg10 : memref<128x64xf32, #tpu.memory_space<vmem>>) offsets(%dma_start3A_216 : memref<128xi32, #tpu.memory_space<vmem>>) semaphore(%arg16 : memref<!tpu.dma_semaphore, #tpu.memory_space<semaphore_mem>>)
      } else {
      }
    }
    %scan3A_46 = arith.constant 12 : i32
    %dma_wait3A_47 = arith.constant 0 : i32
    %dma_wait3A_48 = arith.constant 0 : i32
    %dma_wait3A_49 = tpu.memref_slice %arg3[%dma_wait3A_47, %dma_wait3A_48] : memref<100000x64xf32, #tpu.memory_space<hbm>> -> memref<128x64xf32, #tpu.memory_space<hbm>>
    %dma_wait3A_50 = arith.constant 0 : i32
    %dma_wait3A_51 = arith.constant 0 : i32
    %dma_wait3A_52 = tpu.memref_slice %arg3[%dma_wait3A_50, %dma_wait3A_51] : memref<100000x64xf32, #tpu.memory_space<hbm>> -> memref<128x64xf32, #tpu.memory_space<hbm>>
    tpu.wait_dma2 semaphore(%arg14 : memref<!tpu.dma_semaphore, #tpu.memory_space<semaphore_mem>>) src(%dma_wait3A_52 : memref<128x64xf32, #tpu.memory_space<hbm>>) dst(%arg8 : memref<128x64xf32, #tpu.memory_space<vmem>>)
    %dma_start3A_53 = arith.constant 48 : i32
    %dma_start3A_54 = arith.constant 0 : i32
    %dma_start3A_55 = tpu.memref_slice %arg7[%dma_start3A_53, %dma_start3A_54] : memref<56x128xi32, #tpu.memory_space<vmem>> -> memref<1x128xi32, #tpu.memory_space<vmem>>
    %dma_start3A_56 = tpu.memref_squeeze %dma_start3A_55 : memref<1x128xi32, #tpu.memory_space<vmem>> -> memref<128xi32, #tpu.memory_space<vmem>>
    %dma_start3A_57 = arith.constant 0 : i32
    %dma_start3A_58 = arith.constant 0 : i32
    %dma_start3A_59 = tpu.memref_slice %arg13[%dma_start3A_57, %dma_start3A_58] : memref<2048x64xf32, #tpu.memory_space<vmem_shared>> -> memref<2048x64xf32, #tpu.memory_space<vmem_shared>>
    tpu.enqueue_indirect_dma source(%arg8 : memref<128x64xf32, #tpu.memory_space<vmem>>) target(%dma_start3A_59 : memref<2048x64xf32, #tpu.memory_space<vmem_shared>>) offsets(%dma_start3A_56 : memref<128xi32, #tpu.memory_space<vmem>>) semaphore(%arg18 : memref<!tpu.dma_semaphore, #tpu.memory_space<semaphore_mem>>) {add = true}
    %dma_wait3A_60 = arith.constant 0 : i32
    %dma_wait3A_61 = arith.constant 0 : i32
    %dma_wait3A_62 = tpu.memref_slice %arg3[%dma_wait3A_60, %dma_wait3A_61] : memref<100000x64xf32, #tpu.memory_space<hbm>> -> memref<128x64xf32, #tpu.memory_space<hbm>>
    %dma_wait3A_63 = arith.constant 0 : i32
    %dma_wait3A_64 = arith.constant 0 : i32
    %dma_wait3A_65 = tpu.memref_slice %arg3[%dma_wait3A_63, %dma_wait3A_64] : memref<100000x64xf32, #tpu.memory_space<hbm>> -> memref<128x64xf32, #tpu.memory_space<hbm>>
    tpu.wait_dma2 semaphore(%arg15 : memref<!tpu.dma_semaphore, #tpu.memory_space<semaphore_mem>>) src(%dma_wait3A_65 : memref<128x64xf32, #tpu.memory_space<hbm>>) dst(%arg9 : memref<128x64xf32, #tpu.memory_space<vmem>>)
    %dma_start3A_66 = arith.constant 49 : i32
    %dma_start3A_67 = arith.constant 0 : i32
    %dma_start3A_68 = tpu.memref_slice %arg7[%dma_start3A_66, %dma_start3A_67] : memref<56x128xi32, #tpu.memory_space<vmem>> -> memref<1x128xi32, #tpu.memory_space<vmem>>
    %dma_start3A_69 = tpu.memref_squeeze %dma_start3A_68 : memref<1x128xi32, #tpu.memory_space<vmem>> -> memref<128xi32, #tpu.memory_space<vmem>>
    %dma_start3A_70 = arith.constant 0 : i32
    %dma_start3A_71 = arith.constant 0 : i32
    %dma_start3A_72 = tpu.memref_slice %arg13[%dma_start3A_70, %dma_start3A_71] : memref<2048x64xf32, #tpu.memory_space<vmem_shared>> -> memref<2048x64xf32, #tpu.memory_space<vmem_shared>>
    tpu.enqueue_indirect_dma source(%arg9 : memref<128x64xf32, #tpu.memory_space<vmem>>) target(%dma_start3A_72 : memref<2048x64xf32, #tpu.memory_space<vmem_shared>>) offsets(%dma_start3A_69 : memref<128xi32, #tpu.memory_space<vmem>>) semaphore(%arg19 : memref<!tpu.dma_semaphore, #tpu.memory_space<semaphore_mem>>) {add = true}
    %dma_wait3A_73 = arith.constant 0 : i32
    %dma_wait3A_74 = arith.constant 0 : i32
    %dma_wait3A_75 = tpu.memref_slice %arg3[%dma_wait3A_73, %dma_wait3A_74] : memref<100000x64xf32, #tpu.memory_space<hbm>> -> memref<128x64xf32, #tpu.memory_space<hbm>>
    %dma_wait3A_76 = arith.constant 0 : i32
    %dma_wait3A_77 = arith.constant 0 : i32
    %dma_wait3A_78 = tpu.memref_slice %arg3[%dma_wait3A_76, %dma_wait3A_77] : memref<100000x64xf32, #tpu.memory_space<hbm>> -> memref<128x64xf32, #tpu.memory_space<hbm>>
    tpu.wait_dma2 semaphore(%arg18 : memref<!tpu.dma_semaphore, #tpu.memory_space<semaphore_mem>>) src(%dma_wait3A_78 : memref<128x64xf32, #tpu.memory_space<hbm>>) dst(%arg8 : memref<128x64xf32, #tpu.memory_space<vmem>>)
    %dma_wait3A_79 = arith.constant 0 : i32
    %dma_wait3A_80 = arith.constant 0 : i32
    %dma_wait3A_81 = tpu.memref_slice %arg3[%dma_wait3A_79, %dma_wait3A_80] : memref<100000x64xf32, #tpu.memory_space<hbm>> -> memref<128x64xf32, #tpu.memory_space<hbm>>
    %dma_wait3A_82 = arith.constant 0 : i32
    %dma_wait3A_83 = arith.constant 0 : i32
    %dma_wait3A_84 = tpu.memref_slice %arg3[%dma_wait3A_82, %dma_wait3A_83] : memref<100000x64xf32, #tpu.memory_space<hbm>> -> memref<128x64xf32, #tpu.memory_space<hbm>>
    tpu.wait_dma2 semaphore(%arg19 : memref<!tpu.dma_semaphore, #tpu.memory_space<semaphore_mem>>) src(%dma_wait3A_84 : memref<128x64xf32, #tpu.memory_space<hbm>>) dst(%arg9 : memref<128x64xf32, #tpu.memory_space<vmem>>)
    %dma_wait3A_85 = arith.constant 0 : i32
    %dma_wait3A_86 = arith.constant 0 : i32
    %dma_wait3A_87 = tpu.memref_slice %arg3[%dma_wait3A_85, %dma_wait3A_86] : memref<100000x64xf32, #tpu.memory_space<hbm>> -> memref<128x64xf32, #tpu.memory_space<hbm>>
    %dma_wait3A_88 = arith.constant 0 : i32
    %dma_wait3A_89 = arith.constant 0 : i32
    %dma_wait3A_90 = tpu.memref_slice %arg3[%dma_wait3A_88, %dma_wait3A_89] : memref<100000x64xf32, #tpu.memory_space<hbm>> -> memref<128x64xf32, #tpu.memory_space<hbm>>
    tpu.wait_dma2 semaphore(%arg20 : memref<!tpu.dma_semaphore, #tpu.memory_space<semaphore_mem>>) src(%dma_wait3A_90 : memref<128x64xf32, #tpu.memory_space<hbm>>) dst(%arg10 : memref<128x64xf32, #tpu.memory_space<vmem>>)
    %dma_wait3A_91 = arith.constant 0 : i32
    %dma_wait3A_92 = arith.constant 0 : i32
    %dma_wait3A_93 = tpu.memref_slice %arg3[%dma_wait3A_91, %dma_wait3A_92] : memref<100000x64xf32, #tpu.memory_space<hbm>> -> memref<128x64xf32, #tpu.memory_space<hbm>>
    %dma_wait3A_94 = arith.constant 0 : i32
    %dma_wait3A_95 = arith.constant 0 : i32
    %dma_wait3A_96 = tpu.memref_slice %arg3[%dma_wait3A_94, %dma_wait3A_95] : memref<100000x64xf32, #tpu.memory_space<hbm>> -> memref<128x64xf32, #tpu.memory_space<hbm>>
    tpu.wait_dma2 semaphore(%arg21 : memref<!tpu.dma_semaphore, #tpu.memory_space<semaphore_mem>>) src(%dma_wait3A_96 : memref<128x64xf32, #tpu.memory_space<hbm>>) dst(%arg11 : memref<128x64xf32, #tpu.memory_space<vmem>>)
    %mul3A_97 = arith.constant 128 : i32
    %mul3A_98 = arith.muli %arg1, %mul3A_97 : i32
    "tpu.region"() ({
      %run_scoped3A = tpu.sem_alloc : memref<!tpu.dma_semaphore, #tpu.memory_space<semaphore_mem>>
      %dma_start3A_108 = arith.constant 0 : i32
      %dma_start3A_109 = tpu.memref_slice %arg13[%mul3A_98, %dma_start3A_108] : memref<2048x64xf32, #tpu.memory_space<vmem_shared>> -> memref<128x64xf32, #tpu.memory_space<vmem_shared>>
      %dma_start3A_110 = arith.constant 0 : i32
      %dma_start3A_111 = tpu.memref_slice %arg13[%mul3A_98, %dma_start3A_110] : memref<2048x64xf32, #tpu.memory_space<vmem_shared>> -> memref<128x64xf32, #tpu.memory_space<vmem_shared>>
      tpu.enqueue_dma source(%dma_start3A_111 : memref<128x64xf32, #tpu.memory_space<vmem_shared>>) target(%arg12 : memref<128x64xf32, #tpu.memory_space<vmem>>) target_semaphore(%run_scoped3A : memref<!tpu.dma_semaphore, #tpu.memory_space<semaphore_mem>>)
      %dma_wait3A_112 = arith.constant 0 : i32
      %dma_wait3A_113 = tpu.memref_slice %arg13[%mul3A_98, %dma_wait3A_112] : memref<2048x64xf32, #tpu.memory_space<vmem_shared>> -> memref<128x64xf32, #tpu.memory_space<vmem_shared>>
      %dma_wait3A_114 = arith.constant 0 : i32
      %dma_wait3A_115 = tpu.memref_slice %arg13[%mul3A_98, %dma_wait3A_114] : memref<2048x64xf32, #tpu.memory_space<vmem_shared>> -> memref<128x64xf32, #tpu.memory_space<vmem_shared>>
      tpu.wait_dma2 semaphore(%run_scoped3A : memref<!tpu.dma_semaphore, #tpu.memory_space<semaphore_mem>>) src(%dma_wait3A_115 : memref<128x64xf32, #tpu.memory_space<vmem_shared>>) dst(%arg12 : memref<128x64xf32, #tpu.memory_space<vmem>>)
      tpu.yield
    }) : () -> ()
    %scan3A_99 = arith.constant 0 : i32
    %scan3A_100 = arith.constant 0 : i32
    %scan3A_101 = arith.constant 128 : i32
    %scan3A_102 = arith.addi %scan3A_100, %scan3A_101 : i32
    %scan3A_103 = arith.constant 1 : i32
    scf.for %scan3A_108 = %scan3A_100 to %scan3A_102 step %scan3A_103  : i32 {
      %get3A = arith.index_cast %scan3A_108 : i32 to index
      %get3A_109 = arith.constant 0 : index
      %get3A_110 = tpu.vector_load %arg12[%get3A, %get3A_109] {strides = array<i32>} : memref<128x64xf32, #tpu.memory_space<vmem>>, vector<1x16xf32>,
      %get3A_111 = vector.shape_cast %get3A_110 : vector<1x16xf32> to vector<16xf32>
      %mul3A_112 = arith.constant 2.000000e-02 : f32
      %mul3A_113 = vector.broadcast %mul3A_112 : f32 to vector<16xf32>
      %mul3A_114 = arith.mulf %get3A_111, %mul3A_113 : vector<16xf32>
      %swap3A = arith.index_cast %scan3A_108 : i32 to index
      %swap3A_115 = arith.constant 0 : index
      %swap3A_116 = tpu.vector_load %arg12[%swap3A, %swap3A_115] {strides = array<i32>} : memref<128x64xf32, #tpu.memory_space<vmem>>, vector<1x16xf32>,
      %swap3A_117 = vector.shape_cast %swap3A_116 : vector<1x16xf32> to vector<16xf32>
      %swap3A_118 = vector.shape_cast %mul3A_114 : vector<16xf32> to vector<1x16xf32>
      tpu.vector_store %arg12[%swap3A, %swap3A_115], %swap3A_118 {strides = array<i32>} : memref<128x64xf32, #tpu.memory_space<vmem>>, vector<1x16xf32>,
      %get3A_119 = arith.index_cast %scan3A_108 : i32 to index
      %get3A_120 = arith.constant 16 : index
      %get3A_121 = tpu.vector_load %arg12[%get3A_119, %get3A_120] {strides = array<i32>} : memref<128x64xf32, #tpu.memory_space<vmem>>, vector<1x16xf32>,
      %get3A_122 = vector.shape_cast %get3A_121 : vector<1x16xf32> to vector<16xf32>
      %mul3A_123 = arith.constant 2.000000e-02 : f32
      %mul3A_124 = vector.broadcast %mul3A_123 : f32 to vector<16xf32>
      %mul3A_125 = arith.mulf %get3A_122, %mul3A_124 : vector<16xf32>
      %swap3A_126 = arith.index_cast %scan3A_108 : i32 to index
      %swap3A_127 = arith.constant 16 : index
      %swap3A_128 = tpu.vector_load %arg12[%swap3A_126, %swap3A_127] {strides = array<i32>} : memref<128x64xf32, #tpu.memory_space<vmem>>, vector<1x16xf32>,
      %swap3A_129 = vector.shape_cast %swap3A_128 : vector<1x16xf32> to vector<16xf32>
      %swap3A_130 = vector.shape_cast %mul3A_125 : vector<16xf32> to vector<1x16xf32>
      tpu.vector_store %arg12[%swap3A_126, %swap3A_127], %swap3A_130 {strides = array<i32>} : memref<128x64xf32, #tpu.memory_space<vmem>>, vector<1x16xf32>,
      %get3A_131 = arith.index_cast %scan3A_108 : i32 to index
      %get3A_132 = arith.constant 32 : index
      %get3A_133 = tpu.vector_load %arg12[%get3A_131, %get3A_132] {strides = array<i32>} : memref<128x64xf32, #tpu.memory_space<vmem>>, vector<1x16xf32>,
      %get3A_134 = vector.shape_cast %get3A_133 : vector<1x16xf32> to vector<16xf32>
      %mul3A_135 = arith.constant 2.000000e-02 : f32
      %mul3A_136 = vector.broadcast %mul3A_135 : f32 to vector<16xf32>
      %mul3A_137 = arith.mulf %get3A_134, %mul3A_136 : vector<16xf32>
      %swap3A_138 = arith.index_cast %scan3A_108 : i32 to index
      %swap3A_139 = arith.constant 32 : index
      %swap3A_140 = tpu.vector_load %arg12[%swap3A_138, %swap3A_139] {strides = array<i32>} : memref<128x64xf32, #tpu.memory_space<vmem>>, vector<1x16xf32>,
      %swap3A_141 = vector.shape_cast %swap3A_140 : vector<1x16xf32> to vector<16xf32>
      %swap3A_142 = vector.shape_cast %mul3A_137 : vector<16xf32> to vector<1x16xf32>
      tpu.vector_store %arg12[%swap3A_138, %swap3A_139], %swap3A_142 {strides = array<i32>} : memref<128x64xf32, #tpu.memory_space<vmem>>, vector<1x16xf32>,
      %get3A_143 = arith.index_cast %scan3A_108 : i32 to index
      %get3A_144 = arith.constant 48 : index
      %get3A_145 = tpu.vector_load %arg12[%get3A_143, %get3A_144] {strides = array<i32>} : memref<128x64xf32, #tpu.memory_space<vmem>>, vector<1x16xf32>,
      %get3A_146 = vector.shape_cast %get3A_145 : vector<1x16xf32> to vector<16xf32>
      %mul3A_147 = arith.constant 2.000000e-02 : f32
      %mul3A_148 = vector.broadcast %mul3A_147 : f32 to vector<16xf32>
      %mul3A_149 = arith.mulf %get3A_146, %mul3A_148 : vector<16xf32>
      %swap3A_150 = arith.index_cast %scan3A_108 : i32 to index
      %swap3A_151 = arith.constant 48 : index
      %swap3A_152 = tpu.vector_load %arg12[%swap3A_150, %swap3A_151] {strides = array<i32>} : memref<128x64xf32, #tpu.memory_space<vmem>>, vector<1x16xf32>,
      %swap3A_153 = vector.shape_cast %swap3A_152 : vector<1x16xf32> to vector<16xf32>
      %swap3A_154 = vector.shape_cast %mul3A_149 : vector<16xf32> to vector<1x16xf32>
      tpu.vector_store %arg12[%swap3A_150, %swap3A_151], %swap3A_154 {strides = array<i32>} : memref<128x64xf32, #tpu.memory_space<vmem>>, vector<1x16xf32>,
    }
    %scan3A_104 = arith.constant 128 : i32
    %mul3A_105 = arith.constant 128 : i32
    %mul3A_106 = arith.muli %add3A, %mul3A_105 : i32
    %multiple_of3A_107 = tpu.assume_multiple %mul3A_106, 128 : i32
    "tpu.region"() ({
      %run_scoped3A = tpu.sem_alloc : memref<!tpu.dma_semaphore, #tpu.memory_space<semaphore_mem>>
      %dma_start3A_108 = arith.constant 0 : i32
      %dma_start3A_109 = tpu.memref_slice %arg5[%multiple_of3A_107, %dma_start3A_108] : memref<4096x64xf32, #tpu.memory_space<hbm>> -> memref<128x64xf32, #tpu.memory_space<hbm>>
      %dma_start3A_110 = arith.constant 0 : i32
      %dma_start3A_111 = tpu.memref_slice %arg5[%multiple_of3A_107, %dma_start3A_110] : memref<4096x64xf32, #tpu.memory_space<hbm>> -> memref<128x64xf32, #tpu.memory_space<hbm>>
      tpu.enqueue_dma source(%arg12 : memref<128x64xf32, #tpu.memory_space<vmem>>) target(%dma_start3A_111 : memref<128x64xf32, #tpu.memory_space<hbm>>) target_semaphore(%run_scoped3A : memref<!tpu.dma_semaphore, #tpu.memory_space<semaphore_mem>>)
      %dma_wait3A_112 = arith.constant 0 : i32
      %dma_wait3A_113 = tpu.memref_slice %arg5[%multiple_of3A_107, %dma_wait3A_112] : memref<4096x64xf32, #tpu.memory_space<hbm>> -> memref<128x64xf32, #tpu.memory_space<hbm>>
      %dma_wait3A_114 = arith.constant 0 : i32
      %dma_wait3A_115 = tpu.memref_slice %arg5[%multiple_of3A_107, %dma_wait3A_114] : memref<4096x64xf32, #tpu.memory_space<hbm>> -> memref<128x64xf32, #tpu.memory_space<hbm>>
      tpu.wait_dma2 semaphore(%run_scoped3A : memref<!tpu.dma_semaphore, #tpu.memory_space<semaphore_mem>>) src(%arg12 : memref<128x64xf32, #tpu.memory_space<vmem>>) dst(%dma_wait3A_115 : memref<128x64xf32, #tpu.memory_space<hbm>>)
      tpu.yield
    }) : () -> ()
    return
  }
}

</mosaic_0001>

<sc_bundles>
// kernel: kernel.11.cloned.1.call-start
scs
__scs_entry_jumppad:
0x0: {  	(pc) =	sbr.rel $0x88, $3  }
0x1: {  	(tag) =	ssettag $0x0;
	lr =	simm.s32 $0x1  }
0x2: {  	[smem:$0x3F9D] =	sst lr;
	_ =	strace $0xD0000000  }
0x3: {  	_ = 	snop  }
0x4: {  	_ = 	snop  }
0x5: {  	_ = 	snop  }
0x6: {  	_ = 	snop  }
0x7: {  	_ = 	snop  }
__scs_overlays_trampoline_lowered:
0x8: {  	[smem:$0x3FAC] =	sst s0  }
0x9: {  	[smem:$0x3FAD] =	sst s1  }
0xa: {  	[smem:$0x3FAE] =	sst s2  }
0xb: {  	[smem:$0x3FAF] =	sst s3  }
0xc: {  	[smem:$0x3FB0] =	sst s4  }
0xd: {  	[smem:$0x3FB1] =	sst s5  }
0xe: {  	[smem:$0x3FB2] =	sst s6  }
0xf: {  	[smem:$0x3FB3] =	sst s7  }
0x10: {  	[smem:$0x3FB4] =	sst s8  }
0x11: {  	[smem:$0x3FB5] =	sst s9;
	s0 =	simm.s32 @!p0 $0x0  }
0x12: {  	s1 =	sld [smem:$0x3F9B];
	s0 =	simm.s32 @p0 $0x1  }
0x13: {  	[smem:$0x3FB6] =	sst s0;
	s0 =	simm.s32 @!p1 $0x0  }
0x14: {  	s2 =	sld [smem:$0x3F9A];
	s0 =	simm.s32 @p1 $0x1  }
0x15: {  	[smem:$0x3FB7] =	sst s0;
	s0 =	simm.s32 @!p2 $0x0  }
0x16: {  	s3 =	sld [smem:$0x3FDB];
	s0 =	simm.s32 @p2 $0x1  }
0x17: {  	s4 =	simm.s32 $0x1BF5;
	[smem:$0x3FB9] =	sst s0  }
0x18: {  	s0 =	sld [smem:$0x3F9C];
	_ =	swait.ge [sflag:s4], $0x0  }
0x19: {  	s7 =	sld [smem:$0x3F9D]  }
0x1a: {  	s8 =	sadd.s32 $0xFFFFE003, lr  }
0x1b: {  	s9 =	sadd.s32 $0xFFFFFEF7, lr;
	s5 =	simm.s32 $0xFFFFFFFF;
	p2 =	slt.u32 s8, $0xFFFFF086  }
0x1c: {  	p1 =	slt.u32 s9, $0xF7A;
	s5 =	simm.s32 @!p2 $0x0  }
0x1d: {  	s5 =	simm.s32 @p1 $0x1;
	p0 =	seq.s32 s7, s2  }
0x1e: {  	s7 =	smul.u32 @!p0 $0xF7A, s2;
	p2 =	seq.s32 @!p0 s5, $0x0  }
0x1f: {  	s9 =	smul.u32 $0xF7A, s1;
	s8 =	simm.s32 @!p0 $0x1BF5;
	p2 =	por !p2, p0  }
0x20: {  	[sflag:s8] =	ssyncset.s32 @!p0 $0xFFFFF086;
	s6 =	sadd.s32 @!p0 s3, s7;
	s7 =	simm.s32 @!p0 $0x108  }
0x21: {  	s3 =	sadd.s32 s3, s9;
	s6 =	sadd.s32 @!p0 $0x88, s6;
	s7 =	simm.s32 @p2 $0x1082  }
0x22: {  	[simem:s7], [sflag:s8] =	dma.local @!p0 [hbm:s6], $0xF7A  }
0x23: {  	s9 =	sor.u32 $0xD0000000, s2;
	s6 =	simm.s32 $0x108;
	_ =	swait.ge @!p0 [sflag:s8], $0x0  }
0x24: {  	s3 =	sadd.s32 $0x88, s3;
	s6 =	simm.s32 @!p1 $0x1082;
	[sflag:s4] =	ssyncset.s32 $0xFFFFF086  }
0x25: {  	[simem:s6], [sflag:s4] =	dma.local [hbm:s3], $0xF7A  }
0x26: {  	[smem:$0x3F9D] =	sst s1;
	(tag) =	ssettag s2;
	_ =	strace s9  }
0x27: {  	s1 =	sld [smem:$0x3FAD]  }
0x28: {  	s2 =	sld [smem:$0x3FAE]  }
0x29: {  	s4 =	sld [smem:$0x3FB0]  }
0x2a: {  	p0 =	seq.s32 s5, $0x0;
	s5 =	sld [smem:$0x3FB1]  }
0x2b: {  	s6 =	sld [smem:$0x3FB2]  }
0x2c: {  	s7 =	sld [smem:$0x3FB3]  }
0x2d: {  	s3 =	simm.s32 $0x108;
	s8 =	sld [smem:$0x3FB4]  }
0x2e: {  	s3 =	simm.s32 @!p0 $0x1082;
	s9 =	sld [smem:$0x3FB5]  }
0x2f: {  	lr =	sadd.s32 s0, s3;
	s0 =	sld [smem:$0x3FAC]  }
0x30: {  	s3 =	sld [smem:$0x3FAF]  }
0x31: {  	[smem:$0x3FB8] =	sst s10  }
0x32: {  	s10 =	sld [smem:$0x3FB6];
	_ =	sdelay $0x3  }
0x33: {  	p0 =	seq.s32 s10, $0x1;
	s10 =	sld [smem:$0x3FB8];
	_ =	sdelay $0x3  }
0x34: {  	[smem:$0x3FB8] =	sst s10  }
0x35: {  	s10 =	sld [smem:$0x3FB7];
	_ =	sdelay $0x3  }
0x36: {  	p1 =	seq.s32 s10, $0x1;
	s10 =	sld [smem:$0x3FB8];
	_ =	sdelay $0x3  }
0x37: {  	[smem:$0x3FB8] =	sst s10  }
0x38: {  	s10 =	sld [smem:$0x3FB9]  }
0x39: {  	_ = 	snop;
	(pc) =	sbr.ind lr, $3  }
0x3a: {  	_ = 	snop  }
0x3b: {  	_ = 	snop  }
0x3c: {  	p2 =	seq.s32 s10, $0x1;
	s10 =	sld [smem:$0x3FB8]  }
0x3d: {  	_ =	shalt  }
0x3e: {  	_ =	shalt  }
0x3f: {  	_ =	shalt  }
0x40: {  	_ =	shalt  }
0x41: {  	_ =	shalt  }
0x42: {  	_ =	shalt  }
0x43: {  	_ =	shalt  }
0x44: {  	_ =	shalt  }
0x45: {  	_ =	shalt  }
0x46: {  	_ =	shalt  }
0x47: {  	_ =	shalt  }
0x48: {  	_ =	shalt  }
0x49: {  	_ =	shalt  }
0x4a: {  	_ =	shalt  }
0x4b: {  	_ =	shalt  }
0x4c: {  	_ =	shalt  }
0x4d: {  	_ =	shalt  }
0x4e: {  	_ =	shalt  }
0x4f: {  	_ =	shalt  }
0x50: {  	_ =	shalt  }
0x51: {  	_ =	shalt  }
0x52: {  	_ =	shalt  }
0x53: {  	_ =	shalt  }
0x54: {  	_ =	shalt  }
0x55: {  	_ =	shalt  }
0x56: {  	_ =	shalt  }
0x57: {  	_ =	shalt  }
0x58: {  	_ =	shalt  }
0x59: {  	_ =	shalt  }
0x5a: {  	_ =	shalt  }
0x5b: {  	_ =	shalt  }
0x5c: {  	_ =	shalt  }
0x5d: {  	_ =	shalt  }
0x5e: {  	_ =	shalt  }
0x5f: {  	_ =	shalt  }
0x60: {  	_ =	shalt  }
0x61: {  	_ =	shalt  }
0x62: {  	_ =	shalt  }
0x63: {  	_ =	shalt  }
0x64: {  	_ =	shalt  }
0x65: {  	_ =	shalt  }
0x66: {  	_ =	shalt  }
0x67: {  	_ =	shalt  }
0x68: {  	_ =	shalt  }
0x69: {  	_ =	shalt  }
0x6a: {  	_ =	shalt  }
0x6b: {  	_ =	shalt  }
0x6c: {  	_ =	shalt  }
0x6d: {  	_ =	shalt  }
0x6e: {  	_ =	shalt  }
0x6f: {  	_ =	shalt  }
0x70: {  	_ =	shalt  }
0x71: {  	_ =	shalt  }
0x72: {  	_ =	shalt  }
0x73: {  	_ =	shalt  }
0x74: {  	_ =	shalt  }
0x75: {  	_ =	shalt  }
0x76: {  	_ =	shalt  }
0x77: {  	_ =	shalt  }
0x78: {  	_ =	shalt  }
0x79: {  	_ =	shalt  }
0x7a: {  	_ =	shalt  }
0x7b: {  	_ =	shalt  }
0x7c: {  	_ =	shalt  }
0x7d: {  	_ =	shalt  }
0x7e: {  	_ =	shalt  }
0x7f: {  	_ =	shalt  }
0x80: {  	_ =	shalt  }
0x81: {  	_ =	shalt  }
0x82: {  	_ =	shalt  }
0x83: {  	_ =	shalt  }
0x84: {  	_ =	shalt  }
0x85: {  	_ =	shalt  }
0x86: {  	_ =	shalt  }
0x87: {  	_ =	shalt  }
.Lfunc_end0:
.L_simem_size_0:
called_computation.2_lowered:
.L_overlay_start_0:
0x88: {  	s2 =	sld [smem:$0x3FD9]  }
0x89: {  	s3 =	sld [smem:$0x3FFE];
	_ =	sdelay $0x1  }
0x8a: {  	s1 =	srdreg.scid  }
0x8b: {  	s0 =	sand.u32 $0x1, s1  }
0x8c: {  	s17 =	sshll.u32 s0, $0xA;
	s2 =	sadd.s32 s3, s2  }
0x8d: {  	s2 =	sadd.s32 s2, s17  }
0x8e: {  	[smem:$0x3FC4] =	sst s2  }
0x8f: {  	_ = 	snop  }
0x90: {  	s2 =	sld [smem:$0x3FD0];
	(tm) =	ssettm $0x1  }
0x91: {  	s18 =	sld [smem:$0x3FFB];
	_ =	sdelay $0x3  }
0x92: {  	_ =	strace s18  }
0x93: {  	s3 =	sld [smem:$0x3FFC];
	_ =	sdelay $0x3  }
0x94: {  	_ =	strace s3  }
0x95: {  	s3 =	sld [smem:$0x3FFD];
	_ =	sdelay $0x3  }
0x96: {  	_ =	strace s3  }
0x97: {  	_ =	strace $0x8FFFFFFF  }
0x98: {  	s19 =	sld [smem:$0x3FDB];
	_ =	sdelay $0x1  }
0x99: {  	s4 =	simm.s32 $_scs_section_size  }
0x9a: {  	s5 =	simm.s32 $_size__tile_overlayer_lowered;
	s6 =	simm.s32 $_tile_overlayer_lowered  }
0x9b: {  	s22 =	simm.s32 $0x1BFF;
	s21 =	sshll.u32 s6, $0x1;
	s3 =	sadd.s32 s4, s19  }
0x9c: {  	s7 =	simm.s32 $0x0;
	s20 =	sshll.u32 s5, $0x1;
	s5 =	sadd.s32 s21, s3  }
0x9d: {  	[timem:s7], [sflag:s22] =	dma.local [hbm:s5], s20  }
0x9e: {  	_ =	swait.ge [sflag:s22], s20  }
0x9f: {  	s4 =	ssub.s32 $0x0, s20;
	[sflag:s22] =	ssyncset.done $0x0  }
0xa0: {  	[sflag:s22] =	ssyncadd.s32 s4;
	_ =	sdelay $0x1  }
0xa1: {  	s23 =	simm.s32 $0x1B8B  }
0xa2: {  	_ =	swait.ge [sflag:s23], $0x1  }
0xa3: {  	[sflag:s23] =	ssyncset.done $0x0  }
0xa4: {  	s25 =	simm.s32 $0x1B8E;
	s24 =	sld [smem:$0x3FFE];
	[sflag:s23] =	ssyncadd.s32 $0xFFFFFFFF  }
0xa5: {  	s26 =	simm.s32 $execute0_lowered;
	[smem:$0x3FD2] =	sst s25  }
0xa6: {  	s5 =	sshll.u32 s26, $0x1;
	_ =	strace $0x80000046;
	[dreg:$0x1] =	wrdreg $0xFFFFFFFF  }
0xa7: {  	s28 =	simm.s32 $_size_execute0_lowered;
	s3 =	sadd.s32 s3, s5;
	[dreg:$0x0] =	wrdreg $0x0  }
0xa8: {  	s5 =	sshll.u32 s28, $0x1;
	[dreg:$0x2] =	wrdreg s3  }
0xa9: {  	[dreg:$0x3] =	wrdreg s5  }
0xaa: {  	[dreg:$0x4] =	wrdreg $0xC0  }
0xab: {  	_ =	task [dreg:s7], $0x5FFFF  }
0xac: {  	[dreg:$0x1] =	wrdreg $0xFFFFFFFF  }
0xad: {  	[dreg:$0x0] =	wrdreg $0x60  }
0xae: {  	[dreg:$0x2] =	wrdreg s24  }
0xaf: {  	[dreg:$0x3] =	wrdreg s2  }
0xb0: {  	[dreg:$0x4] =	wrdreg $0xD5000  }
0xb1: {  	[dreg:$0x5] =	wrdreg $0xB  }
0xb2: {  	_ =	task.clear_ibuf [dreg:s7], $0x6FFFF;
	_ =	strace $0x90000046  }
0xb3: {  	s29 =	simm.s32 $0xB;
	_ =	strace $0x80000048  }
0xb4: {  	_ =	swait.ge [sflag:s29], $0x1  }
0xb5: {  	[sflag:s29] =	ssyncadd.s32 $0xFFFFFFFF  }
0xb6: {  	_ =	strace $0x90000048  }
0xb7: {  	_ =	sfence  }
0xb8: {  	s30 =	sld [smem:$0x0];
	_ =	sdelay $0x2  }
0xb9: {  	s31 =	sshll.u32 s1, $0xD;
	s1 =	sshrl.u32 s1, $0x2  }
0xba: {  	s3 =	sand.u32 $0x4000, s31;
	s1 =	sadd.s32 s1, s30  }
0xbb: {  	s0 =	sor.u32 s3, s0;
	s1 =	sshll.u32 s1, $0x11  }
0xbc: {  	s0 =	sor.u32 s1, s0  }
0xbd: {  	s0 =	sadd.s32 $0x8F2B, s0  }
0xbe: {  	[sflag:s0] =	ssyncadd.remote.s32 $0x1  }
0xbf: {  	_ =	sfence.sel $0xFFFF  }
0xc0: {  	[dreg:$0x0] =	wrdreg $0xFFFFFFFF;
	(pc) =	sbr.abs _section_cstart, $3  }
0xc1: {  	[dreg:$0x1] =	wrdreg $0xFFFFFFFF  }
0xc2: {  	_ =	task.clear_ibuf [dreg:s7], $0x2FFFF;
	_ =	strace $0x9FFFFFFF  }
0xc3: {  	(tm) =	ssettm $0x7FFFFFFF  }
tec
execute0_lowered:
.L_overlay_start_1:
0x0: {  	(tag) =	ssettag $0x1  }
0x1: {  	s0 =	rddreg [dreg:$0x0]  }
0x2: {  	s2 =	rddreg [dreg:$0x1]  }
0x3: {  	s1 =	srdreg.scid;
	s9 =	stileid.u32  }
0x4: {  	s3 =	rddreg [dreg:$0x2];
	s4 =	simm.s32 $0x0;
	s10 =	simm.s32 $0x1900  }
0x5: {  	s11 =	simm.s32 $0x1;
	s12 =	simm.s32 $0x2;
	s13 =	simm.s32 $0xB500  }
0x6: {  	s14 =	simm.s32 $0x9;
	s15 =	simm.s32 $0x80;
	s16 =	simm.s32 $0x3500  }
0x7: {  	s17 =	simm.s32 $0x5500;
	s19 =	simm.s32 $0x7500;
	s21 =	simm.s32 $0x9500  }
0x8: {  	s23 =	simm.s32 $0x5;
	s25 =	simm.s32 $0x3;
	s28 =	simm.s32 $0x6  }
0x9: {  	s30 =	simm.s32 $0x4;
	s18 =	simm.s32 $0x8;
	s20 =	simm.s32 $0x3100  }
0xa: {  	s22 =	simm.s32 $0x3180;
	s1 =	sand.u32 $0x1, s1;
	s5 =	sshll.u32 s9, $0x1  }
0xb: {  	s24 =	simm.s32 $0x0;
	[smem:$0x7FF] =	sst s4;
	s5 =	sor.u32 s1, s5  }
0xc: {  	s31 =	sshll.u32 s9, $0xD;
	s1 =	ssub.s32 $0x2, s1;
	s6 =	smul.u32 $0x320, s5  }
0xd: {  	_ =	strace $0x80000047;
	s7 =	smul.u32 $0x380, s5;
	s8 =	sshrl.u32 s1, $0x1  }
0xe: {  	s5 =	sshll.u32 s5, $0xA;
	s1 =	ssub.s32 s1, s8;
	s6 =	sadd.s32 s6, s0  }
0xf: {  	s7 =	sadd.s32 s7, s0;
	s0 =	sadd.s32 s5, s0;
	s9 =	smax.u32 s1, $0x1  }
0x10: {  	s1 =	simm.s32 $0x7;
	s5 =	sadd.s32 $0x2C00, s6;
	s6 =	sadd.s32 $0x9000, s7  }
0x11: {  	v0 =	vimm.f32 $0.0e+00;
	s7 =	sadd.s32 s31, s3;
	s8 =	sadd.s32 $0x10000, s0;
	s0 =	simm.s32 $0x300  }
.LBB2_1:
0x12: {  	[tilespmem:s4], [sflag:$0x1] =	stream.linear.gather [hbm4b:s5+s4], $0x1900, $0x38;
	[tilespmem:$0xF500] =	vst v63  }
0x13: {  	s29 =	simm.s32 $0x100;
	s26 =	simm.s32 $0x0  }
0x14: {  	[tilespmem:s10], [sflag:$0x2] =	stream.linear.gather [hbm4b:s6+s4], $0x1C00, $0x38;
	[tilespmem:$0xF500] =	vst v63  }
.LBB2_2:
0x15: {  	p0 =	sne.s32 s29, $0x7F00;
	[tilespmem:s26+$0xB530] =	vst v0;
	s31 =	smov.u32 s29;
	s29 =	sadd.s32 $0x100, s29  }
.Ltmp0:
0x16: {  	[tilespmem:s26+$0xB520] =	vst v0;
	(pc) =	sbr.rel @p0 .LBB2_2-.Ltmp0, $3  }
0x17: {  	[tilespmem:s26+$0xB500] =	vst v0  }
0x18: {  	[tilespmem:s26+$0xB510] =	vst v0;
	_ =	sdelay $0x1  }
0x19: {  	s26 =	sshra.s32 s31, $0x2  }
0x1a: {  	[tilespmem:s26+$0xB530] =	vst v0  }
0x1b: {  	[tilespmem:s26+$0xB520] =	vst v0  }
0x1c: {  	[tilespmem:s26+$0xB500] =	vst v0  }
0x1d: {  	[tilespmem:s26+$0xB510] =	vst v0  }
0x1e: {  	_ =	swait.ge [sflag:s11], $0x1900  }
0x1f: {  	[sflag:s11] =	ssyncset.done $0x0  }
0x20: {  	[sflag:s11] =	ssyncadd.s32 $0xFFFFE700  }
0x21: {  	_ =	swait.ge [sflag:s12], $0x1C00  }
0x22: {  	[sflag:s12] =	ssyncset.done $0x0  }
0x23: {  	[sflag:s12] =	ssyncadd.s32 $0xFFFFE400  }
0x24: {  	[spmem:s7] =	stream.linear.scatter [tilespmem:s13], [sflag:$0x9], $0x2000, $0x38;
	[tilespmem:$0xF500] =	vst v63  }
0x25: {  	_ =	swait.ge [sflag:s14], $0x2000  }
0x26: {  	[sflag:s14] =	ssyncset.done $0x0  }
0x27: {  	s26 =	simm.s32 $0x0;
	[sflag:s14] =	ssyncadd.s32 $0xFFFFE000  }
0x28: {  	[tilespmem:s16], [sflag:$0x1] =	stream.indirect.gather [hbm4b:s2+s15], $0x40, s26, s15, $0xb8;
	[tilespmem:$0xF500] =	vst v63  }
0x29: {  	_ = 	snop  }
0x2a: {  	[tilespmem:s17], [sflag:$0x2] =	stream.indirect.gather [hbm4b:s2+s15], $0x40, s15, s15, $0xb8;
	[tilespmem:$0xF500] =	vst v63  }
0x2b: {  	s29 =	simm.s32 $0x100  }
0x2c: {  	[tilespmem:s19], [sflag:$0x3] =	stream.indirect.gather [hbm4b:s2+s15], $0x40, s29, s15, $0xb8;
	[tilespmem:$0xF500] =	vst v63  }
0x2d: {  	_ =	swait.ge [sflag:s11], $0x2000  }
0x2e: {  	[sflag:s11] =	ssyncset.done $0x0  }
0x2f: {  	[sflag:s11] =	ssyncadd.s32 $0xFFFFE000  }
0x30: {  	[spmem:s3] =	stream.indirect.scatter.add.f32 [tilespmem:s16], [sflag:$0x5], $0x40, s10, s15, $0xb8;
	[tilespmem:$0xF500] =	vst v63  }
0x31: {  	s31 =	simm.s32 $0x180  }
0x32: {  	[tilespmem:s21], [sflag:$0x4] =	stream.indirect.gather [hbm4b:s2+s15], $0x40, s31, s15, $0xb8;
	[tilespmem:$0xF500] =	vst v63  }
0x33: {  	_ =	swait.ge [sflag:s12], $0x2000  }
0x34: {  	[sflag:s12] =	ssyncset.done $0x0  }
0x35: {  	s31 =	simm.s32 $0x1980;
	[sflag:s12] =	ssyncadd.s32 $0xFFFFE000  }
0x36: {  	[spmem:s3] =	stream.indirect.scatter.add.f32 [tilespmem:s17], [sflag:$0x6], $0x40, s31, s15, $0xb8;
	[tilespmem:$0xF500] =	vst v63  }
0x37: {  	_ =	swait.ge [sflag:s23], $0x2000  }
0x38: {  	[sflag:s23] =	ssyncset.done $0x0  }
0x39: {  	s31 =	simm.s32 $0x200;
	[sflag:s23] =	ssyncadd.s32 $0xFFFFE000  }
0x3a: {  	[tilespmem:s16], [sflag:$0x1] =	stream.indirect.gather [hbm4b:s2+s15], $0x40, s31, s15, $0xb8;
	[tilespmem:$0xF500] =	vst v63  }
0x3b: {  	_ =	swait.ge [sflag:s25], $0x2000  }
0x3c: {  	[sflag:s25] =	ssyncset.done $0x0  }
0x3d: {  	s31 =	simm.s32 $0x1A00;
	[sflag:s25] =	ssyncadd.s32 $0xFFFFE000  }
0x3e: {  	[spmem:s3] =	stream.indirect.scatter.add.f32 [tilespmem:s19], [sflag:$0x7], $0x40, s31, s15, $0xb8;
	[tilespmem:$0xF500] =	vst v63  }
0x3f: {  	_ =	swait.ge [sflag:s28], $0x2000  }
0x40: {  	[sflag:s28] =	ssyncset.done $0x0  }
0x41: {  	s31 =	simm.s32 $0x280;
	[sflag:s28] =	ssyncadd.s32 $0xFFFFE000  }
0x42: {  	[tilespmem:s17], [sflag:$0x2] =	stream.indirect.gather [hbm4b:s2+s15], $0x40, s31, s15, $0xb8;
	[tilespmem:$0xF500] =	vst v63  }
0x43: {  	_ =	swait.ge [sflag:s30], $0x2000  }
0x44: {  	[sflag:s30] =	ssyncset.done $0x0  }
0x45: {  	s31 =	simm.s32 $0x1A80;
	[sflag:s30] =	ssyncadd.s32 $0xFFFFE000  }
0x46: {  	[spmem:s3] =	stream.indirect.scatter.add.f32 [tilespmem:s21], [sflag:$0x8], $0x40, s31, s15, $0xb8;
	[tilespmem:$0xF500] =	vst v63  }
0x47: {  	_ =	swait.ge [sflag:s1], $0x2000  }
0x48: {  	[sflag:s1] =	ssyncset.done $0x0  }
0x49: {  	[sflag:s1] =	ssyncadd.s32 $0xFFFFE000  }
0x4a: {  	[tilespmem:s19], [sflag:$0x3] =	stream.indirect.gather [hbm4b:s2+s15], $0x40, s0, s15, $0xb8;
	[tilespmem:$0xF500] =	vst v63  }
.LBB2_4:
0x4b: {  	_ =	swait.ge [sflag:s11], $0x2000  }
0x4c: {  	s29 =	sshra.s32 s26, $0x2;
	[sflag:s11] =	ssyncset.done $0x0  }
0x4d: {  	s31 =	sadd.s32 $0x1B00, s29;
	[sflag:s11] =	ssyncadd.s32 $0xFFFFE000  }
0x4e: {  	[spmem:s3] =	stream.indirect.scatter.add.f32 [tilespmem:s16], [sflag:$0x5], $0x40, s31, s15, $0xb8;
	[tilespmem:$0xF500] =	vst v63  }
0x4f: {  	_ =	swait.ge [sflag:s18], $0x2000  }
0x50: {  	[sflag:s18] =	ssyncset.done $0x0  }
0x51: {  	s31 =	sadd.s32 $0x380, s29;
	[sflag:s18] =	ssyncadd.s32 $0xFFFFE000  }
0x52: {  	[tilespmem:s21], [sflag:$0x4] =	stream.indirect.gather [hbm4b:s2+s15], $0x40, s31, s15, $0xb8;
	[tilespmem:$0xF500] =	vst v63  }
0x53: {  	_ =	swait.ge [sflag:s12], $0x2000  }
0x54: {  	[sflag:s12] =	ssyncset.done $0x0  }
0x55: {  	s31 =	sadd.s32 $0x1B80, s29;
	[sflag:s12] =	ssyncadd.s32 $0xFFFFE000  }
0x56: {  	[spmem:s3] =	stream.indirect.scatter.add.f32 [tilespmem:s17], [sflag:$0x6], $0x40, s31, s15, $0xb8;
	[tilespmem:$0xF500] =	vst v63  }
0x57: {  	_ =	swait.ge [sflag:s23], $0x2000  }
0x58: {  	[sflag:s23] =	ssyncset.done $0x0  }
0x59: {  	s31 =	sadd.s32 $0x400, s29;
	[sflag:s23] =	ssyncadd.s32 $0xFFFFE000  }
0x5a: {  	[tilespmem:s16], [sflag:$0x1] =	stream.indirect.gather [hbm4b:s2+s15], $0x40, s31, s15, $0xb8;
	[tilespmem:$0xF500] =	vst v63  }
0x5b: {  	_ =	swait.ge [sflag:s25], $0x2000  }
0x5c: {  	[sflag:s25] =	ssyncset.done $0x0  }
0x5d: {  	s31 =	sadd.s32 $0x1C00, s29;
	[sflag:s25] =	ssyncadd.s32 $0xFFFFE000  }
0x5e: {  	[spmem:s3] =	stream.indirect.scatter.add.f32 [tilespmem:s19], [sflag:$0x7], $0x40, s31, s15, $0xb8;
	[tilespmem:$0xF500] =	vst v63  }
0x5f: {  	_ =	swait.ge [sflag:s28], $0x2000  }
0x60: {  	[sflag:s28] =	ssyncset.done $0x0  }
0x61: {  	p0 =	seq.s32 s26, $0x5000;
	s31 =	sadd.s32 $0x480, s29;
	[sflag:s28] =	ssyncadd.s32 $0xFFFFE000  }
0x62: {  	[tilespmem:s17], [sflag:$0x2] =	stream.indirect.gather [hbm4b:s2+s15], $0x40, s31, s15, $0xb8;
	[tilespmem:$0xF500] =	vst v63  }
.Ltmp1:
0x63: {  	_ = 	snop;
	(pc) =	sbr.rel @p0 .LBB2_6-.Ltmp1, $4  }
0x64: {  	_ =	swait.ge [sflag:s30], $0x2000  }
0x65: {  	[sflag:s30] =	ssyncset.done $0x0  }
0x66: {  	s31 =	sadd.s32 $0x1C80, s29;
	[sflag:s30] =	ssyncadd.s32 $0xFFFFE000  }
0x67: {  	[spmem:s3] =	stream.indirect.scatter.add.f32 [tilespmem:s21], [sflag:$0x8], $0x40, s31, s15, $0xb8;
	[tilespmem:$0xF500] =	vst v63  }
.Ltmp2:
0x68: {  	(pc) =	sbr.rel .LBB2_4-.Ltmp2, $4  }
0x69: {  	_ =	swait.ge [sflag:s1], $0x2000  }
0x6a: {  	[sflag:s1] =	ssyncset.done $0x0  }
0x6b: {  	s29 =	sadd.s32 $0x500, s29;
	s26 =	sadd.s32 $0x800, s26;
	[sflag:s1] =	ssyncadd.s32 $0xFFFFE000  }
0x6c: {  	[tilespmem:s19], [sflag:$0x3] =	stream.indirect.gather [hbm4b:s2+s15], $0x40, s29, s15, $0xb8;
	[tilespmem:$0xF500] =	vst v63  }
.LBB2_6:
0x6d: {  	_ =	swait.ge [sflag:s11], $0x2000  }
0x6e: {  	[sflag:s11] =	ssyncset.done $0x0  }
0x6f: {  	[sflag:s11] =	ssyncadd.s32 $0xFFFFE000  }
0x70: {  	[spmem:s3] =	stream.indirect.scatter.add.f32 [tilespmem:s16], [sflag:$0x5], $0x40, s20, s15, $0xb8;
	[tilespmem:$0xF500] =	vst v63  }
0x71: {  	_ =	swait.ge [sflag:s12], $0x2000  }
0x72: {  	[sflag:s12] =	ssyncset.done $0x0  }
0x73: {  	[sflag:s12] =	ssyncadd.s32 $0xFFFFE000  }
0x74: {  	[spmem:s3] =	stream.indirect.scatter.add.f32 [tilespmem:s17], [sflag:$0x6], $0x40, s22, s15, $0xb8;
	[tilespmem:$0xF500] =	vst v63  }
0x75: {  	_ =	swait.ge [sflag:s23], $0x2000  }
0x76: {  	[sflag:s23] =	ssyncset.done $0x0  }
0x77: {  	[sflag:s23] =	ssyncadd.s32 $0xFFFFE000  }
0x78: {  	_ =	swait.ge [sflag:s28], $0x2000  }
0x79: {  	[sflag:s28] =	ssyncset.done $0x0  }
0x7a: {  	[sflag:s28] =	ssyncadd.s32 $0xFFFFE000  }
0x7b: {  	_ =	swait.ge [sflag:s1], $0x2000  }
0x7c: {  	[sflag:s1] =	ssyncset.done $0x0  }
0x7d: {  	[sflag:s1] =	ssyncadd.s32 $0xFFFFE000  }
0x7e: {  	_ =	swait.ge [sflag:s18], $0x2000  }
0x7f: {  	[sflag:s18] =	ssyncset.done $0x0  }
0x80: {  	[sflag:s18] =	ssyncadd.s32 $0xFFFFE000  }
0x81: {  	[tilespmem:s13], [sflag:$0x9] =	stream.linear.gather [spmem:s7], $0x2000, $0x38;
	[tilespmem:$0xF500] =	vst v63  }
0x82: {  	_ =	swait.ge [sflag:s14], $0x2000  }
0x83: {  	[sflag:s14] =	ssyncset.done $0x0  }
0x84: {  	s26 =	simm.s32 $0x0;
	[sflag:s14] =	ssyncadd.s32 $0xFFFFE000  }
0x85: {  	v1 =	vld [tilespmem:s26+$0xB500]  }
0x86: {  	v3 =	vld [tilespmem:s26+$0xB510]  }
0x87: {  	s29 =	simm.s32 $0x100;
	v2 =	vld [tilespmem:s26+$0xB520]  }
.LBB2_7:
0x88: {  	p0 =	sne.s32 s29, $0x7F00;
	v4 =	vld [tilespmem:s26+$0xB530];
	_ =	sdelay $0x1  }
0x89: {  	v1 =	vmul.f32 $1.999999960e-02, v1  }
.Ltmp3:
0x8a: {  	v3 =	vmul.f32 $1.999999960e-02, v3;
	(pc) =	sbr.rel @p0 .LBB2_7-.Ltmp3, $4  }
0x8b: {  	s31 =	sshra.s32 s29, $0x2;
	[tilespmem:s26+$0xB500] =	vst v1;
	v2 =	vmul.f32 $1.999999960e-02, v2  }
0x8c: {  	v1 =	vld [tilespmem:s31+$0xB500];
	[tilespmem:s26+$0xB510] =	vst v3;
	v4 =	vmul.f32 $1.999999960e-02, v4  }
0x8d: {  	v3 =	vld [tilespmem:s31+$0xB510];
	[tilespmem:s26+$0xB520] =	vst v2  }
0x8e: {  	s29 =	sadd.s32 $0x100, s29;
	v2 =	vld [tilespmem:s31+$0xB520];
	[tilespmem:s26+$0xB530] =	vst v4;
	s26 =	smov.u32 s31  }
0x8f: {  	v4 =	vld [tilespmem:s26+$0xB530];
	_ =	sdelay $0x1  }
0x90: {  	v1 =	vmul.f32 $1.999999960e-02, v1  }
0x91: {  	v3 =	vmul.f32 $1.999999960e-02, v3  }
0x92: {  	[tilespmem:s26+$0xB500] =	vst v1;
	v1 =	vmul.f32 $1.999999960e-02, v2  }
0x93: {  	s24 =	sadd.s32 $0x1, s24;
	[tilespmem:s26+$0xB510] =	vst v3;
	v2 =	vmul.f32 $1.999999960e-02, v4  }
0x94: {  	p0 =	sne.s32 s24, s9;
	[tilespmem:s26+$0xB520] =	vst v1  }
.Ltmp4:
0x95: {  	[tilespmem:s26+$0xB530] =	vst v2;
	(pc) =	sbr.rel @p0 .LBB2_1-.Ltmp4, $4  }
0x96: {  	[hbm4b:s8+s4] =	stream.linear.scatter [tilespmem:s13], [sflag:$0x9], $0x2000, $0x38;
	[tilespmem:$0xF500] =	vst v63  }
0x97: {  	_ =	swait.ge [sflag:s14], $0x2000  }
0x98: {  	[sflag:s14] =	ssyncset.done $0x0  }
0x99: {  	[sflag:s14] =	ssyncadd.s32 $0xFFFFE000  }
0x9a: {  	_ =	sfence.sel $0x180000  }
0x9b: {  	[bflag:$0x0] =	sbarrier.arrive $0xFFFF  }
0x9c: {  	_ =	strace $0x90000047  }
0x9d: {  	s0 =	stileid.u32;
	[bflag:$0x2] =	sbarrier.arrive $0xFFFF  }
0x9e: {  	p0 =	sne.s32 s0, $0x0;
	s0 =	rddreg [dreg:$0x3]  }
0x9f: {  	s0 =	sadd.s32 @!p0 $0x100000, s0  }
0xa0: {  	[sflag:s0] =	ssyncadd.tile.s32 @!p0 $0x1;
	_ =	shalt  }
.Lfunc_end2:
_tile_overlayer_lowered:
.L_overlay_start_2:
0xa1: {  	(tag) =	ssettag $0x2  }
0xa2: {  	s0 =	rddreg [dreg:$0x0];
	s2 =	stileid.u32  }
0xa3: {  	s1 =	rddreg [dreg:$0x1];
	p0 =	sne.s32 s2, $0x0  }
0xa4: {  	s3 =	rddreg [dreg:$0x2];
	[bflag:$0x3] =	sbarrier.arrive $0xFFFF;
	s2 =	simm.s32 @!p0 $0x1C09  }
0xa5: {  	[timem:s3], [sflag:s2] =	dma.local @!p0 [hbm:s0], s1  }
0xa6: {  	s0 =	simm.s32 @!p0 $0x9  }
0xa7: {  	_ =	swait.ge @!p0 [sflag:s0], s1  }
0xa8: {  	s1 =	ssub.s32 @!p0 $0x0, s1;
	[sflag:s0] =	ssyncset.done @!p0 $0x0  }
0xa9: {  	[sflag:s0] =	ssyncadd.s32 @!p0 s1  }
0xaa: {  	[bflag:$0x3] =	sbarrier.arrive $0xFFFF  }
0xab: {  	_ =	shalt  }

// kernel: kernel.5.cloned.1.call-start
scs
__scs_entry_jumppad:
0x0: {  	(pc) =	sbr.rel $0x88, $3  }
0x1: {  	(tag) =	ssettag $0x0;
	lr =	simm.s32 $0x1  }
0x2: {  	[smem:$0x3F9D] =	sst lr;
	_ =	strace $0xD0000000  }
0x3: {  	_ = 	snop  }
0x4: {  	_ = 	snop  }
0x5: {  	_ = 	snop  }
0x6: {  	_ = 	snop  }
0x7: {  	_ = 	snop  }
__scs_overlays_trampoline_lowered:
0x8: {  	[smem:$0x3FAC] =	sst s0  }
0x9: {  	[smem:$0x3FAD] =	sst s1  }
0xa: {  	[smem:$0x3FAE] =	sst s2  }
0xb: {  	[smem:$0x3FAF] =	sst s3  }
0xc: {  	[smem:$0x3FB0] =	sst s4  }
0xd: {  	[smem:$0x3FB1] =	sst s5  }
0xe: {  	[smem:$0x3FB2] =	sst s6  }
0xf: {  	[smem:$0x3FB3] =	sst s7  }
0x10: {  	[smem:$0x3FB4] =	sst s8  }
0x11: {  	[smem:$0x3FB5] =	sst s9;
	s0 =	simm.s32 @!p0 $0x0  }
0x12: {  	s1 =	sld [smem:$0x3F9B];
	s0 =	simm.s32 @p0 $0x1  }
0x13: {  	[smem:$0x3FB6] =	sst s0;
	s0 =	simm.s32 @!p1 $0x0  }
0x14: {  	s2 =	sld [smem:$0x3F9A];
	s0 =	simm.s32 @p1 $0x1  }
0x15: {  	[smem:$0x3FB7] =	sst s0;
	s0 =	simm.s32 @!p2 $0x0  }
0x16: {  	s3 =	sld [smem:$0x3FDB];
	s0 =	simm.s32 @p2 $0x1  }
0x17: {  	s4 =	simm.s32 $0x1BF5;
	[smem:$0x3FB9] =	sst s0  }
0x18: {  	s0 =	sld [smem:$0x3F9C];
	_ =	swait.ge [sflag:s4], $0x0  }
0x19: {  	s7 =	sld [smem:$0x3F9D]  }
0x1a: {  	s8 =	sadd.s32 $0xFFFFE003, lr  }
0x1b: {  	s9 =	sadd.s32 $0xFFFFFEF7, lr;
	s5 =	simm.s32 $0xFFFFFFFF;
	p2 =	slt.u32 s8, $0xFFFFF086  }
0x1c: {  	p1 =	slt.u32 s9, $0xF7A;
	s5 =	simm.s32 @!p2 $0x0  }
0x1d: {  	s5 =	simm.s32 @p1 $0x1;
	p0 =	seq.s32 s7, s2  }
0x1e: {  	s7 =	smul.u32 @!p0 $0xF7A, s2;
	p2 =	seq.s32 @!p0 s5, $0x0  }
0x1f: {  	s9 =	smul.u32 $0xF7A, s1;
	s8 =	simm.s32 @!p0 $0x1BF5;
	p2 =	por !p2, p0  }
0x20: {  	[sflag:s8] =	ssyncset.s32 @!p0 $0xFFFFF086;
	s6 =	sadd.s32 @!p0 s3, s7;
	s7 =	simm.s32 @!p0 $0x108  }
0x21: {  	s3 =	sadd.s32 s3, s9;
	s6 =	sadd.s32 @!p0 $0x88, s6;
	s7 =	simm.s32 @p2 $0x1082  }
0x22: {  	[simem:s7], [sflag:s8] =	dma.local @!p0 [hbm:s6], $0xF7A  }
0x23: {  	s9 =	sor.u32 $0xD0000000, s2;
	s6 =	simm.s32 $0x108;
	_ =	swait.ge @!p0 [sflag:s8], $0x0  }
0x24: {  	s3 =	sadd.s32 $0x88, s3;
	s6 =	simm.s32 @!p1 $0x1082;
	[sflag:s4] =	ssyncset.s32 $0xFFFFF086  }
0x25: {  	[simem:s6], [sflag:s4] =	dma.local [hbm:s3], $0xF7A  }
0x26: {  	[smem:$0x3F9D] =	sst s1;
	(tag) =	ssettag s2;
	_ =	strace s9  }
0x27: {  	s1 =	sld [smem:$0x3FAD]  }
0x28: {  	s2 =	sld [smem:$0x3FAE]  }
0x29: {  	s4 =	sld [smem:$0x3FB0]  }
0x2a: {  	p0 =	seq.s32 s5, $0x0;
	s5 =	sld [smem:$0x3FB1]  }
0x2b: {  	s6 =	sld [smem:$0x3FB2]  }
0x2c: {  	s7 =	sld [smem:$0x3FB3]  }
0x2d: {  	s3 =	simm.s32 $0x108;
	s8 =	sld [smem:$0x3FB4]  }
0x2e: {  	s3 =	simm.s32 @!p0 $0x1082;
	s9 =	sld [smem:$0x3FB5]  }
0x2f: {  	lr =	sadd.s32 s0, s3;
	s0 =	sld [smem:$0x3FAC]  }
0x30: {  	s3 =	sld [smem:$0x3FAF]  }
0x31: {  	[smem:$0x3FB8] =	sst s10  }
0x32: {  	s10 =	sld [smem:$0x3FB6];
	_ =	sdelay $0x3  }
0x33: {  	p0 =	seq.s32 s10, $0x1;
	s10 =	sld [smem:$0x3FB8];
	_ =	sdelay $0x3  }
0x34: {  	[smem:$0x3FB8] =	sst s10  }
0x35: {  	s10 =	sld [smem:$0x3FB7];
	_ =	sdelay $0x3  }
0x36: {  	p1 =	seq.s32 s10, $0x1;
	s10 =	sld [smem:$0x3FB8];
	_ =	sdelay $0x3  }
0x37: {  	[smem:$0x3FB8] =	sst s10  }
0x38: {  	s10 =	sld [smem:$0x3FB9]  }
0x39: {  	_ = 	snop;
	(pc) =	sbr.ind lr, $3  }
0x3a: {  	_ = 	snop  }
0x3b: {  	_ = 	snop  }
0x3c: {  	p2 =	seq.s32 s10, $0x1;
	s10 =	sld [smem:$0x3FB8]  }
0x3d: {  	_ =	shalt  }
0x3e: {  	_ =	shalt  }
0x3f: {  	_ =	shalt  }
0x40: {  	_ =	shalt  }
0x41: {  	_ =	shalt  }
0x42: {  	_ =	shalt  }
0x43: {  	_ =	shalt  }
0x44: {  	_ =	shalt  }
0x45: {  	_ =	shalt  }
0x46: {  	_ =	shalt  }
0x47: {  	_ =	shalt  }
0x48: {  	_ =	shalt  }
0x49: {  	_ =	shalt  }
0x4a: {  	_ =	shalt  }
0x4b: {  	_ =	shalt  }
0x4c: {  	_ =	shalt  }
0x4d: {  	_ =	shalt  }
0x4e: {  	_ =	shalt  }
0x4f: {  	_ =	shalt  }
0x50: {  	_ =	shalt  }
0x51: {  	_ =	shalt  }
0x52: {  	_ =	shalt  }
0x53: {  	_ =	shalt  }
0x54: {  	_ =	shalt  }
0x55: {  	_ =	shalt  }
0x56: {  	_ =	shalt  }
0x57: {  	_ =	shalt  }
0x58: {  	_ =	shalt  }
0x59: {  	_ =	shalt  }
0x5a: {  	_ =	shalt  }
0x5b: {  	_ =	shalt  }
0x5c: {  	_ =	shalt  }
0x5d: {  	_ =	shalt  }
0x5e: {  	_ =	shalt  }
0x5f: {  	_ =	shalt  }
0x60: {  	_ =	shalt  }
0x61: {  	_ =	shalt  }
0x62: {  	_ =	shalt  }
0x63: {  	_ =	shalt  }
0x64: {  	_ =	shalt  }
0x65: {  	_ =	shalt  }
0x66: {  	_ =	shalt  }
0x67: {  	_ =	shalt  }
0x68: {  	_ =	shalt  }
0x69: {  	_ =	shalt  }
0x6a: {  	_ =	shalt  }
0x6b: {  	_ =	shalt  }
0x6c: {  	_ =	shalt  }
0x6d: {  	_ =	shalt  }
0x6e: {  	_ =	shalt  }
0x6f: {  	_ =	shalt  }
0x70: {  	_ =	shalt  }
0x71: {  	_ =	shalt  }
0x72: {  	_ =	shalt  }
0x73: {  	_ =	shalt  }
0x74: {  	_ =	shalt  }
0x75: {  	_ =	shalt  }
0x76: {  	_ =	shalt  }
0x77: {  	_ =	shalt  }
0x78: {  	_ =	shalt  }
0x79: {  	_ =	shalt  }
0x7a: {  	_ =	shalt  }
0x7b: {  	_ =	shalt  }
0x7c: {  	_ =	shalt  }
0x7d: {  	_ =	shalt  }
0x7e: {  	_ =	shalt  }
0x7f: {  	_ =	shalt  }
0x80: {  	_ =	shalt  }
0x81: {  	_ =	shalt  }
0x82: {  	_ =	shalt  }
0x83: {  	_ =	shalt  }
0x84: {  	_ =	shalt  }
0x85: {  	_ =	shalt  }
0x86: {  	_ =	shalt  }
0x87: {  	_ =	shalt  }
.Lfunc_end0:
.L_simem_size_0:
called_computation_lowered:
.L_overlay_start_0:
0x88: {  	s2 =	sld [smem:$0x3FD9]  }
0x89: {  	s3 =	sld [smem:$0x3FFE];
	_ =	sdelay $0x1  }
0x8a: {  	s1 =	srdreg.scid  }
0x8b: {  	s0 =	sand.u32 $0x1, s1  }
0x8c: {  	s17 =	sshll.u32 s0, $0xA;
	s2 =	sadd.s32 s3, s2  }
0x8d: {  	s2 =	sadd.s32 s2, s17  }
0x8e: {  	[smem:$0x3FC4] =	sst s2  }
0x8f: {  	_ = 	snop  }
0x90: {  	(tm) =	ssettm $0x1  }
0x91: {  	s18 =	sld [smem:$0x3FFB];
	_ =	sdelay $0x3  }
0x92: {  	_ =	strace s18  }
0x93: {  	s2 =	sld [smem:$0x3FFC];
	_ =	sdelay $0x3  }
0x94: {  	_ =	strace s2  }
0x95: {  	s2 =	sld [smem:$0x3FFD];
	_ =	sdelay $0x3  }
0x96: {  	_ =	strace s2  }
0x97: {  	_ =	strace $0x8FFFFFFF  }
0x98: {  	s19 =	sld [smem:$0x3FDB];
	_ =	sdelay $0x1  }
0x99: {  	s20 =	simm.s32 $_scs_section_size  }
0x9a: {  	s4 =	simm.s32 $_size__tile_overlayer_lowered;
	s5 =	simm.s32 $_tile_overlayer_lowered  }
0x9b: {  	s6 =	simm.s32 $0x1BFF;
	s21 =	sshll.u32 s5, $0x1;
	s3 =	sadd.s32 s20, s19  }
0x9c: {  	s22 =	simm.s32 $0x0;
	s4 =	sshll.u32 s4, $0x1;
	s5 =	sadd.s32 s21, s3  }
0x9d: {  	[timem:s22], [sflag:s6] =	dma.local [hbm:s5], s4  }
0x9e: {  	_ =	swait.ge [sflag:s6], s4  }
0x9f: {  	s4 =	ssub.s32 $0x0, s4;
	[sflag:s6] =	ssyncset.done $0x0  }
0xa0: {  	[sflag:s6] =	ssyncadd.s32 s4;
	_ =	sdelay $0x1  }
0xa1: {  	s23 =	simm.s32 $0x1B8B  }
0xa2: {  	_ =	swait.ge [sflag:s23], $0x1  }
0xa3: {  	[sflag:s23] =	ssyncset.done $0x0  }
0xa4: {  	[sflag:s23] =	ssyncadd.s32 $0xFFFFFFFF  }
0xa5: {  	s4 =	sld [smem:$0x0]  }
0xa6: {  	s5 =	sand.u32 $0xFFFFFFFE, s1  }
0xa7: {  	p0 =	sne.s32 s1, s5  }
0xa8: {  	s5 =	sshll.u32 @p0 s5, $0xE  }
0xa9: {  	s5 =	sadd.s32 @p0 $0x11B8D, s5;
	s6 =	sshll.u32 @p0 s4, $0x11  }
0xaa: {  	s5 =	sor.u32 @p0 s6, s5  }
0xab: {  	[sflag:s5] =	ssyncadd.remote.s32 @p0 $0x1;
	_ =	sdelay $0x1  }
0xac: {  	s5 =	simm.s32 @p0 $0x1B8D  }
0xad: {  	_ =	swait.eq @p0 [sflag:s5], $0x1  }
0xae: {  	[sflag:s5] =	ssyncadd.s32 @p0 $0xFFFFFFFF  }
0xaf: {  	s6 =	sshll.u32 @!p0 s1, $0xE  }
0xb0: {  	s6 =	sor.u32 @!p0 $0x4000, s6;
	s5 =	simm.s32 @!p0 $0x1B8D  }
0xb1: {  	s4 =	sshll.u32 @!p0 s4, $0x11;
	s6 =	sadd.s32 @!p0 $0x11B8D, s6;
	_ =	swait.eq @!p0 [sflag:s5], $0x1  }
0xb2: {  	s4 =	sor.u32 @!p0 s4, s6;
	[sflag:s5] =	ssyncadd.s32 @!p0 $0xFFFFFFFF  }
0xb3: {  	s25 =	simm.s32 $0x1B8E;
	s24 =	sld [smem:$0x3FFE];
	[sflag:s4] =	ssyncadd.remote.s32 @!p0 $0x1  }
0xb4: {  	s26 =	simm.s32 $execute0_lowered;
	[smem:$0x3FD2] =	sst s25  }
0xb5: {  	s5 =	sshll.u32 s26, $0x1;
	_ =	strace $0x8000004C;
	[dreg:$0x1] =	wrdreg $0xFFFFFFFF  }
0xb6: {  	s28 =	simm.s32 $_size_execute0_lowered;
	s3 =	sadd.s32 s3, s5;
	[dreg:$0x0] =	wrdreg $0x0  }
0xb7: {  	s5 =	sshll.u32 s28, $0x1;
	[dreg:$0x2] =	wrdreg s3  }
0xb8: {  	[dreg:$0x3] =	wrdreg s5  }
0xb9: {  	[dreg:$0x4] =	wrdreg $0xC0  }
0xba: {  	_ =	task [dreg:s22], $0x5FFFF  }
0xbb: {  	[dreg:$0x1] =	wrdreg $0xFFFFFFFF  }
0xbc: {  	[dreg:$0x0] =	wrdreg $0x60  }
0xbd: {  	[dreg:$0x2] =	wrdreg s24  }
0xbe: {  	[dreg:$0x3] =	wrdreg $0x9  }
0xbf: {  	_ =	task.clear_ibuf [dreg:s22], $0x4FFFF;
	_ =	strace $0x9000004C  }
0xc0: {  	s29 =	simm.s32 $0x9;
	_ =	strace $0x8000004E  }
0xc1: {  	_ =	swait.ge [sflag:s29], $0x1  }
0xc2: {  	[sflag:s29] =	ssyncadd.s32 $0xFFFFFFFF  }
0xc3: {  	_ =	strace $0x9000004E  }
0xc4: {  	_ =	sfence  }
0xc5: {  	s30 =	sld [smem:$0x0];
	_ =	sdelay $0x2  }
0xc6: {  	s31 =	sshll.u32 s1, $0xD;
	s1 =	sshrl.u32 s1, $0x2  }
0xc7: {  	s4 =	sand.u32 $0x4000, s31;
	s1 =	sadd.s32 s1, s30  }
0xc8: {  	s0 =	sor.u32 s4, s0;
	s1 =	sshll.u32 s1, $0x11  }
0xc9: {  	s0 =	sor.u32 s1, s0  }
0xca: {  	s0 =	sadd.s32 $0x8F2B, s0  }
0xcb: {  	[sflag:s0] =	ssyncadd.remote.s32 $0x1  }
0xcc: {  	_ =	sfence.sel $0xFFFF  }
0xcd: {  	[dreg:$0x0] =	wrdreg $0xFFFFFFFF;
	(pc) =	sbr.abs _section_cstart, $3  }
0xce: {  	[dreg:$0x1] =	wrdreg $0xFFFFFFFF  }
0xcf: {  	_ =	task.clear_ibuf [dreg:s22], $0x2FFFF;
	_ =	strace $0x9FFFFFFF  }
0xd0: {  	(tm) =	ssettm $0x7FFFFFFF  }
0xd1: {  	_ =	shalt  }
tec
execute0_lowered:
.L_overlay_start_1:
0x0: {  	(tag) =	ssettag $0x1  }
0x1: {  	s0 =	srdreg.scid  }
0x2: {  	s1 =	stileid.u32;
	s4 =	rddreg [dreg:$0x0]  }
0x3: {  	s2 =	simm.s32 $0x0;
	s30 =	simm.s32 $0x9;
	s13 =	simm.s32 $0x80  }
0x4: {  	s15 =	simm.s32 $0x2680;
	s0 =	sand.u32 $0x1, s0;
	s1 =	sshll.u32 s1, $0x1  }
0x5: {  	s31 =	simm.s32 $0x100;
	s14 =	simm.s32 $0x4680;
	s1 =	sor.u32 s0, s1  }
0x6: {  	s8 =	simm.s32 $0x1;
	s29 =	simm.s32 $0x180;
	s3 =	smul.u32 $0xD0, s1  }
0x7: {  	s12 =	simm.s32 $0x6680;
	s9 =	simm.s32 $0x5;
	s1 =	smul.u32 $0x1A000, s1  }
0x8: {  	s28 =	simm.s32 $0x200;
	s10 =	simm.s32 $0x6;
	s11 =	simm.s32 $0x7  }
0x9: {  	s6 =	simm.s32 $0x8;
	s3 =	sadd.s32 s3, s4;
	s1 =	sshrl.u32 s1, $0x3  }
0xa: {  	[smem:$0x7FF] =	sst s2;
	s1 =	sadd.s32 s1, s4;
	s3 =	sadd.s32 $0x18000, s3  }
0xb: {  	_ =	strace $0x8000004D;
	[dreg:$0x2] =	wrdreg s3;
	s16 =	sadd.s32 $0x86400, s1  }
0xc: {  	p0 =	por $0x0, $0x0;
	s17 =	sadd.s32 $0x83400, s1;
	[dreg:$0x3] =	wrdreg s16  }
0xd: {  	s0 =	ssub.s32 $0x2, s0;
	s18 =	sadd.s32 $0x83800, s1;
	[dreg:$0x4] =	wrdreg s17  }
0xe: {  	s24 =	sshrl.u32 s0, $0x1;
	s19 =	sadd.s32 $0x83C00, s1;
	[dreg:$0x5] =	wrdreg s18  }
0xf: {  	s0 =	ssub.s32 s0, s24;
	s20 =	sadd.s32 $0x84000, s1;
	[dreg:$0x6] =	wrdreg s19  }
0x10: {  	s24 =	simm.s32 $0x380;
	s21 =	sadd.s32 $0x84400, s1;
	[dreg:$0x7] =	wrdreg s20  }
0x11: {  	s0 =	smax.u32 s0, $0x1;
	s5 =	sadd.s32 $0x84800, s1;
	[dreg:$0x8] =	wrdreg s21  }
0x12: {  	p1 =	sne.s32 s0, $0x1;
	s22 =	sadd.s32 $0x84C00, s1;
	[dreg:$0x9] =	wrdreg s5  }
0x13: {  	s3 =	sadd.s32 $0x1A1E00, s4;
	s23 =	sadd.s32 $0x85000, s1;
	[dreg:$0xa] =	wrdreg s22  }
0x14: {  	s25 =	sadd.s32 $0x85400, s1;
	s26 =	sadd.s32 $0x85800, s1;
	[dreg:$0xb] =	wrdreg s23  }
0x15: {  	s7 =	sadd.s32 $0x85C00, s1;
	s4 =	simm.s32 $0x680;
	[dreg:$0xc] =	wrdreg s25  }
.Ltmp0:
0x16: {  	[dreg:$0xd] =	wrdreg s26;
	s5 =	sadd.s32 $0x86000, s1;
	(pc) =	sbr.rel @!p1 .LBB2_3-.Ltmp0, $4  }
0x17: {  	s18 =	simm.s32 $0x2;
	s17 =	simm.s32 $0x3;
	s26 =	simm.s32 $0x280  }
0x18: {  	s16 =	simm.s32 $0x4;
	s25 =	simm.s32 $0x300;
	s1 =	sadd.s32 $0xFFFFFFFF, s0  }
0x19: {  	s23 =	simm.s32 $0x400;
	s22 =	simm.s32 $0x480;
	s21 =	simm.s32 $0x500  }
0x1a: {  	s20 =	simm.s32 $0x580;
	s19 =	simm.s32 $0x600;
	s0 =	rddreg [dreg:$0x2]  }
0x1b: {  	[tilespmem:s2], [sflag:$0x9] =	stream.linear.gather [hbm4b:s0+s2], $0x680, $0x38;
	[tilespmem:$0x8680] =	vst v63  }
0x1c: {  	_ =	swait.ge [sflag:s30], $0x680  }
0x1d: {  	[sflag:s30] =	ssyncset.done $0x0  }
0x1e: {  	[sflag:s30] =	ssyncadd.s32 $0xFFFFF980  }
0x1f: {  	[tilespmem:s4], [sflag:$0x1] =	stream.indirect.gather [hbm4b:s3+s13], $0x40, s2, s13, $0xb8;
	[tilespmem:$0x8680] =	vst v63  }
0x20: {  	_ = 	snop  }
0x21: {  	[tilespmem:s15], [sflag:$0x2] =	stream.indirect.gather [hbm4b:s3+s13], $0x40, s13, s13, $0xb8;
	[tilespmem:$0x8680] =	vst v63  }
0x22: {  	_ = 	snop  }
0x23: {  	[tilespmem:s14], [sflag:$0x3] =	stream.indirect.gather [hbm4b:s3+s13], $0x40, s31, s13, $0xb8;
	[tilespmem:$0x8680] =	vst v63  }
0x24: {  	_ =	swait.ge [sflag:s8], $0x2000  }
0x25: {  	[sflag:s8] =	ssyncset.done $0x0  }
0x26: {  	s0 =	rddreg [dreg:$0x4];
	[sflag:s8] =	ssyncadd.s32 $0xFFFFE000  }
0x27: {  	[hbm4b:s0+s2] =	stream.linear.scatter [tilespmem:s4], [sflag:$0x5], $0x2000, $0x38;
	[tilespmem:$0x8680] =	vst v63  }
0x28: {  	_ = 	snop  }
0x29: {  	[tilespmem:s12], [sflag:$0x4] =	stream.indirect.gather [hbm4b:s3+s13], $0x40, s29, s13, $0xb8;
	[tilespmem:$0x8680] =	vst v63  }
0x2a: {  	_ =	swait.ge [sflag:s18], $0x2000  }
0x2b: {  	[sflag:s18] =	ssyncset.done $0x0  }
0x2c: {  	s0 =	rddreg [dreg:$0x5];
	[sflag:s18] =	ssyncadd.s32 $0xFFFFE000  }
0x2d: {  	[hbm4b:s0+s2] =	stream.linear.scatter [tilespmem:s15], [sflag:$0x6], $0x2000, $0x38;
	[tilespmem:$0x8680] =	vst v63  }
0x2e: {  	_ =	swait.ge [sflag:s9], $0x2000  }
0x2f: {  	[sflag:s9] =	ssyncset.done $0x0  }
0x30: {  	[sflag:s9] =	ssyncadd.s32 $0xFFFFE000  }
0x31: {  	[tilespmem:s4], [sflag:$0x1] =	stream.indirect.gather [hbm4b:s3+s13], $0x40, s28, s13, $0xb8;
	[tilespmem:$0x8680] =	vst v63  }
0x32: {  	_ =	swait.ge [sflag:s17], $0x2000  }
0x33: {  	[sflag:s17] =	ssyncset.done $0x0  }
0x34: {  	s0 =	rddreg [dreg:$0x6];
	[sflag:s17] =	ssyncadd.s32 $0xFFFFE000  }
0x35: {  	[hbm4b:s0+s2] =	stream.linear.scatter [tilespmem:s14], [sflag:$0x7], $0x2000, $0x38;
	[tilespmem:$0x8680] =	vst v63  }
0x36: {  	_ =	swait.ge [sflag:s10], $0x2000  }
0x37: {  	[sflag:s10] =	ssyncset.done $0x0  }
0x38: {  	[sflag:s10] =	ssyncadd.s32 $0xFFFFE000  }
0x39: {  	[tilespmem:s15], [sflag:$0x2] =	stream.indirect.gather [hbm4b:s3+s13], $0x40, s26, s13, $0xb8;
	[tilespmem:$0x8680] =	vst v63  }
0x3a: {  	_ =	swait.ge [sflag:s16], $0x2000  }
0x3b: {  	[sflag:s16] =	ssyncset.done $0x0  }
0x3c: {  	s0 =	rddreg [dreg:$0x7];
	[sflag:s16] =	ssyncadd.s32 $0xFFFFE000  }
0x3d: {  	[hbm4b:s0+s2] =	stream.linear.scatter [tilespmem:s12], [sflag:$0x8], $0x2000, $0x38;
	[tilespmem:$0x8680] =	vst v63  }
0x3e: {  	_ =	swait.ge [sflag:s11], $0x2000  }
0x3f: {  	[sflag:s11] =	ssyncset.done $0x0  }
0x40: {  	[sflag:s11] =	ssyncadd.s32 $0xFFFFE000  }
0x41: {  	[tilespmem:s14], [sflag:$0x3] =	stream.indirect.gather [hbm4b:s3+s13], $0x40, s25, s13, $0xb8;
	[tilespmem:$0x8680] =	vst v63  }
0x42: {  	_ =	swait.ge [sflag:s8], $0x2000  }
0x43: {  	[sflag:s8] =	ssyncset.done $0x0  }
0x44: {  	s0 =	rddreg [dreg:$0x8];
	[sflag:s8] =	ssyncadd.s32 $0xFFFFE000  }
0x45: {  	[hbm4b:s0+s2] =	stream.linear.scatter [tilespmem:s4], [sflag:$0x5], $0x2000, $0x38;
	[tilespmem:$0x8680] =	vst v63  }
0x46: {  	_ =	swait.ge [sflag:s6], $0x2000  }
0x47: {  	[sflag:s6] =	ssyncset.done $0x0  }
0x48: {  	[sflag:s6] =	ssyncadd.s32 $0xFFFFE000  }
0x49: {  	[tilespmem:s12], [sflag:$0x4] =	stream.indirect.gather [hbm4b:s3+s13], $0x40, s24, s13, $0xb8;
	[tilespmem:$0x8680] =	vst v63  }
0x4a: {  	_ =	swait.ge [sflag:s18], $0x2000  }
0x4b: {  	[sflag:s18] =	ssyncset.done $0x0  }
0x4c: {  	s0 =	rddreg [dreg:$0x9];
	[sflag:s18] =	ssyncadd.s32 $0xFFFFE000  }
0x4d: {  	[hbm4b:s0+s2] =	stream.linear.scatter [tilespmem:s15], [sflag:$0x6], $0x2000, $0x38;
	[tilespmem:$0x8680] =	vst v63  }
0x4e: {  	_ =	swait.ge [sflag:s9], $0x2000  }
0x4f: {  	[sflag:s9] =	ssyncset.done $0x0  }
0x50: {  	[sflag:s9] =	ssyncadd.s32 $0xFFFFE000  }
0x51: {  	[tilespmem:s4], [sflag:$0x1] =	stream.indirect.gather [hbm4b:s3+s13], $0x40, s23, s13, $0xb8;
	[tilespmem:$0x8680] =	vst v63  }
0x52: {  	_ =	swait.ge [sflag:s17], $0x2000  }
0x53: {  	[sflag:s17] =	ssyncset.done $0x0  }
0x54: {  	s0 =	rddreg [dreg:$0xa];
	[sflag:s17] =	ssyncadd.s32 $0xFFFFE000  }
0x55: {  	[hbm4b:s0+s2] =	stream.linear.scatter [tilespmem:s14], [sflag:$0x7], $0x2000, $0x38;
	[tilespmem:$0x8680] =	vst v63  }
0x56: {  	_ =	swait.ge [sflag:s10], $0x2000  }
0x57: {  	[sflag:s10] =	ssyncset.done $0x0  }
0x58: {  	[sflag:s10] =	ssyncadd.s32 $0xFFFFE000  }
0x59: {  	[tilespmem:s15], [sflag:$0x2] =	stream.indirect.gather [hbm4b:s3+s13], $0x40, s22, s13, $0xb8;
	[tilespmem:$0x8680] =	vst v63  }
0x5a: {  	_ =	swait.ge [sflag:s16], $0x2000  }
0x5b: {  	[sflag:s16] =	ssyncset.done $0x0  }
0x5c: {  	s0 =	rddreg [dreg:$0xb];
	[sflag:s16] =	ssyncadd.s32 $0xFFFFE000  }
0x5d: {  	[hbm4b:s0+s2] =	stream.linear.scatter [tilespmem:s12], [sflag:$0x8], $0x2000, $0x38;
	[tilespmem:$0x8680] =	vst v63  }
0x5e: {  	_ =	swait.ge [sflag:s11], $0x2000  }
0x5f: {  	[sflag:s11] =	ssyncset.done $0x0  }
0x60: {  	[sflag:s11] =	ssyncadd.s32 $0xFFFFE000  }
0x61: {  	[tilespmem:s14], [sflag:$0x3] =	stream.indirect.gather [hbm4b:s3+s13], $0x40, s21, s13, $0xb8;
	[tilespmem:$0x8680] =	vst v63  }
0x62: {  	_ =	swait.ge [sflag:s8], $0x2000  }
0x63: {  	[sflag:s8] =	ssyncset.done $0x0  }
0x64: {  	s0 =	rddreg [dreg:$0xc];
	[sflag:s8] =	ssyncadd.s32 $0xFFFFE000  }
0x65: {  	[hbm4b:s0+s2] =	stream.linear.scatter [tilespmem:s4], [sflag:$0x5], $0x2000, $0x38;
	[tilespmem:$0x8680] =	vst v63  }
0x66: {  	_ =	swait.ge [sflag:s6], $0x2000  }
0x67: {  	[sflag:s6] =	ssyncset.done $0x0  }
0x68: {  	[sflag:s6] =	ssyncadd.s32 $0xFFFFE000  }
0x69: {  	[tilespmem:s12], [sflag:$0x4] =	stream.indirect.gather [hbm4b:s3+s13], $0x40, s20, s13, $0xb8;
	[tilespmem:$0x8680] =	vst v63  }
0x6a: {  	_ =	swait.ge [sflag:s18], $0x2000  }
0x6b: {  	[sflag:s18] =	ssyncset.done $0x0  }
0x6c: {  	s0 =	rddreg [dreg:$0xd];
	[sflag:s18] =	ssyncadd.s32 $0xFFFFE000  }
0x6d: {  	[hbm4b:s0+s2] =	stream.linear.scatter [tilespmem:s15], [sflag:$0x6], $0x2000, $0x38;
	[tilespmem:$0x8680] =	vst v63  }
0x6e: {  	_ =	swait.ge [sflag:s9], $0x2000  }
0x6f: {  	[sflag:s9] =	ssyncset.done $0x0  }
0x70: {  	[sflag:s9] =	ssyncadd.s32 $0xFFFFE000  }
0x71: {  	[tilespmem:s4], [sflag:$0x1] =	stream.indirect.gather [hbm4b:s3+s13], $0x40, s19, s13, $0xb8;
	[tilespmem:$0x8680] =	vst v63  }
0x72: {  	_ =	swait.ge [sflag:s17], $0x2000  }
0x73: {  	[sflag:s17] =	ssyncset.done $0x0  }
0x74: {  	[sflag:s17] =	ssyncadd.s32 $0xFFFFE000  }
0x75: {  	[hbm4b:s7+s2] =	stream.linear.scatter [tilespmem:s14], [sflag:$0x7], $0x2000, $0x38;
	[tilespmem:$0x8680] =	vst v63  }
0x76: {  	_ =	swait.ge [sflag:s16], $0x2000  }
0x77: {  	[sflag:s16] =	ssyncset.done $0x0  }
0x78: {  	[sflag:s16] =	ssyncadd.s32 $0xFFFFE000  }
0x79: {  	[hbm4b:s5+s2] =	stream.linear.scatter [tilespmem:s12], [sflag:$0x8], $0x2000, $0x38;
	[tilespmem:$0x8680] =	vst v63  }
0x7a: {  	_ =	swait.ge [sflag:s8], $0x2000  }
0x7b: {  	[sflag:s8] =	ssyncset.done $0x0  }
0x7c: {  	s0 =	rddreg [dreg:$0x3];
	[sflag:s8] =	ssyncadd.s32 $0xFFFFE000  }
0x7d: {  	[hbm4b:s0+s2] =	stream.linear.scatter [tilespmem:s4], [sflag:$0x5], $0x2000, $0x38;
	[tilespmem:$0x8680] =	vst v63  }
0x7e: {  	_ =	swait.ge [sflag:s9], $0x2000  }
0x7f: {  	[sflag:s9] =	ssyncset.done $0x0  }
0x80: {  	[sflag:s9] =	ssyncadd.s32 $0xFFFFE000  }
0x81: {  	_ =	swait.ge [sflag:s10], $0x2000  }
0x82: {  	[sflag:s10] =	ssyncset.done $0x0  }
0x83: {  	p1 =	sne.s32 s1, $0x1;
	[sflag:s10] =	ssyncadd.s32 $0xFFFFE000  }
.Ltmp1:
0x84: {  	_ =	swait.ge [sflag:s11], $0x2000;
	(pc) =	sbr.rel @!p1 .LBB2_3-.Ltmp1, $4  }
0x85: {  	[sflag:s11] =	ssyncset.done $0x0  }
0x86: {  	[sflag:s11] =	ssyncadd.s32 $0xFFFFE000  }
0x87: {  	s1 =	sadd.s32 $0xFFFFFFFF, s1;
	_ =	swait.ge [sflag:s6], $0x2000  }
0x88: {  	p0 =	por $0x1, $0x1;
	s0 =	rddreg [dreg:$0x2];
	[sflag:s6] =	ssyncset.done $0x0  }
.LBB2_2:
0x89: {  	[sflag:s6] =	ssyncadd.s32 $0xFFFFE000  }
0x8a: {  	[tilespmem:s2], [sflag:$0x9] =	stream.linear.gather [hbm4b:s0+s2], $0x680, $0x38;
	[tilespmem:$0x8680] =	vst v63  }
0x8b: {  	_ =	swait.ge [sflag:s30], $0x680  }
0x8c: {  	[sflag:s30] =	ssyncset.done $0x0  }
0x8d: {  	[sflag:s30] =	ssyncadd.s32 $0xFFFFF980  }
0x8e: {  	[tilespmem:s4], [sflag:$0x1] =	stream.indirect.gather [hbm4b:s3+s13], $0x40, s2, s13, $0xb8;
	[tilespmem:$0x8680] =	vst v63  }
0x8f: {  	_ = 	snop  }
0x90: {  	[tilespmem:s15], [sflag:$0x2] =	stream.indirect.gather [hbm4b:s3+s13], $0x40, s13, s13, $0xb8;
	[tilespmem:$0x8680] =	vst v63  }
0x91: {  	_ = 	snop  }
0x92: {  	[tilespmem:s14], [sflag:$0x3] =	stream.indirect.gather [hbm4b:s3+s13], $0x40, s31, s13, $0xb8;
	[tilespmem:$0x8680] =	vst v63  }
0x93: {  	_ =	swait.ge [sflag:s8], $0x2000  }
0x94: {  	[sflag:s8] =	ssyncset.done $0x0  }
0x95: {  	s0 =	rddreg [dreg:$0x4];
	[sflag:s8] =	ssyncadd.s32 $0xFFFFE000  }
0x96: {  	[hbm4b:s0+s2] =	stream.linear.scatter [tilespmem:s4], [sflag:$0x5], $0x2000, $0x38;
	[tilespmem:$0x8680] =	vst v63  }
0x97: {  	_ = 	snop  }
0x98: {  	[tilespmem:s12], [sflag:$0x4] =	stream.indirect.gather [hbm4b:s3+s13], $0x40, s29, s13, $0xb8;
	[tilespmem:$0x8680] =	vst v63  }
0x99: {  	_ =	swait.ge [sflag:s18], $0x2000  }
0x9a: {  	[sflag:s18] =	ssyncset.done $0x0  }
0x9b: {  	s0 =	rddreg [dreg:$0x5];
	[sflag:s18] =	ssyncadd.s32 $0xFFFFE000  }
0x9c: {  	[hbm4b:s0+s2] =	stream.linear.scatter [tilespmem:s15], [sflag:$0x6], $0x2000, $0x38;
	[tilespmem:$0x8680] =	vst v63  }
0x9d: {  	_ =	swait.ge [sflag:s9], $0x2000  }
0x9e: {  	[sflag:s9] =	ssyncset.done $0x0  }
0x9f: {  	[sflag:s9] =	ssyncadd.s32 $0xFFFFE000  }
0xa0: {  	[tilespmem:s4], [sflag:$0x1] =	stream.indirect.gather [hbm4b:s3+s13], $0x40, s28, s13, $0xb8;
	[tilespmem:$0x8680] =	vst v63  }
0xa1: {  	_ =	swait.ge [sflag:s17], $0x2000  }
0xa2: {  	[sflag:s17] =	ssyncset.done $0x0  }
0xa3: {  	s0 =	rddreg [dreg:$0x6];
	[sflag:s17] =	ssyncadd.s32 $0xFFFFE000  }
0xa4: {  	[hbm4b:s0+s2] =	stream.linear.scatter [tilespmem:s14], [sflag:$0x7], $0x2000, $0x38;
	[tilespmem:$0x8680] =	vst v63  }
0xa5: {  	_ =	swait.ge [sflag:s10], $0x2000  }
0xa6: {  	[sflag:s10] =	ssyncset.done $0x0  }
0xa7: {  	[sflag:s10] =	ssyncadd.s32 $0xFFFFE000  }
0xa8: {  	[tilespmem:s15], [sflag:$0x2] =	stream.indirect.gather [hbm4b:s3+s13], $0x40, s26, s13, $0xb8;
	[tilespmem:$0x8680] =	vst v63  }
0xa9: {  	_ =	swait.ge [sflag:s16], $0x2000  }
0xaa: {  	[sflag:s16] =	ssyncset.done $0x0  }
0xab: {  	s0 =	rddreg [dreg:$0x7];
	[sflag:s16] =	ssyncadd.s32 $0xFFFFE000  }
0xac: {  	[hbm4b:s0+s2] =	stream.linear.scatter [tilespmem:s12], [sflag:$0x8], $0x2000, $0x38;
	[tilespmem:$0x8680] =	vst v63  }
0xad: {  	_ =	swait.ge [sflag:s11], $0x2000  }
0xae: {  	[sflag:s11] =	ssyncset.done $0x0  }
0xaf: {  	[sflag:s11] =	ssyncadd.s32 $0xFFFFE000  }
0xb0: {  	[tilespmem:s14], [sflag:$0x3] =	stream.indirect.gather [hbm4b:s3+s13], $0x40, s25, s13, $0xb8;
	[tilespmem:$0x8680] =	vst v63  }
0xb1: {  	_ =	swait.ge [sflag:s8], $0x2000  }
0xb2: {  	[sflag:s8] =	ssyncset.done $0x0  }
0xb3: {  	s0 =	rddreg [dreg:$0x8];
	[sflag:s8] =	ssyncadd.s32 $0xFFFFE000  }
0xb4: {  	[hbm4b:s0+s2] =	stream.linear.scatter [tilespmem:s4], [sflag:$0x5], $0x2000, $0x38;
	[tilespmem:$0x8680] =	vst v63  }
0xb5: {  	_ =	swait.ge [sflag:s6], $0x2000  }
0xb6: {  	[sflag:s6] =	ssyncset.done $0x0  }
0xb7: {  	[sflag:s6] =	ssyncadd.s32 $0xFFFFE000  }
0xb8: {  	[tilespmem:s12], [sflag:$0x4] =	stream.indirect.gather [hbm4b:s3+s13], $0x40, s24, s13, $0xb8;
	[tilespmem:$0x8680] =	vst v63  }
0xb9: {  	_ =	swait.ge [sflag:s18], $0x2000  }
0xba: {  	[sflag:s18] =	ssyncset.done $0x0  }
0xbb: {  	s0 =	rddreg [dreg:$0x9];
	[sflag:s18] =	ssyncadd.s32 $0xFFFFE000  }
0xbc: {  	[hbm4b:s0+s2] =	stream.linear.scatter [tilespmem:s15], [sflag:$0x6], $0x2000, $0x38;
	[tilespmem:$0x8680] =	vst v63  }
0xbd: {  	_ =	swait.ge [sflag:s9], $0x2000  }
0xbe: {  	[sflag:s9] =	ssyncset.done $0x0  }
0xbf: {  	[sflag:s9] =	ssyncadd.s32 $0xFFFFE000  }
0xc0: {  	[tilespmem:s4], [sflag:$0x1] =	stream.indirect.gather [hbm4b:s3+s13], $0x40, s23, s13, $0xb8;
	[tilespmem:$0x8680] =	vst v63  }
0xc1: {  	_ =	swait.ge [sflag:s17], $0x2000  }
0xc2: {  	[sflag:s17] =	ssyncset.done $0x0  }
0xc3: {  	s0 =	rddreg [dreg:$0xa];
	[sflag:s17] =	ssyncadd.s32 $0xFFFFE000  }
0xc4: {  	[hbm4b:s0+s2] =	stream.linear.scatter [tilespmem:s14], [sflag:$0x7], $0x2000, $0x38;
	[tilespmem:$0x8680] =	vst v63  }
0xc5: {  	_ =	swait.ge [sflag:s10], $0x2000  }
0xc6: {  	[sflag:s10] =	ssyncset.done $0x0  }
0xc7: {  	[sflag:s10] =	ssyncadd.s32 $0xFFFFE000  }
0xc8: {  	[tilespmem:s15], [sflag:$0x2] =	stream.indirect.gather [hbm4b:s3+s13], $0x40, s22, s13, $0xb8;
	[tilespmem:$0x8680] =	vst v63  }
0xc9: {  	_ =	swait.ge [sflag:s16], $0x2000  }
0xca: {  	[sflag:s16] =	ssyncset.done $0x0  }
0xcb: {  	s0 =	rddreg [dreg:$0xb];
	[sflag:s16] =	ssyncadd.s32 $0xFFFFE000  }
0xcc: {  	[hbm4b:s0+s2] =	stream.linear.scatter [tilespmem:s12], [sflag:$0x8], $0x2000, $0x38;
	[tilespmem:$0x8680] =	vst v63  }
0xcd: {  	_ =	swait.ge [sflag:s11], $0x2000  }
0xce: {  	[sflag:s11] =	ssyncset.done $0x0  }
0xcf: {  	[sflag:s11] =	ssyncadd.s32 $0xFFFFE000  }
0xd0: {  	[tilespmem:s14], [sflag:$0x3] =	stream.indirect.gather [hbm4b:s3+s13], $0x40, s21, s13, $0xb8;
	[tilespmem:$0x8680] =	vst v63  }
0xd1: {  	_ =	swait.ge [sflag:s8], $0x2000  }
0xd2: {  	[sflag:s8] =	ssyncset.done $0x0  }
0xd3: {  	s0 =	rddreg [dreg:$0xc];
	[sflag:s8] =	ssyncadd.s32 $0xFFFFE000  }
0xd4: {  	[hbm4b:s0+s2] =	stream.linear.scatter [tilespmem:s4], [sflag:$0x5], $0x2000, $0x38;
	[tilespmem:$0x8680] =	vst v63  }
0xd5: {  	_ =	swait.ge [sflag:s6], $0x2000  }
0xd6: {  	[sflag:s6] =	ssyncset.done $0x0  }
0xd7: {  	[sflag:s6] =	ssyncadd.s32 $0xFFFFE000  }
0xd8: {  	[tilespmem:s12], [sflag:$0x4] =	stream.indirect.gather [hbm4b:s3+s13], $0x40, s20, s13, $0xb8;
	[tilespmem:$0x8680] =	vst v63  }
0xd9: {  	_ =	swait.ge [sflag:s18], $0x2000  }
0xda: {  	[sflag:s18] =	ssyncset.done $0x0  }
0xdb: {  	s0 =	rddreg [dreg:$0xd];
	[sflag:s18] =	ssyncadd.s32 $0xFFFFE000  }
0xdc: {  	[hbm4b:s0+s2] =	stream.linear.scatter [tilespmem:s15], [sflag:$0x6], $0x2000, $0x38;
	[tilespmem:$0x8680] =	vst v63  }
0xdd: {  	_ =	swait.ge [sflag:s9], $0x2000  }
0xde: {  	[sflag:s9] =	ssyncset.done $0x0  }
0xdf: {  	[sflag:s9] =	ssyncadd.s32 $0xFFFFE000  }
0xe0: {  	[tilespmem:s4], [sflag:$0x1] =	stream.indirect.gather [hbm4b:s3+s13], $0x40, s19, s13, $0xb8;
	[tilespmem:$0x8680] =	vst v63  }
0xe1: {  	_ =	swait.ge [sflag:s17], $0x2000  }
0xe2: {  	[sflag:s17] =	ssyncset.done $0x0  }
0xe3: {  	[sflag:s17] =	ssyncadd.s32 $0xFFFFE000  }
0xe4: {  	[hbm4b:s7+s2] =	stream.linear.scatter [tilespmem:s14], [sflag:$0x7], $0x2000, $0x38;
	[tilespmem:$0x8680] =	vst v63  }
0xe5: {  	_ =	swait.ge [sflag:s16], $0x2000  }
0xe6: {  	[sflag:s16] =	ssyncset.done $0x0  }
0xe7: {  	[sflag:s16] =	ssyncadd.s32 $0xFFFFE000  }
0xe8: {  	[hbm4b:s5+s2] =	stream.linear.scatter [tilespmem:s12], [sflag:$0x8], $0x2000, $0x38;
	[tilespmem:$0x8680] =	vst v63  }
0xe9: {  	_ =	swait.ge [sflag:s8], $0x2000  }
0xea: {  	[sflag:s8] =	ssyncset.done $0x0  }
0xeb: {  	s0 =	rddreg [dreg:$0x3];
	[sflag:s8] =	ssyncadd.s32 $0xFFFFE000  }
0xec: {  	[hbm4b:s0+s2] =	stream.linear.scatter [tilespmem:s4], [sflag:$0x5], $0x2000, $0x38;
	[tilespmem:$0x8680] =	vst v63  }
0xed: {  	_ =	swait.ge [sflag:s9], $0x2000  }
0xee: {  	[sflag:s9] =	ssyncset.done $0x0  }
0xef: {  	[sflag:s9] =	ssyncadd.s32 $0xFFFFE000  }
0xf0: {  	_ =	swait.ge [sflag:s10], $0x2000  }
0xf1: {  	[sflag:s10] =	ssyncset.done $0x0  }
0xf2: {  	p1 =	sne.s32 s1, $0x1;
	[sflag:s10] =	ssyncadd.s32 $0xFFFFE000  }
.Ltmp2:
0xf3: {  	_ =	swait.ge [sflag:s11], $0x2000;
	(pc) =	sbr.rel @p1 .LBB2_2-.Ltmp2, $4  }
0xf4: {  	[sflag:s11] =	ssyncset.done $0x0  }
0xf5: {  	[sflag:s11] =	ssyncadd.s32 $0xFFFFE000  }
0xf6: {  	_ =	swait.ge [sflag:s6], $0x2000  }
0xf7: {  	s1 =	sadd.s32 $0xFFFFFFFF, s1;
	s0 =	rddreg [dreg:$0x2];
	[sflag:s6] =	ssyncset.done $0x0  }
.LBB2_3:
0xf8: {  	[sflag:s6] =	ssyncadd.s32 @p0 $0xFFFFE000  }
0xf9: {  	[tilespmem:s2], [sflag:$0x9] =	stream.linear.gather [hbm4b:s0+s2], $0x680, $0x38;
	[tilespmem:$0x8680] =	vst v63  }
0xfa: {  	_ =	swait.ge [sflag:s30], $0x680  }
0xfb: {  	[sflag:s30] =	ssyncset.done $0x0  }
0xfc: {  	[sflag:s30] =	ssyncadd.s32 $0xFFFFF980  }
0xfd: {  	[tilespmem:s4], [sflag:$0x1] =	stream.indirect.gather [hbm4b:s3+s13], $0x40, s2, s13, $0xb8;
	[tilespmem:$0x8680] =	vst v63  }
0xfe: {  	_ = 	snop  }
0xff: {  	[tilespmem:s15], [sflag:$0x2] =	stream.indirect.gather [hbm4b:s3+s13], $0x40, s13, s13, $0xb8;
	[tilespmem:$0x8680] =	vst v63  }
0x100: {  	_ = 	snop  }
0x101: {  	[tilespmem:s14], [sflag:$0x3] =	stream.indirect.gather [hbm4b:s3+s13], $0x40, s31, s13, $0xb8;
	[tilespmem:$0x8680] =	vst v63  }
0x102: {  	_ =	swait.ge [sflag:s8], $0x2000  }
0x103: {  	[sflag:s8] =	ssyncset.done $0x0  }
0x104: {  	s1 =	rddreg [dreg:$0x4];
	[sflag:s8] =	ssyncadd.s32 $0xFFFFE000  }
0x105: {  	[hbm4b:s1+s2] =	stream.linear.scatter [tilespmem:s4], [sflag:$0x5], $0x2000, $0x38;
	[tilespmem:$0x8680] =	vst v63  }
0x106: {  	_ = 	snop  }
0x107: {  	[tilespmem:s12], [sflag:$0x4] =	stream.indirect.gather [hbm4b:s3+s13], $0x40, s29, s13, $0xb8;
	[tilespmem:$0x8680] =	vst v63  }
0x108: {  	_ =	swait.ge [sflag:s18], $0x2000  }
0x109: {  	[sflag:s18] =	ssyncset.done $0x0  }
0x10a: {  	s29 =	rddreg [dreg:$0x5];
	[sflag:s18] =	ssyncadd.s32 $0xFFFFE000  }
0x10b: {  	[hbm4b:s29+s2] =	stream.linear.scatter [tilespmem:s15], [sflag:$0x6], $0x2000, $0x38;
	[tilespmem:$0x8680] =	vst v63  }
0x10c: {  	_ =	swait.ge [sflag:s9], $0x2000  }
0x10d: {  	[sflag:s9] =	ssyncset.done $0x0  }
0x10e: {  	[sflag:s9] =	ssyncadd.s32 $0xFFFFE000  }
0x10f: {  	[tilespmem:s4], [sflag:$0x1] =	stream.indirect.gather [hbm4b:s3+s13], $0x40, s28, s13, $0xb8;
	[tilespmem:$0x8680] =	vst v63  }
0x110: {  	_ =	swait.ge [sflag:s17], $0x2000  }
0x111: {  	[sflag:s17] =	ssyncset.done $0x0  }
0x112: {  	s30 =	rddreg [dreg:$0x6];
	[sflag:s17] =	ssyncadd.s32 $0xFFFFE000  }
0x113: {  	[hbm4b:s30+s2] =	stream.linear.scatter [tilespmem:s14], [sflag:$0x7], $0x2000, $0x38;
	[tilespmem:$0x8680] =	vst v63  }
0x114: {  	_ =	swait.ge [sflag:s10], $0x2000  }
0x115: {  	[sflag:s10] =	ssyncset.done $0x0  }
0x116: {  	[sflag:s10] =	ssyncadd.s32 $0xFFFFE000  }
0x117: {  	[tilespmem:s15], [sflag:$0x2] =	stream.indirect.gather [hbm4b:s3+s13], $0x40, s26, s13, $0xb8;
	[tilespmem:$0x8680] =	vst v63  }
0x118: {  	_ =	swait.ge [sflag:s16], $0x2000  }
0x119: {  	[sflag:s16] =	ssyncset.done $0x0  }
0x11a: {  	s31 =	rddreg [dreg:$0x7];
	[sflag:s16] =	ssyncadd.s32 $0xFFFFE000  }
0x11b: {  	[hbm4b:s31+s2] =	stream.linear.scatter [tilespmem:s12], [sflag:$0x8], $0x2000, $0x38;
	[tilespmem:$0x8680] =	vst v63  }
0x11c: {  	_ =	swait.ge [sflag:s11], $0x2000  }
0x11d: {  	[sflag:s11] =	ssyncset.done $0x0  }
0x11e: {  	[sflag:s11] =	ssyncadd.s32 $0xFFFFE000  }
0x11f: {  	[tilespmem:s14], [sflag:$0x3] =	stream.indirect.gather [hbm4b:s3+s13], $0x40, s25, s13, $0xb8;
	[tilespmem:$0x8680] =	vst v63  }
0x120: {  	_ =	swait.ge [sflag:s8], $0x2000  }
0x121: {  	[sflag:s8] =	ssyncset.done $0x0  }
0x122: {  	s1 =	rddreg [dreg:$0x8];
	[sflag:s8] =	ssyncadd.s32 $0xFFFFE000  }
0x123: {  	[hbm4b:s1+s2] =	stream.linear.scatter [tilespmem:s4], [sflag:$0x5], $0x2000, $0x38;
	[tilespmem:$0x8680] =	vst v63  }
0x124: {  	_ =	swait.ge [sflag:s6], $0x2000  }
0x125: {  	[sflag:s6] =	ssyncset.done $0x0  }
0x126: {  	[sflag:s6] =	ssyncadd.s32 $0xFFFFE000  }
0x127: {  	[tilespmem:s12], [sflag:$0x4] =	stream.indirect.gather [hbm4b:s3+s13], $0x40, s24, s13, $0xb8;
	[tilespmem:$0x8680] =	vst v63  }
0x128: {  	_ =	swait.ge [sflag:s18], $0x2000  }
0x129: {  	[sflag:s18] =	ssyncset.done $0x0  }
0x12a: {  	s24 =	rddreg [dreg:$0x9];
	[sflag:s18] =	ssyncadd.s32 $0xFFFFE000  }
0x12b: {  	[hbm4b:s24+s2] =	stream.linear.scatter [tilespmem:s15], [sflag:$0x6], $0x2000, $0x38;
	[tilespmem:$0x8680] =	vst v63  }
0x12c: {  	_ =	swait.ge [sflag:s9], $0x2000  }
0x12d: {  	[sflag:s9] =	ssyncset.done $0x0  }
0x12e: {  	[sflag:s9] =	ssyncadd.s32 $0xFFFFE000  }
0x12f: {  	[tilespmem:s4], [sflag:$0x1] =	stream.indirect.gather [hbm4b:s3+s13], $0x40, s23, s13, $0xb8;
	[tilespmem:$0x8680] =	vst v63  }
0x130: {  	_ =	swait.ge [sflag:s17], $0x2000  }
0x131: {  	[sflag:s17] =	ssyncset.done $0x0  }
0x132: {  	s25 =	rddreg [dreg:$0xa];
	[sflag:s17] =	ssyncadd.s32 $0xFFFFE000  }
0x133: {  	[hbm4b:s25+s2] =	stream.linear.scatter [tilespmem:s14], [sflag:$0x7], $0x2000, $0x38;
	[tilespmem:$0x8680] =	vst v63  }
0x134: {  	_ =	swait.ge [sflag:s10], $0x2000  }
0x135: {  	[sflag:s10] =	ssyncset.done $0x0  }
0x136: {  	[sflag:s10] =	ssyncadd.s32 $0xFFFFE000  }
0x137: {  	[tilespmem:s15], [sflag:$0x2] =	stream.indirect.gather [hbm4b:s3+s13], $0x40, s22, s13, $0xb8;
	[tilespmem:$0x8680] =	vst v63  }
0x138: {  	_ =	swait.ge [sflag:s16], $0x2000  }
0x139: {  	[sflag:s16] =	ssyncset.done $0x0  }
0x13a: {  	s26 =	rddreg [dreg:$0xb];
	[sflag:s16] =	ssyncadd.s32 $0xFFFFE000  }
0x13b: {  	[hbm4b:s26+s2] =	stream.linear.scatter [tilespmem:s12], [sflag:$0x8], $0x2000, $0x38;
	[tilespmem:$0x8680] =	vst v63  }
0x13c: {  	_ =	swait.ge [sflag:s11], $0x2000  }
0x13d: {  	[sflag:s11] =	ssyncset.done $0x0  }
0x13e: {  	[sflag:s11] =	ssyncadd.s32 $0xFFFFE000  }
0x13f: {  	[tilespmem:s14], [sflag:$0x3] =	stream.indirect.gather [hbm4b:s3+s13], $0x40, s21, s13, $0xb8;
	[tilespmem:$0x8680] =	vst v63  }
0x140: {  	_ =	swait.ge [sflag:s8], $0x2000  }
0x141: {  	[sflag:s8] =	ssyncset.done $0x0  }
0x142: {  	s28 =	rddreg [dreg:$0xc];
	[sflag:s8] =	ssyncadd.s32 $0xFFFFE000  }
0x143: {  	[hbm4b:s28+s2] =	stream.linear.scatter [tilespmem:s4], [sflag:$0x5], $0x2000, $0x38;
	[tilespmem:$0x8680] =	vst v63  }
0x144: {  	_ =	swait.ge [sflag:s6], $0x2000  }
0x145: {  	[sflag:s6] =	ssyncset.done $0x0  }
0x146: {  	[sflag:s6] =	ssyncadd.s32 $0xFFFFE000  }
0x147: {  	[tilespmem:s12], [sflag:$0x4] =	stream.indirect.gather [hbm4b:s3+s13], $0x40, s20, s13, $0xb8;
	[tilespmem:$0x8680] =	vst v63  }
0x148: {  	_ =	swait.ge [sflag:s18], $0x2000  }
0x149: {  	[sflag:s18] =	ssyncset.done $0x0  }
0x14a: {  	s29 =	rddreg [dreg:$0xd];
	[sflag:s18] =	ssyncadd.s32 $0xFFFFE000  }
0x14b: {  	[hbm4b:s29+s2] =	stream.linear.scatter [tilespmem:s15], [sflag:$0x6], $0x2000, $0x38;
	[tilespmem:$0x8680] =	vst v63  }
0x14c: {  	_ =	swait.ge [sflag:s9], $0x2000  }
0x14d: {  	[sflag:s9] =	ssyncset.done $0x0  }
0x14e: {  	[sflag:s9] =	ssyncadd.s32 $0xFFFFE000  }
0x14f: {  	[tilespmem:s4], [sflag:$0x1] =	stream.indirect.gather [hbm4b:s3+s13], $0x40, s19, s13, $0xb8;
	[tilespmem:$0x8680] =	vst v63  }
0x150: {  	_ =	swait.ge [sflag:s17], $0x2000  }
0x151: {  	[sflag:s17] =	ssyncset.done $0x0  }
0x152: {  	[sflag:s17] =	ssyncadd.s32 $0xFFFFE000  }
0x153: {  	[hbm4b:s7+s2] =	stream.linear.scatter [tilespmem:s14], [sflag:$0x7], $0x2000, $0x38;
	[tilespmem:$0x8680] =	vst v63  }
0x154: {  	_ =	swait.ge [sflag:s16], $0x2000  }
0x155: {  	[sflag:s16] =	ssyncset.done $0x0  }
0x156: {  	[sflag:s16] =	ssyncadd.s32 $0xFFFFE000  }
0x157: {  	[hbm4b:s5+s2] =	stream.linear.scatter [tilespmem:s12], [sflag:$0x8], $0x2000, $0x38;
	[tilespmem:$0x8680] =	vst v63  }
0x158: {  	_ =	swait.ge [sflag:s8], $0x2000  }
0x159: {  	[sflag:s8] =	ssyncset.done $0x0  }
0x15a: {  	s30 =	rddreg [dreg:$0x3];
	[sflag:s8] =	ssyncadd.s32 $0xFFFFE000  }
0x15b: {  	[hbm4b:s30+s2] =	stream.linear.scatter [tilespmem:s4], [sflag:$0x5], $0x2000, $0x38;
	[tilespmem:$0x8680] =	vst v63  }
0x15c: {  	_ =	swait.ge [sflag:s9], $0x2000  }
0x15d: {  	[sflag:s9] =	ssyncset.done $0x0  }
0x15e: {  	[sflag:s9] =	ssyncadd.s32 $0xFFFFE000  }
0x15f: {  	_ =	swait.ge [sflag:s10], $0x2000  }
0x160: {  	[sflag:s10] =	ssyncset.done $0x0  }
0x161: {  	[sflag:s10] =	ssyncadd.s32 $0xFFFFE000  }
0x162: {  	_ =	swait.ge [sflag:s11], $0x2000  }
0x163: {  	[sflag:s11] =	ssyncset.done $0x0  }
0x164: {  	[sflag:s11] =	ssyncadd.s32 $0xFFFFE000  }
0x165: {  	_ =	swait.ge [sflag:s6], $0x2000  }
0x166: {  	[sflag:s6] =	ssyncset.done $0x0  }
0x167: {  	[sflag:s6] =	ssyncadd.s32 $0xFFFFE000  }
0x168: {  	_ =	sfence.sel $0x180000  }
0x169: {  	[bflag:$0x0] =	sbarrier.arrive $0xFFFF  }
0x16a: {  	_ =	strace $0x9000004D  }
0x16b: {  	s31 =	stileid.u32;
	[bflag:$0x2] =	sbarrier.arrive $0xFFFF  }
0x16c: {  	p0 =	sne.s32 s31, $0x0;
	s0 =	rddreg [dreg:$0x1]  }
0x16d: {  	s0 =	sadd.s32 @!p0 $0x100000, s0  }
0x16e: {  	[sflag:s0] =	ssyncadd.tile.s32 @!p0 $0x1;
	_ =	shalt  }
.Lfunc_end2:
_tile_overlayer_lowered:
.L_overlay_start_2:
0x16f: {  	(tag) =	ssettag $0x2  }
0x170: {  	s0 =	rddreg [dreg:$0x0];
	s2 =	stileid.u32  }
0x171: {  	s1 =	rddreg [dreg:$0x1];
	p0 =	sne.s32 s2, $0x0  }
0x172: {  	s3 =	rddreg [dreg:$0x2];
	[bflag:$0x3] =	sbarrier.arrive $0xFFFF;
	s2 =	simm.s32 @!p0 $0x1C09  }
0x173: {  	[timem:s3], [sflag:s2] =	dma.local @!p0 [hbm:s0], s1  }
0x174: {  	s0 =	simm.s32 @!p0 $0x9  }
0x175: {  	_ =	swait.ge @!p0 [sflag:s0], s1  }
0x176: {  	s1 =	ssub.s32 @!p0 $0x0, s1;
	[sflag:s0] =	ssyncset.done @!p0 $0x0  }
0x177: {  	[sflag:s0] =	ssyncadd.s32 @!p0 s1  }
0x178: {  	[bflag:$0x3] =	sbarrier.arrive $0xFFFF  }
0x179: {  	_ =	shalt  }

// kernel: kernel.8.cloned.1.call-start
scs
__scs_entry_jumppad:
0x0: {  	(pc) =	sbr.rel $0x88, $3  }
0x1: {  	(tag) =	ssettag $0x0;
	lr =	simm.s32 $0x1  }
0x2: {  	[smem:$0x3F9D] =	sst lr;
	_ =	strace $0xD0000000  }
0x3: {  	_ = 	snop  }
0x4: {  	_ = 	snop  }
0x5: {  	_ = 	snop  }
0x6: {  	_ = 	snop  }
0x7: {  	_ = 	snop  }
__scs_overlays_trampoline_lowered:
0x8: {  	[smem:$0x3FAC] =	sst s0  }
0x9: {  	[smem:$0x3FAD] =	sst s1  }
0xa: {  	[smem:$0x3FAE] =	sst s2  }
0xb: {  	[smem:$0x3FAF] =	sst s3  }
0xc: {  	[smem:$0x3FB0] =	sst s4  }
0xd: {  	[smem:$0x3FB1] =	sst s5  }
0xe: {  	[smem:$0x3FB2] =	sst s6  }
0xf: {  	[smem:$0x3FB3] =	sst s7  }
0x10: {  	[smem:$0x3FB4] =	sst s8  }
0x11: {  	[smem:$0x3FB5] =	sst s9;
	s0 =	simm.s32 @!p0 $0x0  }
0x12: {  	s1 =	sld [smem:$0x3F9B];
	s0 =	simm.s32 @p0 $0x1  }
0x13: {  	[smem:$0x3FB6] =	sst s0;
	s0 =	simm.s32 @!p1 $0x0  }
0x14: {  	s2 =	sld [smem:$0x3F9A];
	s0 =	simm.s32 @p1 $0x1  }
0x15: {  	[smem:$0x3FB7] =	sst s0;
	s0 =	simm.s32 @!p2 $0x0  }
0x16: {  	s3 =	sld [smem:$0x3FDB];
	s0 =	simm.s32 @p2 $0x1  }
0x17: {  	s4 =	simm.s32 $0x1BF5;
	[smem:$0x3FB9] =	sst s0  }
0x18: {  	s0 =	sld [smem:$0x3F9C];
	_ =	swait.ge [sflag:s4], $0x0  }
0x19: {  	s7 =	sld [smem:$0x3F9D]  }
0x1a: {  	s8 =	sadd.s32 $0xFFFFE003, lr  }
0x1b: {  	s9 =	sadd.s32 $0xFFFFFEF7, lr;
	s5 =	simm.s32 $0xFFFFFFFF;
	p2 =	slt.u32 s8, $0xFFFFF086  }
0x1c: {  	p1 =	slt.u32 s9, $0xF7A;
	s5 =	simm.s32 @!p2 $0x0  }
0x1d: {  	s5 =	simm.s32 @p1 $0x1;
	p0 =	seq.s32 s7, s2  }
0x1e: {  	s7 =	smul.u32 @!p0 $0xF7A, s2;
	p2 =	seq.s32 @!p0 s5, $0x0  }
0x1f: {  	s9 =	smul.u32 $0xF7A, s1;
	s8 =	simm.s32 @!p0 $0x1BF5;
	p2 =	por !p2, p0  }
0x20: {  	[sflag:s8] =	ssyncset.s32 @!p0 $0xFFFFF086;
	s6 =	sadd.s32 @!p0 s3, s7;
	s7 =	simm.s32 @!p0 $0x108  }
0x21: {  	s3 =	sadd.s32 s3, s9;
	s6 =	sadd.s32 @!p0 $0x88, s6;
	s7 =	simm.s32 @p2 $0x1082  }
0x22: {  	[simem:s7], [sflag:s8] =	dma.local @!p0 [hbm:s6], $0xF7A  }
0x23: {  	s9 =	sor.u32 $0xD0000000, s2;
	s6 =	simm.s32 $0x108;
	_ =	swait.ge @!p0 [sflag:s8], $0x0  }
0x24: {  	s3 =	sadd.s32 $0x88, s3;
	s6 =	simm.s32 @!p1 $0x1082;
	[sflag:s4] =	ssyncset.s32 $0xFFFFF086  }
0x25: {  	[simem:s6], [sflag:s4] =	dma.local [hbm:s3], $0xF7A  }
0x26: {  	[smem:$0x3F9D] =	sst s1;
	(tag) =	ssettag s2;
	_ =	strace s9  }
0x27: {  	s1 =	sld [smem:$0x3FAD]  }
0x28: {  	s2 =	sld [smem:$0x3FAE]  }
0x29: {  	s4 =	sld [smem:$0x3FB0]  }
0x2a: {  	p0 =	seq.s32 s5, $0x0;
	s5 =	sld [smem:$0x3FB1]  }
0x2b: {  	s6 =	sld [smem:$0x3FB2]  }
0x2c: {  	s7 =	sld [smem:$0x3FB3]  }
0x2d: {  	s3 =	simm.s32 $0x108;
	s8 =	sld [smem:$0x3FB4]  }
0x2e: {  	s3 =	simm.s32 @!p0 $0x1082;
	s9 =	sld [smem:$0x3FB5]  }
0x2f: {  	lr =	sadd.s32 s0, s3;
	s0 =	sld [smem:$0x3FAC]  }
0x30: {  	s3 =	sld [smem:$0x3FAF]  }
0x31: {  	[smem:$0x3FB8] =	sst s10  }
0x32: {  	s10 =	sld [smem:$0x3FB6];
	_ =	sdelay $0x3  }
0x33: {  	p0 =	seq.s32 s10, $0x1;
	s10 =	sld [smem:$0x3FB8];
	_ =	sdelay $0x3  }
0x34: {  	[smem:$0x3FB8] =	sst s10  }
0x35: {  	s10 =	sld [smem:$0x3FB7];
	_ =	sdelay $0x3  }
0x36: {  	p1 =	seq.s32 s10, $0x1;
	s10 =	sld [smem:$0x3FB8];
	_ =	sdelay $0x3  }
0x37: {  	[smem:$0x3FB8] =	sst s10  }
0x38: {  	s10 =	sld [smem:$0x3FB9]  }
0x39: {  	_ = 	snop;
	(pc) =	sbr.ind lr, $3  }
0x3a: {  	_ = 	snop  }
0x3b: {  	_ = 	snop  }
0x3c: {  	p2 =	seq.s32 s10, $0x1;
	s10 =	sld [smem:$0x3FB8]  }
0x3d: {  	_ =	shalt  }
0x3e: {  	_ =	shalt  }
0x3f: {  	_ =	shalt  }
0x40: {  	_ =	shalt  }
0x41: {  	_ =	shalt  }
0x42: {  	_ =	shalt  }
0x43: {  	_ =	shalt  }
0x44: {  	_ =	shalt  }
0x45: {  	_ =	shalt  }
0x46: {  	_ =	shalt  }
0x47: {  	_ =	shalt  }
0x48: {  	_ =	shalt  }
0x49: {  	_ =	shalt  }
0x4a: {  	_ =	shalt  }
0x4b: {  	_ =	shalt  }
0x4c: {  	_ =	shalt  }
0x4d: {  	_ =	shalt  }
0x4e: {  	_ =	shalt  }
0x4f: {  	_ =	shalt  }
0x50: {  	_ =	shalt  }
0x51: {  	_ =	shalt  }
0x52: {  	_ =	shalt  }
0x53: {  	_ =	shalt  }
0x54: {  	_ =	shalt  }
0x55: {  	_ =	shalt  }
0x56: {  	_ =	shalt  }
0x57: {  	_ =	shalt  }
0x58: {  	_ =	shalt  }
0x59: {  	_ =	shalt  }
0x5a: {  	_ =	shalt  }
0x5b: {  	_ =	shalt  }
0x5c: {  	_ =	shalt  }
0x5d: {  	_ =	shalt  }
0x5e: {  	_ =	shalt  }
0x5f: {  	_ =	shalt  }
0x60: {  	_ =	shalt  }
0x61: {  	_ =	shalt  }
0x62: {  	_ =	shalt  }
0x63: {  	_ =	shalt  }
0x64: {  	_ =	shalt  }
0x65: {  	_ =	shalt  }
0x66: {  	_ =	shalt  }
0x67: {  	_ =	shalt  }
0x68: {  	_ =	shalt  }
0x69: {  	_ =	shalt  }
0x6a: {  	_ =	shalt  }
0x6b: {  	_ =	shalt  }
0x6c: {  	_ =	shalt  }
0x6d: {  	_ =	shalt  }
0x6e: {  	_ =	shalt  }
0x6f: {  	_ =	shalt  }
0x70: {  	_ =	shalt  }
0x71: {  	_ =	shalt  }
0x72: {  	_ =	shalt  }
0x73: {  	_ =	shalt  }
0x74: {  	_ =	shalt  }
0x75: {  	_ =	shalt  }
0x76: {  	_ =	shalt  }
0x77: {  	_ =	shalt  }
0x78: {  	_ =	shalt  }
0x79: {  	_ =	shalt  }
0x7a: {  	_ =	shalt  }
0x7b: {  	_ =	shalt  }
0x7c: {  	_ =	shalt  }
0x7d: {  	_ =	shalt  }
0x7e: {  	_ =	shalt  }
0x7f: {  	_ =	shalt  }
0x80: {  	_ =	shalt  }
0x81: {  	_ =	shalt  }
0x82: {  	_ =	shalt  }
0x83: {  	_ =	shalt  }
0x84: {  	_ =	shalt  }
0x85: {  	_ =	shalt  }
0x86: {  	_ =	shalt  }
0x87: {  	_ =	shalt  }
.Lfunc_end0:
.L_simem_size_0:
called_computation.1_lowered:
.L_overlay_start_0:
0x88: {  	s2 =	sld [smem:$0x3FD9]  }
0x89: {  	s3 =	sld [smem:$0x3FFE];
	_ =	sdelay $0x1  }
0x8a: {  	s1 =	srdreg.scid  }
0x8b: {  	s0 =	sand.u32 $0x1, s1  }
0x8c: {  	s17 =	sshll.u32 s0, $0xA;
	s2 =	sadd.s32 s3, s2  }
0x8d: {  	s2 =	sadd.s32 s2, s17  }
0x8e: {  	[smem:$0x3FC4] =	sst s2  }
0x8f: {  	_ = 	snop  }
0x90: {  	(tm) =	ssettm $0x1  }
0x91: {  	s18 =	sld [smem:$0x3FFB];
	_ =	sdelay $0x3  }
0x92: {  	_ =	strace s18  }
0x93: {  	s2 =	sld [smem:$0x3FFC];
	_ =	sdelay $0x3  }
0x94: {  	_ =	strace s2  }
0x95: {  	s2 =	sld [smem:$0x3FFD];
	_ =	sdelay $0x3  }
0x96: {  	_ =	strace s2  }
0x97: {  	_ =	strace $0x8FFFFFFF  }
0x98: {  	s19 =	sld [smem:$0x3FDB];
	_ =	sdelay $0x1  }
0x99: {  	s20 =	simm.s32 $_scs_section_size  }
0x9a: {  	s4 =	simm.s32 $_size__tile_overlayer_lowered;
	s5 =	simm.s32 $_tile_overlayer_lowered  }
0x9b: {  	s6 =	simm.s32 $0x1BFF;
	s21 =	sshll.u32 s5, $0x1;
	s3 =	sadd.s32 s20, s19  }
0x9c: {  	s22 =	simm.s32 $0x0;
	s4 =	sshll.u32 s4, $0x1;
	s5 =	sadd.s32 s21, s3  }
0x9d: {  	[timem:s22], [sflag:s6] =	dma.local [hbm:s5], s4  }
0x9e: {  	_ =	swait.ge [sflag:s6], s4  }
0x9f: {  	s4 =	ssub.s32 $0x0, s4;
	[sflag:s6] =	ssyncset.done $0x0  }
0xa0: {  	[sflag:s6] =	ssyncadd.s32 s4;
	_ =	sdelay $0x1  }
0xa1: {  	s23 =	simm.s32 $0x1B8B  }
0xa2: {  	_ =	swait.ge [sflag:s23], $0x1  }
0xa3: {  	[sflag:s23] =	ssyncset.done $0x0  }
0xa4: {  	[sflag:s23] =	ssyncadd.s32 $0xFFFFFFFF  }
0xa5: {  	s4 =	sld [smem:$0x0]  }
0xa6: {  	s5 =	sand.u32 $0xFFFFFFFE, s1  }
0xa7: {  	p0 =	sne.s32 s1, s5  }
0xa8: {  	s5 =	sshll.u32 @p0 s5, $0xE  }
0xa9: {  	s5 =	sadd.s32 @p0 $0x11B8D, s5;
	s6 =	sshll.u32 @p0 s4, $0x11  }
0xaa: {  	s5 =	sor.u32 @p0 s6, s5  }
0xab: {  	[sflag:s5] =	ssyncadd.remote.s32 @p0 $0x1;
	_ =	sdelay $0x1  }
0xac: {  	s5 =	simm.s32 @p0 $0x1B8D  }
0xad: {  	_ =	swait.eq @p0 [sflag:s5], $0x1  }
0xae: {  	[sflag:s5] =	ssyncadd.s32 @p0 $0xFFFFFFFF  }
0xaf: {  	s6 =	sshll.u32 @!p0 s1, $0xE  }
0xb0: {  	s6 =	sor.u32 @!p0 $0x4000, s6;
	s5 =	simm.s32 @!p0 $0x1B8D  }
0xb1: {  	s4 =	sshll.u32 @!p0 s4, $0x11;
	s6 =	sadd.s32 @!p0 $0x11B8D, s6;
	_ =	swait.eq @!p0 [sflag:s5], $0x1  }
0xb2: {  	s4 =	sor.u32 @!p0 s4, s6;
	[sflag:s5] =	ssyncadd.s32 @!p0 $0xFFFFFFFF  }
0xb3: {  	s25 =	simm.s32 $0x1B8E;
	s24 =	sld [smem:$0x3FFE];
	[sflag:s4] =	ssyncadd.remote.s32 @!p0 $0x1  }
0xb4: {  	s26 =	simm.s32 $execute0_lowered;
	[smem:$0x3FD2] =	sst s25  }
0xb5: {  	s5 =	sshll.u32 s26, $0x1;
	_ =	strace $0x80000049;
	[dreg:$0x1] =	wrdreg $0xFFFFFFFF  }
0xb6: {  	s28 =	simm.s32 $_size_execute0_lowered;
	s3 =	sadd.s32 s3, s5;
	[dreg:$0x0] =	wrdreg $0x0  }
0xb7: {  	s5 =	sshll.u32 s28, $0x1;
	[dreg:$0x2] =	wrdreg s3  }
0xb8: {  	[dreg:$0x3] =	wrdreg s5  }
0xb9: {  	[dreg:$0x4] =	wrdreg $0xC0  }
0xba: {  	_ =	task [dreg:s22], $0x5FFFF  }
0xbb: {  	[dreg:$0x1] =	wrdreg $0xFFFFFFFF  }
0xbc: {  	[dreg:$0x0] =	wrdreg $0x60  }
0xbd: {  	[dreg:$0x2] =	wrdreg s24  }
0xbe: {  	[dreg:$0x3] =	wrdreg $0xA  }
0xbf: {  	_ =	task.clear_ibuf [dreg:s22], $0x4FFFF;
	_ =	strace $0x90000049  }
0xc0: {  	s29 =	simm.s32 $0xA;
	_ =	strace $0x8000004B  }
0xc1: {  	_ =	swait.ge [sflag:s29], $0x1  }
0xc2: {  	[sflag:s29] =	ssyncadd.s32 $0xFFFFFFFF  }
0xc3: {  	_ =	strace $0x9000004B  }
0xc4: {  	_ =	sfence  }
0xc5: {  	s30 =	sld [smem:$0x0];
	_ =	sdelay $0x2  }
0xc6: {  	s31 =	sshll.u32 s1, $0xD;
	s1 =	sshrl.u32 s1, $0x2  }
0xc7: {  	s4 =	sand.u32 $0x4000, s31;
	s1 =	sadd.s32 s1, s30  }
0xc8: {  	s0 =	sor.u32 s4, s0;
	s1 =	sshll.u32 s1, $0x11  }
0xc9: {  	s0 =	sor.u32 s1, s0  }
0xca: {  	s0 =	sadd.s32 $0x8F2B, s0  }
0xcb: {  	[sflag:s0] =	ssyncadd.remote.s32 $0x1  }
0xcc: {  	_ =	sfence.sel $0xFFFF  }
0xcd: {  	[dreg:$0x0] =	wrdreg $0xFFFFFFFF;
	(pc) =	sbr.abs _section_cstart, $3  }
0xce: {  	[dreg:$0x1] =	wrdreg $0xFFFFFFFF  }
0xcf: {  	_ =	task.clear_ibuf [dreg:s22], $0x2FFFF;
	_ =	strace $0x9FFFFFFF  }
0xd0: {  	(tm) =	ssettm $0x7FFFFFFF  }
0xd1: {  	_ =	shalt  }
tec
execute0_lowered:
.L_overlay_start_1:
0x0: {  	(tag) =	ssettag $0x1  }
0x1: {  	s0 =	srdreg.scid  }
0x2: {  	s1 =	stileid.u32;
	s4 =	rddreg [dreg:$0x0];
	s2 =	simm.s32 $0x0  }
0x3: {  	s30 =	simm.s32 $0x9;
	s0 =	sand.u32 $0x1, s0;
	s1 =	sshll.u32 s1, $0x1  }
0x4: {  	s13 =	simm.s32 $0x80;
	s15 =	simm.s32 $0x2680;
	s1 =	sor.u32 s0, s1  }
0x5: {  	s31 =	simm.s32 $0x100;
	s14 =	simm.s32 $0x4680;
	s3 =	smul.u32 $0x680, s1  }
0x6: {  	s8 =	simm.s32 $0x1;
	s29 =	simm.s32 $0x180;
	s1 =	smul.u32 $0x1A000, s1  }
0x7: {  	s12 =	simm.s32 $0x6680;
	s9 =	simm.s32 $0x5;
	s3 =	sshrl.u32 s3, $0x3  }
0x8: {  	s28 =	simm.s32 $0x200;
	s1 =	sshrl.u32 s1, $0x3;
	s3 =	sadd.s32 s4, s3  }
0x9: {  	[smem:$0x7FF] =	sst s2;
	s1 =	sadd.s32 s1, s4;
	s3 =	sadd.s32 $0x19A00, s3  }
0xa: {  	_ =	strace $0x8000004A;
	s16 =	sadd.s32 $0x1E400, s1;
	[dreg:$0x2] =	wrdreg s3  }
0xb: {  	s10 =	simm.s32 $0x6;
	s17 =	sadd.s32 $0x1B400, s1;
	[dreg:$0x3] =	wrdreg s16  }
0xc: {  	s11 =	simm.s32 $0x7;
	s18 =	sadd.s32 $0x1B800, s1;
	[dreg:$0x4] =	wrdreg s17  }
0xd: {  	s6 =	simm.s32 $0x8;
	s19 =	sadd.s32 $0x1BC00, s1;
	[dreg:$0x5] =	wrdreg s18  }
0xe: {  	p0 =	por $0x0, $0x0;
	s20 =	sadd.s32 $0x1C000, s1;
	[dreg:$0x6] =	wrdreg s19  }
0xf: {  	s0 =	ssub.s32 $0x2, s0;
	s21 =	sadd.s32 $0x1C400, s1;
	[dreg:$0x7] =	wrdreg s20  }
0x10: {  	s24 =	sshrl.u32 s0, $0x1;
	s5 =	sadd.s32 $0x1C800, s1;
	[dreg:$0x8] =	wrdreg s21  }
0x11: {  	s0 =	ssub.s32 s0, s24;
	s22 =	sadd.s32 $0x1CC00, s1;
	[dreg:$0x9] =	wrdreg s5  }
0x12: {  	s24 =	simm.s32 $0x380;
	s23 =	sadd.s32 $0x1D000, s1;
	[dreg:$0xa] =	wrdreg s22  }
0x13: {  	s0 =	smax.u32 s0, $0x1;
	s25 =	sadd.s32 $0x1D400, s1;
	[dreg:$0xb] =	wrdreg s23  }
0x14: {  	p1 =	sne.s32 s0, $0x1;
	s26 =	sadd.s32 $0x1D800, s1;
	[dreg:$0xc] =	wrdreg s25  }
0x15: {  	s7 =	sadd.s32 $0x1DC00, s1;
	s3 =	sadd.s32 $0x1A1E00, s4;
	[dreg:$0xd] =	wrdreg s26  }
.Ltmp0:
0x16: {  	s5 =	sadd.s32 $0x1E000, s1;
	s4 =	simm.s32 $0x680;
	(pc) =	sbr.rel @!p1 .LBB2_3-.Ltmp0, $4  }
0x17: {  	s18 =	simm.s32 $0x2;
	s17 =	simm.s32 $0x3;
	s26 =	simm.s32 $0x280  }
0x18: {  	s16 =	simm.s32 $0x4;
	s25 =	simm.s32 $0x300;
	s1 =	sadd.s32 $0xFFFFFFFF, s0  }
0x19: {  	s23 =	simm.s32 $0x400;
	s22 =	simm.s32 $0x480;
	s21 =	simm.s32 $0x500  }
0x1a: {  	s20 =	simm.s32 $0x580;
	s19 =	simm.s32 $0x600;
	s0 =	rddreg [dreg:$0x2]  }
0x1b: {  	[tilespmem:s2], [sflag:$0x9] =	stream.linear.gather [hbm4b:s0+s2], $0x680, $0x38;
	[tilespmem:$0x8680] =	vst v63  }
0x1c: {  	_ =	swait.ge [sflag:s30], $0x680  }
0x1d: {  	[sflag:s30] =	ssyncset.done $0x0  }
0x1e: {  	[sflag:s30] =	ssyncadd.s32 $0xFFFFF980  }
0x1f: {  	[tilespmem:s4], [sflag:$0x1] =	stream.indirect.gather [hbm4b:s3+s13], $0x40, s2, s13, $0xb8;
	[tilespmem:$0x8680] =	vst v63  }
0x20: {  	_ = 	snop  }
0x21: {  	[tilespmem:s15], [sflag:$0x2] =	stream.indirect.gather [hbm4b:s3+s13], $0x40, s13, s13, $0xb8;
	[tilespmem:$0x8680] =	vst v63  }
0x22: {  	_ = 	snop  }
0x23: {  	[tilespmem:s14], [sflag:$0x3] =	stream.indirect.gather [hbm4b:s3+s13], $0x40, s31, s13, $0xb8;
	[tilespmem:$0x8680] =	vst v63  }
0x24: {  	_ =	swait.ge [sflag:s8], $0x2000  }
0x25: {  	[sflag:s8] =	ssyncset.done $0x0  }
0x26: {  	s0 =	rddreg [dreg:$0x4];
	[sflag:s8] =	ssyncadd.s32 $0xFFFFE000  }
0x27: {  	[hbm4b:s0+s2] =	stream.linear.scatter [tilespmem:s4], [sflag:$0x5], $0x2000, $0x38;
	[tilespmem:$0x8680] =	vst v63  }
0x28: {  	_ = 	snop  }
0x29: {  	[tilespmem:s12], [sflag:$0x4] =	stream.indirect.gather [hbm4b:s3+s13], $0x40, s29, s13, $0xb8;
	[tilespmem:$0x8680] =	vst v63  }
0x2a: {  	_ =	swait.ge [sflag:s18], $0x2000  }
0x2b: {  	[sflag:s18] =	ssyncset.done $0x0  }
0x2c: {  	s0 =	rddreg [dreg:$0x5];
	[sflag:s18] =	ssyncadd.s32 $0xFFFFE000  }
0x2d: {  	[hbm4b:s0+s2] =	stream.linear.scatter [tilespmem:s15], [sflag:$0x6], $0x2000, $0x38;
	[tilespmem:$0x8680] =	vst v63  }
0x2e: {  	_ =	swait.ge [sflag:s9], $0x2000  }
0x2f: {  	[sflag:s9] =	ssyncset.done $0x0  }
0x30: {  	[sflag:s9] =	ssyncadd.s32 $0xFFFFE000  }
0x31: {  	[tilespmem:s4], [sflag:$0x1] =	stream.indirect.gather [hbm4b:s3+s13], $0x40, s28, s13, $0xb8;
	[tilespmem:$0x8680] =	vst v63  }
0x32: {  	_ =	swait.ge [sflag:s17], $0x2000  }
0x33: {  	[sflag:s17] =	ssyncset.done $0x0  }
0x34: {  	s0 =	rddreg [dreg:$0x6];
	[sflag:s17] =	ssyncadd.s32 $0xFFFFE000  }
0x35: {  	[hbm4b:s0+s2] =	stream.linear.scatter [tilespmem:s14], [sflag:$0x7], $0x2000, $0x38;
	[tilespmem:$0x8680] =	vst v63  }
0x36: {  	_ =	swait.ge [sflag:s10], $0x2000  }
0x37: {  	[sflag:s10] =	ssyncset.done $0x0  }
0x38: {  	[sflag:s10] =	ssyncadd.s32 $0xFFFFE000  }
0x39: {  	[tilespmem:s15], [sflag:$0x2] =	stream.indirect.gather [hbm4b:s3+s13], $0x40, s26, s13, $0xb8;
	[tilespmem:$0x8680] =	vst v63  }
0x3a: {  	_ =	swait.ge [sflag:s16], $0x2000  }
0x3b: {  	[sflag:s16] =	ssyncset.done $0x0  }
0x3c: {  	s0 =	rddreg [dreg:$0x7];
	[sflag:s16] =	ssyncadd.s32 $0xFFFFE000  }
0x3d: {  	[hbm4b:s0+s2] =	stream.linear.scatter [tilespmem:s12], [sflag:$0x8], $0x2000, $0x38;
	[tilespmem:$0x8680] =	vst v63  }
0x3e: {  	_ =	swait.ge [sflag:s11], $0x2000  }
0x3f: {  	[sflag:s11] =	ssyncset.done $0x0  }
0x40: {  	[sflag:s11] =	ssyncadd.s32 $0xFFFFE000  }
0x41: {  	[tilespmem:s14], [sflag:$0x3] =	stream.indirect.gather [hbm4b:s3+s13], $0x40, s25, s13, $0xb8;
	[tilespmem:$0x8680] =	vst v63  }
0x42: {  	_ =	swait.ge [sflag:s8], $0x2000  }
0x43: {  	[sflag:s8] =	ssyncset.done $0x0  }
0x44: {  	s0 =	rddreg [dreg:$0x8];
	[sflag:s8] =	ssyncadd.s32 $0xFFFFE000  }
0x45: {  	[hbm4b:s0+s2] =	stream.linear.scatter [tilespmem:s4], [sflag:$0x5], $0x2000, $0x38;
	[tilespmem:$0x8680] =	vst v63  }
0x46: {  	_ =	swait.ge [sflag:s6], $0x2000  }
0x47: {  	[sflag:s6] =	ssyncset.done $0x0  }
0x48: {  	[sflag:s6] =	ssyncadd.s32 $0xFFFFE000  }
0x49: {  	[tilespmem:s12], [sflag:$0x4] =	stream.indirect.gather [hbm4b:s3+s13], $0x40, s24, s13, $0xb8;
	[tilespmem:$0x8680] =	vst v63  }
0x4a: {  	_ =	swait.ge [sflag:s18], $0x2000  }
0x4b: {  	[sflag:s18] =	ssyncset.done $0x0  }
0x4c: {  	s0 =	rddreg [dreg:$0x9];
	[sflag:s18] =	ssyncadd.s32 $0xFFFFE000  }
0x4d: {  	[hbm4b:s0+s2] =	stream.linear.scatter [tilespmem:s15], [sflag:$0x6], $0x2000, $0x38;
	[tilespmem:$0x8680] =	vst v63  }
0x4e: {  	_ =	swait.ge [sflag:s9], $0x2000  }
0x4f: {  	[sflag:s9] =	ssyncset.done $0x0  }
0x50: {  	[sflag:s9] =	ssyncadd.s32 $0xFFFFE000  }
0x51: {  	[tilespmem:s4], [sflag:$0x1] =	stream.indirect.gather [hbm4b:s3+s13], $0x40, s23, s13, $0xb8;
	[tilespmem:$0x8680] =	vst v63  }
0x52: {  	_ =	swait.ge [sflag:s17], $0x2000  }
0x53: {  	[sflag:s17] =	ssyncset.done $0x0  }
0x54: {  	s0 =	rddreg [dreg:$0xa];
	[sflag:s17] =	ssyncadd.s32 $0xFFFFE000  }
0x55: {  	[hbm4b:s0+s2] =	stream.linear.scatter [tilespmem:s14], [sflag:$0x7], $0x2000, $0x38;
	[tilespmem:$0x8680] =	vst v63  }
0x56: {  	_ =	swait.ge [sflag:s10], $0x2000  }
0x57: {  	[sflag:s10] =	ssyncset.done $0x0  }
0x58: {  	[sflag:s10] =	ssyncadd.s32 $0xFFFFE000  }
0x59: {  	[tilespmem:s15], [sflag:$0x2] =	stream.indirect.gather [hbm4b:s3+s13], $0x40, s22, s13, $0xb8;
	[tilespmem:$0x8680] =	vst v63  }
0x5a: {  	_ =	swait.ge [sflag:s16], $0x2000  }
0x5b: {  	[sflag:s16] =	ssyncset.done $0x0  }
0x5c: {  	s0 =	rddreg [dreg:$0xb];
	[sflag:s16] =	ssyncadd.s32 $0xFFFFE000  }
0x5d: {  	[hbm4b:s0+s2] =	stream.linear.scatter [tilespmem:s12], [sflag:$0x8], $0x2000, $0x38;
	[tilespmem:$0x8680] =	vst v63  }
0x5e: {  	_ =	swait.ge [sflag:s11], $0x2000  }
0x5f: {  	[sflag:s11] =	ssyncset.done $0x0  }
0x60: {  	[sflag:s11] =	ssyncadd.s32 $0xFFFFE000  }
0x61: {  	[tilespmem:s14], [sflag:$0x3] =	stream.indirect.gather [hbm4b:s3+s13], $0x40, s21, s13, $0xb8;
	[tilespmem:$0x8680] =	vst v63  }
0x62: {  	_ =	swait.ge [sflag:s8], $0x2000  }
0x63: {  	[sflag:s8] =	ssyncset.done $0x0  }
0x64: {  	s0 =	rddreg [dreg:$0xc];
	[sflag:s8] =	ssyncadd.s32 $0xFFFFE000  }
0x65: {  	[hbm4b:s0+s2] =	stream.linear.scatter [tilespmem:s4], [sflag:$0x5], $0x2000, $0x38;
	[tilespmem:$0x8680] =	vst v63  }
0x66: {  	_ =	swait.ge [sflag:s6], $0x2000  }
0x67: {  	[sflag:s6] =	ssyncset.done $0x0  }
0x68: {  	[sflag:s6] =	ssyncadd.s32 $0xFFFFE000  }
0x69: {  	[tilespmem:s12], [sflag:$0x4] =	stream.indirect.gather [hbm4b:s3+s13], $0x40, s20, s13, $0xb8;
	[tilespmem:$0x8680] =	vst v63  }
0x6a: {  	_ =	swait.ge [sflag:s18], $0x2000  }
0x6b: {  	[sflag:s18] =	ssyncset.done $0x0  }
0x6c: {  	s0 =	rddreg [dreg:$0xd];
	[sflag:s18] =	ssyncadd.s32 $0xFFFFE000  }
0x6d: {  	[hbm4b:s0+s2] =	stream.linear.scatter [tilespmem:s15], [sflag:$0x6], $0x2000, $0x38;
	[tilespmem:$0x8680] =	vst v63  }
0x6e: {  	_ =	swait.ge [sflag:s9], $0x2000  }
0x6f: {  	[sflag:s9] =	ssyncset.done $0x0  }
0x70: {  	[sflag:s9] =	ssyncadd.s32 $0xFFFFE000  }
0x71: {  	[tilespmem:s4], [sflag:$0x1] =	stream.indirect.gather [hbm4b:s3+s13], $0x40, s19, s13, $0xb8;
	[tilespmem:$0x8680] =	vst v63  }
0x72: {  	_ =	swait.ge [sflag:s17], $0x2000  }
0x73: {  	[sflag:s17] =	ssyncset.done $0x0  }
0x74: {  	[sflag:s17] =	ssyncadd.s32 $0xFFFFE000  }
0x75: {  	[hbm4b:s7+s2] =	stream.linear.scatter [tilespmem:s14], [sflag:$0x7], $0x2000, $0x38;
	[tilespmem:$0x8680] =	vst v63  }
0x76: {  	_ =	swait.ge [sflag:s16], $0x2000  }
0x77: {  	[sflag:s16] =	ssyncset.done $0x0  }
0x78: {  	[sflag:s16] =	ssyncadd.s32 $0xFFFFE000  }
0x79: {  	[hbm4b:s5+s2] =	stream.linear.scatter [tilespmem:s12], [sflag:$0x8], $0x2000, $0x38;
	[tilespmem:$0x8680] =	vst v63  }
0x7a: {  	_ =	swait.ge [sflag:s8], $0x2000  }
0x7b: {  	[sflag:s8] =	ssyncset.done $0x0  }
0x7c: {  	s0 =	rddreg [dreg:$0x3];
	[sflag:s8] =	ssyncadd.s32 $0xFFFFE000  }
0x7d: {  	[hbm4b:s0+s2] =	stream.linear.scatter [tilespmem:s4], [sflag:$0x5], $0x2000, $0x38;
	[tilespmem:$0x8680] =	vst v63  }
0x7e: {  	_ =	swait.ge [sflag:s9], $0x2000  }
0x7f: {  	[sflag:s9] =	ssyncset.done $0x0  }
0x80: {  	[sflag:s9] =	ssyncadd.s32 $0xFFFFE000  }
0x81: {  	_ =	swait.ge [sflag:s10], $0x2000  }
0x82: {  	[sflag:s10] =	ssyncset.done $0x0  }
0x83: {  	p1 =	sne.s32 s1, $0x1;
	[sflag:s10] =	ssyncadd.s32 $0xFFFFE000  }
.Ltmp1:
0x84: {  	_ =	swait.ge [sflag:s11], $0x2000;
	(pc) =	sbr.rel @!p1 .LBB2_3-.Ltmp1, $4  }
0x85: {  	[sflag:s11] =	ssyncset.done $0x0  }
0x86: {  	[sflag:s11] =	ssyncadd.s32 $0xFFFFE000  }
0x87: {  	s1 =	sadd.s32 $0xFFFFFFFF, s1;
	_ =	swait.ge [sflag:s6], $0x2000  }
0x88: {  	p0 =	por $0x1, $0x1;
	s0 =	rddreg [dreg:$0x2];
	[sflag:s6] =	ssyncset.done $0x0  }
.LBB2_2:
0x89: {  	[sflag:s6] =	ssyncadd.s32 $0xFFFFE000  }
0x8a: {  	[tilespmem:s2], [sflag:$0x9] =	stream.linear.gather [hbm4b:s0+s2], $0x680, $0x38;
	[tilespmem:$0x8680] =	vst v63  }
0x8b: {  	_ =	swait.ge [sflag:s30], $0x680  }
0x8c: {  	[sflag:s30] =	ssyncset.done $0x0  }
0x8d: {  	[sflag:s30] =	ssyncadd.s32 $0xFFFFF980  }
0x8e: {  	[tilespmem:s4], [sflag:$0x1] =	stream.indirect.gather [hbm4b:s3+s13], $0x40, s2, s13, $0xb8;
	[tilespmem:$0x8680] =	vst v63  }
0x8f: {  	_ = 	snop  }
0x90: {  	[tilespmem:s15], [sflag:$0x2] =	stream.indirect.gather [hbm4b:s3+s13], $0x40, s13, s13, $0xb8;
	[tilespmem:$0x8680] =	vst v63  }
0x91: {  	_ = 	snop  }
0x92: {  	[tilespmem:s14], [sflag:$0x3] =	stream.indirect.gather [hbm4b:s3+s13], $0x40, s31, s13, $0xb8;
	[tilespmem:$0x8680] =	vst v63  }
0x93: {  	_ =	swait.ge [sflag:s8], $0x2000  }
0x94: {  	[sflag:s8] =	ssyncset.done $0x0  }
0x95: {  	s0 =	rddreg [dreg:$0x4];
	[sflag:s8] =	ssyncadd.s32 $0xFFFFE000  }
0x96: {  	[hbm4b:s0+s2] =	stream.linear.scatter [tilespmem:s4], [sflag:$0x5], $0x2000, $0x38;
	[tilespmem:$0x8680] =	vst v63  }
0x97: {  	_ = 	snop  }
0x98: {  	[tilespmem:s12], [sflag:$0x4] =	stream.indirect.gather [hbm4b:s3+s13], $0x40, s29, s13, $0xb8;
	[tilespmem:$0x8680] =	vst v63  }
0x99: {  	_ =	swait.ge [sflag:s18], $0x2000  }
0x9a: {  	[sflag:s18] =	ssyncset.done $0x0  }
0x9b: {  	s0 =	rddreg [dreg:$0x5];
	[sflag:s18] =	ssyncadd.s32 $0xFFFFE000  }
0x9c: {  	[hbm4b:s0+s2] =	stream.linear.scatter [tilespmem:s15], [sflag:$0x6], $0x2000, $0x38;
	[tilespmem:$0x8680] =	vst v63  }
0x9d: {  	_ =	swait.ge [sflag:s9], $0x2000  }
0x9e: {  	[sflag:s9] =	ssyncset.done $0x0  }
0x9f: {  	[sflag:s9] =	ssyncadd.s32 $0xFFFFE000  }
0xa0: {  	[tilespmem:s4], [sflag:$0x1] =	stream.indirect.gather [hbm4b:s3+s13], $0x40, s28, s13, $0xb8;
	[tilespmem:$0x8680] =	vst v63  }
0xa1: {  	_ =	swait.ge [sflag:s17], $0x2000  }
0xa2: {  	[sflag:s17] =	ssyncset.done $0x0  }
0xa3: {  	s0 =	rddreg [dreg:$0x6];
	[sflag:s17] =	ssyncadd.s32 $0xFFFFE000  }
0xa4: {  	[hbm4b:s0+s2] =	stream.linear.scatter [tilespmem:s14], [sflag:$0x7], $0x2000, $0x38;
	[tilespmem:$0x8680] =	vst v63  }
0xa5: {  	_ =	swait.ge [sflag:s10], $0x2000  }
0xa6: {  	[sflag:s10] =	ssyncset.done $0x0  }
0xa7: {  	[sflag:s10] =	ssyncadd.s32 $0xFFFFE000  }
0xa8: {  	[tilespmem:s15], [sflag:$0x2] =	stream.indirect.gather [hbm4b:s3+s13], $0x40, s26, s13, $0xb8;
	[tilespmem:$0x8680] =	vst v63  }
0xa9: {  	_ =	swait.ge [sflag:s16], $0x2000  }
0xaa: {  	[sflag:s16] =	ssyncset.done $0x0  }
0xab: {  	s0 =	rddreg [dreg:$0x7];
	[sflag:s16] =	ssyncadd.s32 $0xFFFFE000  }
0xac: {  	[hbm4b:s0+s2] =	stream.linear.scatter [tilespmem:s12], [sflag:$0x8], $0x2000, $0x38;
	[tilespmem:$0x8680] =	vst v63  }
0xad: {  	_ =	swait.ge [sflag:s11], $0x2000  }
0xae: {  	[sflag:s11] =	ssyncset.done $0x0  }
0xaf: {  	[sflag:s11] =	ssyncadd.s32 $0xFFFFE000  }
0xb0: {  	[tilespmem:s14], [sflag:$0x3] =	stream.indirect.gather [hbm4b:s3+s13], $0x40, s25, s13, $0xb8;
	[tilespmem:$0x8680] =	vst v63  }
0xb1: {  	_ =	swait.ge [sflag:s8], $0x2000  }
0xb2: {  	[sflag:s8] =	ssyncset.done $0x0  }
0xb3: {  	s0 =	rddreg [dreg:$0x8];
	[sflag:s8] =	ssyncadd.s32 $0xFFFFE000  }
0xb4: {  	[hbm4b:s0+s2] =	stream.linear.scatter [tilespmem:s4], [sflag:$0x5], $0x2000, $0x38;
	[tilespmem:$0x8680] =	vst v63  }
0xb5: {  	_ =	swait.ge [sflag:s6], $0x2000  }
0xb6: {  	[sflag:s6] =	ssyncset.done $0x0  }
0xb7: {  	[sflag:s6] =	ssyncadd.s32 $0xFFFFE000  }
0xb8: {  	[tilespmem:s12], [sflag:$0x4] =	stream.indirect.gather [hbm4b:s3+s13], $0x40, s24, s13, $0xb8;
	[tilespmem:$0x8680] =	vst v63  }
0xb9: {  	_ =	swait.ge [sflag:s18], $0x2000  }
0xba: {  	[sflag:s18] =	ssyncset.done $0x0  }
0xbb: {  	s0 =	rddreg [dreg:$0x9];
	[sflag:s18] =	ssyncadd.s32 $0xFFFFE000  }
0xbc: {  	[hbm4b:s0+s2] =	stream.linear.scatter [tilespmem:s15], [sflag:$0x6], $0x2000, $0x38;
	[tilespmem:$0x8680] =	vst v63  }
0xbd: {  	_ =	swait.ge [sflag:s9], $0x2000  }
0xbe: {  	[sflag:s9] =	ssyncset.done $0x0  }
0xbf: {  	[sflag:s9] =	ssyncadd.s32 $0xFFFFE000  }
0xc0: {  	[tilespmem:s4], [sflag:$0x1] =	stream.indirect.gather [hbm4b:s3+s13], $0x40, s23, s13, $0xb8;
	[tilespmem:$0x8680] =	vst v63  }
0xc1: {  	_ =	swait.ge [sflag:s17], $0x2000  }
0xc2: {  	[sflag:s17] =	ssyncset.done $0x0  }
0xc3: {  	s0 =	rddreg [dreg:$0xa];
	[sflag:s17] =	ssyncadd.s32 $0xFFFFE000  }
0xc4: {  	[hbm4b:s0+s2] =	stream.linear.scatter [tilespmem:s14], [sflag:$0x7], $0x2000, $0x38;
	[tilespmem:$0x8680] =	vst v63  }
0xc5: {  	_ =	swait.ge [sflag:s10], $0x2000  }
0xc6: {  	[sflag:s10] =	ssyncset.done $0x0  }
0xc7: {  	[sflag:s10] =	ssyncadd.s32 $0xFFFFE000  }
0xc8: {  	[tilespmem:s15], [sflag:$0x2] =	stream.indirect.gather [hbm4b:s3+s13], $0x40, s22, s13, $0xb8;
	[tilespmem:$0x8680] =	vst v63  }
0xc9: {  	_ =	swait.ge [sflag:s16], $0x2000  }
0xca: {  	[sflag:s16] =	ssyncset.done $0x0  }
0xcb: {  	s0 =	rddreg [dreg:$0xb];
	[sflag:s16] =	ssyncadd.s32 $0xFFFFE000  }
0xcc: {  	[hbm4b:s0+s2] =	stream.linear.scatter [tilespmem:s12], [sflag:$0x8], $0x2000, $0x38;
	[tilespmem:$0x8680] =	vst v63  }
0xcd: {  	_ =	swait.ge [sflag:s11], $0x2000  }
0xce: {  	[sflag:s11] =	ssyncset.done $0x0  }
0xcf: {  	[sflag:s11] =	ssyncadd.s32 $0xFFFFE000  }
0xd0: {  	[tilespmem:s14], [sflag:$0x3] =	stream.indirect.gather [hbm4b:s3+s13], $0x40, s21, s13, $0xb8;
	[tilespmem:$0x8680] =	vst v63  }
0xd1: {  	_ =	swait.ge [sflag:s8], $0x2000  }
0xd2: {  	[sflag:s8] =	ssyncset.done $0x0  }
0xd3: {  	s0 =	rddreg [dreg:$0xc];
	[sflag:s8] =	ssyncadd.s32 $0xFFFFE000  }
0xd4: {  	[hbm4b:s0+s2] =	stream.linear.scatter [tilespmem:s4], [sflag:$0x5], $0x2000, $0x38;
	[tilespmem:$0x8680] =	vst v63  }
0xd5: {  	_ =	swait.ge [sflag:s6], $0x2000  }
0xd6: {  	[sflag:s6] =	ssyncset.done $0x0  }
0xd7: {  	[sflag:s6] =	ssyncadd.s32 $0xFFFFE000  }
0xd8: {  	[tilespmem:s12], [sflag:$0x4] =	stream.indirect.gather [hbm4b:s3+s13], $0x40, s20, s13, $0xb8;
	[tilespmem:$0x8680] =	vst v63  }
0xd9: {  	_ =	swait.ge [sflag:s18], $0x2000  }
0xda: {  	[sflag:s18] =	ssyncset.done $0x0  }
0xdb: {  	s0 =	rddreg [dreg:$0xd];
	[sflag:s18] =	ssyncadd.s32 $0xFFFFE000  }
0xdc: {  	[hbm4b:s0+s2] =	stream.linear.scatter [tilespmem:s15], [sflag:$0x6], $0x2000, $0x38;
	[tilespmem:$0x8680] =	vst v63  }
0xdd: {  	_ =	swait.ge [sflag:s9], $0x2000  }
0xde: {  	[sflag:s9] =	ssyncset.done $0x0  }
0xdf: {  	[sflag:s9] =	ssyncadd.s32 $0xFFFFE000  }
0xe0: {  	[tilespmem:s4], [sflag:$0x1] =	stream.indirect.gather [hbm4b:s3+s13], $0x40, s19, s13, $0xb8;
	[tilespmem:$0x8680] =	vst v63  }
0xe1: {  	_ =	swait.ge [sflag:s17], $0x2000  }
0xe2: {  	[sflag:s17] =	ssyncset.done $0x0  }
0xe3: {  	[sflag:s17] =	ssyncadd.s32 $0xFFFFE000  }
0xe4: {  	[hbm4b:s7+s2] =	stream.linear.scatter [tilespmem:s14], [sflag:$0x7], $0x2000, $0x38;
	[tilespmem:$0x8680] =	vst v63  }
0xe5: {  	_ =	swait.ge [sflag:s16], $0x2000  }
0xe6: {  	[sflag:s16] =	ssyncset.done $0x0  }
0xe7: {  	[sflag:s16] =	ssyncadd.s32 $0xFFFFE000  }
0xe8: {  	[hbm4b:s5+s2] =	stream.linear.scatter [tilespmem:s12], [sflag:$0x8], $0x2000, $0x38;
	[tilespmem:$0x8680] =	vst v63  }
0xe9: {  	_ =	swait.ge [sflag:s8], $0x2000  }
0xea: {  	[sflag:s8] =	ssyncset.done $0x0  }
0xeb: {  	s0 =	rddreg [dreg:$0x3];
	[sflag:s8] =	ssyncadd.s32 $0xFFFFE000  }
0xec: {  	[hbm4b:s0+s2] =	stream.linear.scatter [tilespmem:s4], [sflag:$0x5], $0x2000, $0x38;
	[tilespmem:$0x8680] =	vst v63  }
0xed: {  	_ =	swait.ge [sflag:s9], $0x2000  }
0xee: {  	[sflag:s9] =	ssyncset.done $0x0  }
0xef: {  	[sflag:s9] =	ssyncadd.s32 $0xFFFFE000  }
0xf0: {  	_ =	swait.ge [sflag:s10], $0x2000  }
0xf1: {  	[sflag:s10] =	ssyncset.done $0x0  }
0xf2: {  	p1 =	sne.s32 s1, $0x1;
	[sflag:s10] =	ssyncadd.s32 $0xFFFFE000  }
.Ltmp2:
0xf3: {  	_ =	swait.ge [sflag:s11], $0x2000;
	(pc) =	sbr.rel @p1 .LBB2_2-.Ltmp2, $4  }
0xf4: {  	[sflag:s11] =	ssyncset.done $0x0  }
0xf5: {  	[sflag:s11] =	ssyncadd.s32 $0xFFFFE000  }
0xf6: {  	_ =	swait.ge [sflag:s6], $0x2000  }
0xf7: {  	s1 =	sadd.s32 $0xFFFFFFFF, s1;
	s0 =	rddreg [dreg:$0x2];
	[sflag:s6] =	ssyncset.done $0x0  }
.LBB2_3:
0xf8: {  	[sflag:s6] =	ssyncadd.s32 @p0 $0xFFFFE000  }
0xf9: {  	[tilespmem:s2], [sflag:$0x9] =	stream.linear.gather [hbm4b:s0+s2], $0x680, $0x38;
	[tilespmem:$0x8680] =	vst v63  }
0xfa: {  	_ =	swait.ge [sflag:s30], $0x680  }
0xfb: {  	[sflag:s30] =	ssyncset.done $0x0  }
0xfc: {  	[sflag:s30] =	ssyncadd.s32 $0xFFFFF980  }
0xfd: {  	[tilespmem:s4], [sflag:$0x1] =	stream.indirect.gather [hbm4b:s3+s13], $0x40, s2, s13, $0xb8;
	[tilespmem:$0x8680] =	vst v63  }
0xfe: {  	_ = 	snop  }
0xff: {  	[tilespmem:s15], [sflag:$0x2] =	stream.indirect.gather [hbm4b:s3+s13], $0x40, s13, s13, $0xb8;
	[tilespmem:$0x8680] =	vst v63  }
0x100: {  	_ = 	snop  }
0x101: {  	[tilespmem:s14], [sflag:$0x3] =	stream.indirect.gather [hbm4b:s3+s13], $0x40, s31, s13, $0xb8;
	[tilespmem:$0x8680] =	vst v63  }
0x102: {  	_ =	swait.ge [sflag:s8], $0x2000  }
0x103: {  	[sflag:s8] =	ssyncset.done $0x0  }
0x104: {  	s1 =	rddreg [dreg:$0x4];
	[sflag:s8] =	ssyncadd.s32 $0xFFFFE000  }
0x105: {  	[hbm4b:s1+s2] =	stream.linear.scatter [tilespmem:s4], [sflag:$0x5], $0x2000, $0x38;
	[tilespmem:$0x8680] =	vst v63  }
0x106: {  	_ = 	snop  }
0x107: {  	[tilespmem:s12], [sflag:$0x4] =	stream.indirect.gather [hbm4b:s3+s13], $0x40, s29, s13, $0xb8;
	[tilespmem:$0x8680] =	vst v63  }
0x108: {  	_ =	swait.ge [sflag:s18], $0x2000  }
0x109: {  	[sflag:s18] =	ssyncset.done $0x0  }
0x10a: {  	s29 =	rddreg [dreg:$0x5];
	[sflag:s18] =	ssyncadd.s32 $0xFFFFE000  }
0x10b: {  	[hbm4b:s29+s2] =	stream.linear.scatter [tilespmem:s15], [sflag:$0x6], $0x2000, $0x38;
	[tilespmem:$0x8680] =	vst v63  }
0x10c: {  	_ =	swait.ge [sflag:s9], $0x2000  }
0x10d: {  	[sflag:s9] =	ssyncset.done $0x0  }
0x10e: {  	[sflag:s9] =	ssyncadd.s32 $0xFFFFE000  }
0x10f: {  	[tilespmem:s4], [sflag:$0x1] =	stream.indirect.gather [hbm4b:s3+s13], $0x40, s28, s13, $0xb8;
	[tilespmem:$0x8680] =	vst v63  }
0x110: {  	_ =	swait.ge [sflag:s17], $0x2000  }
0x111: {  	[sflag:s17] =	ssyncset.done $0x0  }
0x112: {  	s30 =	rddreg [dreg:$0x6];
	[sflag:s17] =	ssyncadd.s32 $0xFFFFE000  }
0x113: {  	[hbm4b:s30+s2] =	stream.linear.scatter [tilespmem:s14], [sflag:$0x7], $0x2000, $0x38;
	[tilespmem:$0x8680] =	vst v63  }
0x114: {  	_ =	swait.ge [sflag:s10], $0x2000  }
0x115: {  	[sflag:s10] =	ssyncset.done $0x0  }
0x116: {  	[sflag:s10] =	ssyncadd.s32 $0xFFFFE000  }
0x117: {  	[tilespmem:s15], [sflag:$0x2] =	stream.indirect.gather [hbm4b:s3+s13], $0x40, s26, s13, $0xb8;
	[tilespmem:$0x8680] =	vst v63  }
0x118: {  	_ =	swait.ge [sflag:s16], $0x2000  }
0x119: {  	[sflag:s16] =	ssyncset.done $0x0  }
0x11a: {  	s31 =	rddreg [dreg:$0x7];
	[sflag:s16] =	ssyncadd.s32 $0xFFFFE000  }
0x11b: {  	[hbm4b:s31+s2] =	stream.linear.scatter [tilespmem:s12], [sflag:$0x8], $0x2000, $0x38;
	[tilespmem:$0x8680] =	vst v63  }
0x11c: {  	_ =	swait.ge [sflag:s11], $0x2000  }
0x11d: {  	[sflag:s11] =	ssyncset.done $0x0  }
0x11e: {  	[sflag:s11] =	ssyncadd.s32 $0xFFFFE000  }
0x11f: {  	[tilespmem:s14], [sflag:$0x3] =	stream.indirect.gather [hbm4b:s3+s13], $0x40, s25, s13, $0xb8;
	[tilespmem:$0x8680] =	vst v63  }
0x120: {  	_ =	swait.ge [sflag:s8], $0x2000  }
0x121: {  	[sflag:s8] =	ssyncset.done $0x0  }
0x122: {  	s1 =	rddreg [dreg:$0x8];
	[sflag:s8] =	ssyncadd.s32 $0xFFFFE000  }
0x123: {  	[hbm4b:s1+s2] =	stream.linear.scatter [tilespmem:s4], [sflag:$0x5], $0x2000, $0x38;
	[tilespmem:$0x8680] =	vst v63  }
0x124: {  	_ =	swait.ge [sflag:s6], $0x2000  }
0x125: {  	[sflag:s6] =	ssyncset.done $0x0  }
0x126: {  	[sflag:s6] =	ssyncadd.s32 $0xFFFFE000  }
0x127: {  	[tilespmem:s12], [sflag:$0x4] =	stream.indirect.gather [hbm4b:s3+s13], $0x40, s24, s13, $0xb8;
	[tilespmem:$0x8680] =	vst v63  }
0x128: {  	_ =	swait.ge [sflag:s18], $0x2000  }
0x129: {  	[sflag:s18] =	ssyncset.done $0x0  }
0x12a: {  	s24 =	rddreg [dreg:$0x9];
	[sflag:s18] =	ssyncadd.s32 $0xFFFFE000  }
0x12b: {  	[hbm4b:s24+s2] =	stream.linear.scatter [tilespmem:s15], [sflag:$0x6], $0x2000, $0x38;
	[tilespmem:$0x8680] =	vst v63  }
0x12c: {  	_ =	swait.ge [sflag:s9], $0x2000  }
0x12d: {  	[sflag:s9] =	ssyncset.done $0x0  }
0x12e: {  	[sflag:s9] =	ssyncadd.s32 $0xFFFFE000  }
0x12f: {  	[tilespmem:s4], [sflag:$0x1] =	stream.indirect.gather [hbm4b:s3+s13], $0x40, s23, s13, $0xb8;
	[tilespmem:$0x8680] =	vst v63  }
0x130: {  	_ =	swait.ge [sflag:s17], $0x2000  }
0x131: {  	[sflag:s17] =	ssyncset.done $0x0  }
0x132: {  	s25 =	rddreg [dreg:$0xa];
	[sflag:s17] =	ssyncadd.s32 $0xFFFFE000  }
0x133: {  	[hbm4b:s25+s2] =	stream.linear.scatter [tilespmem:s14], [sflag:$0x7], $0x2000, $0x38;
	[tilespmem:$0x8680] =	vst v63  }
0x134: {  	_ =	swait.ge [sflag:s10], $0x2000  }
0x135: {  	[sflag:s10] =	ssyncset.done $0x0  }
0x136: {  	[sflag:s10] =	ssyncadd.s32 $0xFFFFE000  }
0x137: {  	[tilespmem:s15], [sflag:$0x2] =	stream.indirect.gather [hbm4b:s3+s13], $0x40, s22, s13, $0xb8;
	[tilespmem:$0x8680] =	vst v63  }
0x138: {  	_ =	swait.ge [sflag:s16], $0x2000  }
0x139: {  	[sflag:s16] =	ssyncset.done $0x0  }
0x13a: {  	s26 =	rddreg [dreg:$0xb];
	[sflag:s16] =	ssyncadd.s32 $0xFFFFE000  }
0x13b: {  	[hbm4b:s26+s2] =	stream.linear.scatter [tilespmem:s12], [sflag:$0x8], $0x2000, $0x38;
	[tilespmem:$0x8680] =	vst v63  }
0x13c: {  	_ =	swait.ge [sflag:s11], $0x2000  }
0x13d: {  	[sflag:s11] =	ssyncset.done $0x0  }
0x13e: {  	[sflag:s11] =	ssyncadd.s32 $0xFFFFE000  }
0x13f: {  	[tilespmem:s14], [sflag:$0x3] =	stream.indirect.gather [hbm4b:s3+s13], $0x40, s21, s13, $0xb8;
	[tilespmem:$0x8680] =	vst v63  }
0x140: {  	_ =	swait.ge [sflag:s8], $0x2000  }
0x141: {  	[sflag:s8] =	ssyncset.done $0x0  }
0x142: {  	s28 =	rddreg [dreg:$0xc];
	[sflag:s8] =	ssyncadd.s32 $0xFFFFE000  }
0x143: {  	[hbm4b:s28+s2] =	stream.linear.scatter [tilespmem:s4], [sflag:$0x5], $0x2000, $0x38;
	[tilespmem:$0x8680] =	vst v63  }
0x144: {  	_ =	swait.ge [sflag:s6], $0x2000  }
0x145: {  	[sflag:s6] =	ssyncset.done $0x0  }
0x146: {  	[sflag:s6] =	ssyncadd.s32 $0xFFFFE000  }
0x147: {  	[tilespmem:s12], [sflag:$0x4] =	stream.indirect.gather [hbm4b:s3+s13], $0x40, s20, s13, $0xb8;
	[tilespmem:$0x8680] =	vst v63  }
0x148: {  	_ =	swait.ge [sflag:s18], $0x2000  }
0x149: {  	[sflag:s18] =	ssyncset.done $0x0  }
0x14a: {  	s29 =	rddreg [dreg:$0xd];
	[sflag:s18] =	ssyncadd.s32 $0xFFFFE000  }
0x14b: {  	[hbm4b:s29+s2] =	stream.linear.scatter [tilespmem:s15], [sflag:$0x6], $0x2000, $0x38;
	[tilespmem:$0x8680] =	vst v63  }
0x14c: {  	_ =	swait.ge [sflag:s9], $0x2000  }
0x14d: {  	[sflag:s9] =	ssyncset.done $0x0  }
0x14e: {  	[sflag:s9] =	ssyncadd.s32 $0xFFFFE000  }
0x14f: {  	[tilespmem:s4], [sflag:$0x1] =	stream.indirect.gather [hbm4b:s3+s13], $0x40, s19, s13, $0xb8;
	[tilespmem:$0x8680] =	vst v63  }
0x150: {  	_ =	swait.ge [sflag:s17], $0x2000  }
0x151: {  	[sflag:s17] =	ssyncset.done $0x0  }
0x152: {  	[sflag:s17] =	ssyncadd.s32 $0xFFFFE000  }
0x153: {  	[hbm4b:s7+s2] =	stream.linear.scatter [tilespmem:s14], [sflag:$0x7], $0x2000, $0x38;
	[tilespmem:$0x8680] =	vst v63  }
0x154: {  	_ =	swait.ge [sflag:s16], $0x2000  }
0x155: {  	[sflag:s16] =	ssyncset.done $0x0  }
0x156: {  	[sflag:s16] =	ssyncadd.s32 $0xFFFFE000  }
0x157: {  	[hbm4b:s5+s2] =	stream.linear.scatter [tilespmem:s12], [sflag:$0x8], $0x2000, $0x38;
	[tilespmem:$0x8680] =	vst v63  }
0x158: {  	_ =	swait.ge [sflag:s8], $0x2000  }
0x159: {  	[sflag:s8] =	ssyncset.done $0x0  }
0x15a: {  	s30 =	rddreg [dreg:$0x3];
	[sflag:s8] =	ssyncadd.s32 $0xFFFFE000  }
0x15b: {  	[hbm4b:s30+s2] =	stream.linear.scatter [tilespmem:s4], [sflag:$0x5], $0x2000, $0x38;
	[tilespmem:$0x8680] =	vst v63  }
0x15c: {  	_ =	swait.ge [sflag:s9], $0x2000  }
0x15d: {  	[sflag:s9] =	ssyncset.done $0x0  }
0x15e: {  	[sflag:s9] =	ssyncadd.s32 $0xFFFFE000  }
0x15f: {  	_ =	swait.ge [sflag:s10], $0x2000  }
0x160: {  	[sflag:s10] =	ssyncset.done $0x0  }
0x161: {  	[sflag:s10] =	ssyncadd.s32 $0xFFFFE000  }
0x162: {  	_ =	swait.ge [sflag:s11], $0x2000  }
0x163: {  	[sflag:s11] =	ssyncset.done $0x0  }
0x164: {  	[sflag:s11] =	ssyncadd.s32 $0xFFFFE000  }
0x165: {  	_ =	swait.ge [sflag:s6], $0x2000  }
0x166: {  	[sflag:s6] =	ssyncset.done $0x0  }
0x167: {  	[sflag:s6] =	ssyncadd.s32 $0xFFFFE000  }
0x168: {  	_ =	sfence.sel $0x180000  }
0x169: {  	[bflag:$0x0] =	sbarrier.arrive $0xFFFF  }
0x16a: {  	_ =	strace $0x9000004A  }
0x16b: {  	s31 =	stileid.u32;
	[bflag:$0x2] =	sbarrier.arrive $0xFFFF  }
0x16c: {  	p0 =	sne.s32 s31, $0x0;
	s0 =	rddreg [dreg:$0x1]  }
0x16d: {  	s0 =	sadd.s32 @!p0 $0x100000, s0  }
0x16e: {  	[sflag:s0] =	ssyncadd.tile.s32 @!p0 $0x1;
	_ =	shalt  }
.Lfunc_end2:
_tile_overlayer_lowered:
.L_overlay_start_2:
0x16f: {  	(tag) =	ssettag $0x2  }
0x170: {  	s0 =	rddreg [dreg:$0x0];
	s2 =	stileid.u32  }
0x171: {  	s1 =	rddreg [dreg:$0x1];
	p0 =	sne.s32 s2, $0x0  }
0x172: {  	s3 =	rddreg [dreg:$0x2];
	[bflag:$0x3] =	sbarrier.arrive $0xFFFF;
	s2 =	simm.s32 @!p0 $0x1C09  }
0x173: {  	[timem:s3], [sflag:s2] =	dma.local @!p0 [hbm:s0], s1  }
0x174: {  	s0 =	simm.s32 @!p0 $0x9  }
0x175: {  	_ =	swait.ge @!p0 [sflag:s0], s1  }
0x176: {  	s1 =	ssub.s32 @!p0 $0x0, s1;
	[sflag:s0] =	ssyncset.done @!p0 $0x0  }
0x177: {  	[sflag:s0] =	ssyncadd.s32 @!p0 s1  }
0x178: {  	[bflag:$0x3] =	sbarrier.arrive $0xFFFF  }
0x179: {  	_ =	shalt  }

</sc_bundles>
